<compile_context>
chip_gen: v7x
topology: tpu7x:2x2x1
jax: 0.10.2.dev20260603
libtpu: 0.0.44.dev20260713+nightly
codegen_flags: <defaults>
</compile_context>

<pallas_src>
import functools

import jax
import jax.numpy as jnp
from jax import lax
from jax.experimental import pallas as pl
from jax.experimental.pallas import tpu as pltpu
from jax.experimental.pallas import tpu_sc as plsc

B, T, A = 64, 4096, 128
HIDDEN = 512
D_TEXT = 768
NEW = 16
FORCED = 8
KEEP_K = 1536
K_OLD = KEEP_K - FORCED
OLD_T = T - NEW
NVREG = T // 16
INF_BITS = 0x7F800000

_NC, _NS = 2, 16
_NW = _NC * _NS
_ROWS_PER_W = B // _NW

GCHUNK = 128
NCHUNK = KEEP_K // GCHUNK


def _gelu(x):
    return 0.5 * x * (1.0 + lax.erf(x * (2.0 ** -0.5)))


def _scores(bank, te, sw1, sb1, sw2, sb2, hw1, hb1, hw2, hb2,
            rwt, rb, off, nrows):
    def body(bank_ref, te_ref, sw1_ref, sb1_ref, sw2_ref, sb2_ref,
             hw1_ref, hb1_ref, hw2_ref, hb2_ref, rwt_ref, rb_ref,
             p_ref, th_ref, pall_ref, g_all, be_all):
        b = pl.program_id(0)

        @pl.when(b == 0)
        def _():
            te = te_ref[...]

            def mlp(w1, b1, w2, b2):
                h = _gelu(jnp.dot(te, w1,
                                  preferred_element_type=jnp.float32) + b1)
                return jnp.dot(h, w2,
                               preferred_element_type=jnp.float32) + b2

            g_all[...] = mlp(sw1_ref[...], sb1_ref[...], sw2_ref[...],
                             sb2_ref[...])
            be_all[...] = mlp(hw1_ref[...], hb1_ref[...], hw2_ref[...],
                              hb2_ref[...])

        x = bank_ref[0]
        g = g_all[pl.ds(b + off, 1), :]
        be = be_all[pl.ds(b + off, 1), :]
        film = x * (1.0 + g) + be
        lT = lax.dot_general(rwt_ref[...], film, (((1,), (1,)), ((), ())),
                             preferred_element_type=jnp.float32)
        l0 = lT[0:1, :] + rb_ref[0, 0]
        l1 = lT[1:2, :] + rb_ref[0, 1]
        m = jnp.maximum(l0, l1)
        e0 = jnp.exp(l0 - m)
        e1 = jnp.exp(l1 - m)
        p = e1 / (e0 + e1)
        p_ref[0, 0, :] = p[0]
        pall_ref[pl.ds(b, 1), :] = p

        @pl.when(b == nrows - 1)
        def _():
            bits = lax.bitcast_convert_type(pall_ref[...], jnp.int32)
            col = lax.broadcasted_iota(jnp.int32, (nrows, T), 1)
            obits = jnp.where(col < OLD_T, bits, -1)
            nbits = jnp.where(col >= OLD_T, bits, -1)
            th_o, r_o = _search(obits, K_OLD)
            th_n, r_n = _search(nbits, FORCED)
            pad = jnp.zeros((nrows, 12), jnp.int32)
            th_ref[...] = jnp.concatenate([th_o, r_o, th_n, r_n, pad],
                                          axis=1)

    full = lambda *s: pl.BlockSpec(s, lambda b: (0,) * len(s))
    return pl.pallas_call(
        body,
        grid=(nrows,),
        in_specs=[
            pl.BlockSpec((1, T, A), lambda b: (b + off, 0, 0)),
            full(B, D_TEXT),
            full(D_TEXT, HIDDEN), full(1, HIDDEN), full(HIDDEN, A), full(1, A),
            full(D_TEXT, HIDDEN), full(1, HIDDEN), full(HIDDEN, A), full(1, A),
            full(2, A),
            full(1, 2),
        ],
        out_specs=[pl.BlockSpec((1, 1, T), lambda b: (b, 0, 0)),
                   pl.BlockSpec((nrows, 16), lambda b: (0, 0))],
        out_shape=[jax.ShapeDtypeStruct((nrows, 1, T), jnp.float32),
                   jax.ShapeDtypeStruct((nrows, 16), jnp.int32)],
        scratch_shapes=[pltpu.VMEM((nrows, T), jnp.float32),
                        pltpu.VMEM((B, A), jnp.float32),
                        pltpu.VMEM((B, A), jnp.float32)],
    )(bank, te, sw1, sb1, sw2, sb2, hw1, hb1, hw2, hb2, rwt, rb)


def _search(bmat, k):
    nr = bmat.shape[0]
    lo = jnp.zeros((nr, 1), jnp.int32)
    hi = jnp.full((nr, 1), INF_BITS, jnp.int32)

    def it(_, carry):
        lo, hi = carry
        mid = lo + lax.shift_right_logical(hi - lo, 1)
        cnt = jnp.sum((bmat >= mid).astype(jnp.int32), axis=1, keepdims=True)
        ge = cnt >= k
        return (jnp.where(ge, mid, lo), jnp.where(ge, hi, mid))

    lo, hi = lax.fori_loop(0, 31, it, (lo, hi))
    cgt = jnp.sum((bmat > lo).astype(jnp.int32), axis=1, keepdims=True)
    return lo, k - cgt


def _make_sc_body(base_row, rows_per_w):
    return functools.partial(_sc_body, base_row, rows_per_w)


def _sc_body(base_row, rows_per_w, probs_hbm, th_hbm, bank_hbm,
             seltok_hbm, selw_hbm,
             p_buf, th_buf, idx_buf, w_buf, tok0, tok1,
             gsem0, gsem1, wsem0, wsem1):
    wid = lax.axis_index("s") * _NC + lax.axis_index("c")
    lane = lax.iota(jnp.int32, 16)
    toks = (tok0, tok1)
    gsems = (gsem0, gsem1)
    wsems = (wsem0, wsem1)

    for j in range(rows_per_w):
        b = wid * rows_per_w + j
        pltpu.sync_copy(probs_hbm.at[b], p_buf)
        pltpu.sync_copy(th_hbm.at[b], th_buf)
        tv = th_buf[...]
        th_o = jnp.sum(jnp.where(lane == 0, tv, 0))
        r_o = jnp.sum(jnp.where(lane == 1, tv, 0))
        th_n = jnp.sum(jnp.where(lane == 2, tv, 0))
        r_n = jnp.sum(jnp.where(lane == 3, tv, 0))
        base = (b + base_row) * T

        def emit(i, off, tie, th, r):
            pv = p_buf[i]
            bits = plsc.bitcast(pv, jnp.int32)
            gt = bits > th
            eq = bits == th
            eqi = jnp.where(eq, 1, 0).astype(jnp.int32)
            ranks = plsc.cumsum(eqi) + tie
            keep = gt | (eq & (ranks <= r))
            idxv = lane + (base + i * 16)
            plsc.store_compressed(idx_buf.at[pl.ds(off, 16)], idxv, mask=keep)
            plsc.store_compressed(w_buf.at[pl.ds(off, 16)], pv, mask=keep)
            npop = jnp.sum(jnp.where(keep, 1, 0).astype(jnp.int32))
            neq = jnp.sum(eqi)
            return off + npop, tie + neq

        def body(i, carry):
            off, tie = carry
            return emit(i, off, tie, th_o, r_o)

        off, _ = lax.fori_loop(0, NVREG - 1, body,
                               (jnp.int32(0), jnp.int32(0)))
        emit(NVREG - 1, off, jnp.int32(0), th_n, r_n)

        pltpu.sync_copy(w_buf.at[pl.ds(0, KEEP_K)], selw_hbm.at[b])

        ghandles = [None, None]
        whandles = [None, None]

        def gstart(c):
            s = c % 2
            ghandles[s] = pltpu.async_copy(
                bank_hbm.at[idx_buf.at[pl.ds(c * GCHUNK, GCHUNK)]],
                toks[s], gsems[s])

        gstart(0)
        for c in range(NCHUNK):
            s = c % 2
            if c + 1 < NCHUNK:
                if c >= 1:
                    whandles[(c + 1) % 2].wait()
                gstart(c + 1)
            ghandles[s].wait()
            whandles[s] = pltpu.async_copy(
                toks[s], seltok_hbm.at[b, pl.ds(c * GCHUNK, GCHUNK)],
                wsems[s])
        whandles[0].wait()
        whandles[1].wait()


def _sc_select(probs2, th, bank_flat, base_row=0):
    nrows = probs2.shape[0]
    mesh = plsc.VectorSubcoreMesh(core_axis_name="c", subcore_axis_name="s",
                                  num_cores=_NC, num_subcores=_NS)
    f = pl.kernel(
        _make_sc_body(base_row, nrows // _NW),
        out_type=[jax.ShapeDtypeStruct((nrows, KEEP_K, A), jnp.float32),
                  jax.ShapeDtypeStruct((nrows, KEEP_K), jnp.float32)],
        mesh=mesh,
        compiler_params=pltpu.CompilerParams(needs_layout_passes=False),
        scratch_types=[
            pltpu.VMEM((NVREG, 16), jnp.float32),
            pltpu.VMEM((16,), jnp.int32),
            pltpu.VMEM((KEEP_K + 16,), jnp.int32),
            pltpu.VMEM((KEEP_K + 16,), jnp.float32),
            pltpu.VMEM((GCHUNK, A), jnp.float32),
            pltpu.VMEM((GCHUNK, A), jnp.float32),
            pltpu.SemaphoreType.DMA,
            pltpu.SemaphoreType.DMA,
            pltpu.SemaphoreType.DMA,
            pltpu.SemaphoreType.DMA,
        ],
    )
    return f(probs2, th, bank_flat)


TBLK = 1536


def _ffn_body(tok_ref, w_ref, lng_ref, lnb_ref,
              w1_ref, b1_ref, w2_ref, b2_ref, out_ref):
    x = tok_ref[0]
    mu = jnp.mean(x, axis=-1, keepdims=True)
    d = x - mu
    var = jnp.mean(d * d, axis=-1, keepdims=True)
    nrm = d * lax.rsqrt(var + 1e-5) * lng_ref[...] + lnb_ref[...]
    h = _gelu(jnp.dot(nrm.astype(jnp.bfloat16), w1_ref[...],
                      preferred_element_type=jnp.float32) + b1_ref[...])
    o = jnp.dot(h.astype(jnp.bfloat16), w2_ref[...],
                preferred_element_type=jnp.float32) + b2_ref[...]
    wcol = jnp.reshape(w_ref[0], (TBLK, 1))
    out_ref[0] = x + o * wcol


def _ffn(tok3, w3, ln_g, ln_b, w1, b1, w2, b2):
    ngrid = tok3.shape[0]
    return pl.pallas_call(
        _ffn_body,
        grid=(ngrid,),
        in_specs=[
            pl.BlockSpec((1, TBLK, A), lambda g: (g, 0, 0)),
            pl.BlockSpec((1, 1, TBLK), lambda g: (g, 0, 0)),
            pl.BlockSpec((1, A), lambda g: (0, 0)),
            pl.BlockSpec((1, A), lambda g: (0, 0)),
            pl.BlockSpec((A, 4 * A), lambda g: (0, 0)),
            pl.BlockSpec((1, 4 * A), lambda g: (0, 0)),
            pl.BlockSpec((4 * A, A), lambda g: (0, 0)),
            pl.BlockSpec((1, A), lambda g: (0, 0)),
        ],
        out_specs=pl.BlockSpec((1, TBLK, A), lambda g: (g, 0, 0)),
        out_shape=jax.ShapeDtypeStruct((ngrid, TBLK, A), jnp.float32),
    )(tok3, w3, ln_g, ln_b, w1.astype(jnp.bfloat16), b1,
      w2.astype(jnp.bfloat16), b2)


def kernel(new_action, text_embed, scale_w1, scale_b1, scale_w2, scale_b2,
           shift_w1, shift_b1, shift_w2, shift_b2, router_w, router_b,
           ln_g, ln_b, ffn_w1, ffn_b1, ffn_w2, ffn_b2):
    p3, th = _scores(new_action, text_embed,
                     scale_w1, scale_b1.reshape(1, HIDDEN),
                     scale_w2, scale_b2.reshape(1, A),
                     shift_w1, shift_b1.reshape(1, HIDDEN),
                     shift_w2, shift_b2.reshape(1, A),
                     router_w.T, router_b.reshape(1, 2), 0, B)
    sel_tok, sel_w = _sc_select(p3.reshape(B, NVREG, 16), th,
                                new_action.reshape(B * T, A))
    ngrid = B * (KEEP_K // TBLK)
    out = _ffn(sel_tok.reshape(ngrid, TBLK, A),
               sel_w.reshape(ngrid, 1, TBLK),
               ln_g.reshape(1, A), ln_b.reshape(1, A),
               ffn_w1, ffn_b1.reshape(1, 4 * A),
               ffn_w2, ffn_b2.reshape(1, A))
    return out.reshape(B, KEEP_K, A)

# --- scband reference (transcript-rebuilt; emitter-appended) ---
"""Pipeline reference for scband-router-memory-bank-soft-compressor-37469294690888 (READ-ONLY COPY).

The authoritative reference and input builder live on the scoring server;
editing this copy changes nothing except your own understanding.
"""

import jax, jax.numpy as jnp
import numpy as np

B, T, A = 64, 4096, 128
D_TEXT = 768
HIDDEN = 512
MAX_LENGTH = 2048
KEEP = int(0.75 * MAX_LENGTH)


def setup_inputs(seed: int = 0):
    key = jax.random.key(seed)
    ks = jax.random.split(key, 16)
    s = lambda i, shape: jax.random.normal(ks[i], shape, dtype=jnp.float32) * 0.02
    return {
        "new_action": jax.random.normal(ks[0], (B, T, A), dtype=jnp.float32),
        "text_embed": jax.random.normal(ks[1], (B, D_TEXT), dtype=jnp.float32),
        "scale_w1": s(2, (D_TEXT, HIDDEN)), "scale_b1": jnp.zeros((HIDDEN,), jnp.float32),
        "scale_w2": s(3, (HIDDEN, A)), "scale_b2": jnp.zeros((A,), jnp.float32),
        "shift_w1": s(4, (D_TEXT, HIDDEN)), "shift_b1": jnp.zeros((HIDDEN,), jnp.float32),
        "shift_w2": s(5, (HIDDEN, A)), "shift_b2": jnp.zeros((A,), jnp.float32),
        "router_w": s(6, (A, 2)), "router_b": jnp.zeros((2,), jnp.float32),
        "ln_g": jnp.ones((A,), jnp.float32), "ln_b": jnp.zeros((A,), jnp.float32),
        "ffn_w1": s(7, (A, 4 * A)), "ffn_b1": jnp.zeros((4 * A,), jnp.float32),
        "ffn_w2": s(8, (4 * A, A)), "ffn_b2": jnp.zeros((A,), jnp.float32),
    }


def _mlp(x, w1, b1, w2, b2):
    h = jax.nn.gelu(x @ w1 + b1, approximate=False)
    return h @ w2 + b2


def reference(new_action, text_embed, scale_w1, scale_b1, scale_w2, scale_b2,
              shift_w1, shift_b1, shift_w2, shift_b2, router_w, router_b,
              ln_g, ln_b, ffn_w1, ffn_b1, ffn_w2, ffn_b2):
    # update(): memory_bank is None -> bank = new_action; T > max_length -> compress
    bank = new_action
    Bd, Td, Ad = bank.shape
    new_token_count = 16
    forced_keep = min(8, new_token_count)
    keep_k = KEEP
    gamma = _mlp(text_embed, scale_w1, scale_b1, scale_w2, scale_b2)[:, None, :]
    beta = _mlp(text_embed, shift_w1, shift_b1, shift_w2, shift_b2)[:, None, :]
    film = bank * (1.0 + gamma) + beta
    logits = film @ router_w + router_b
    keep_probs = jax.nn.softmax(logits, axis=-1)[:, :, 1]
    new_token_start = Td - new_token_count
    new_scores = keep_probs[:, new_token_start:]
    _, topk_new_local = jax.lax.top_k(new_scores, forced_keep)
    topk_new_global = topk_new_local + new_token_start
    col = jnp.arange(Td)[None, :]
    masked_scores = jnp.where(col >= new_token_start, -jnp.inf, keep_probs)
    _, topk_old = jax.lax.top_k(masked_scores, keep_k - forced_keep)
    topk_indices = jnp.sort(jnp.concatenate([topk_old, topk_new_global], axis=1), axis=1)
    selected_tokens = jnp.take_along_axis(bank, topk_indices[:, :, None], axis=1)
    selected_weights = jnp.take_along_axis(keep_probs, topk_indices, axis=1)
    mu = selected_tokens.mean(-1, keepdims=True)
    var = selected_tokens.var(-1, keepdims=True)
    normed = (selected_tokens - mu) / jnp.sqrt(var + 1e-5) * ln_g + ln_b
    ffn_out = _mlp(normed, ffn_w1, ffn_b1, ffn_w2, ffn_b2)
    gated = ffn_out * selected_weights[:, :, None]
    return selected_tokens + gated

if __name__ == "__main__":
    import jax
    _d = setup_inputs()
    print(jax.jit(kernel)(*tuple(_d.values())))

</pallas_src>

<mosaic_0001>
#map = affine_map<(d0, d1) -> (0, 0, 0)>
#map1 = affine_map<(d0, d1) -> (0, 0)>
module attributes {stable_mosaic.version = 14 : i64} {
  func.func @_sc_body(%arg0: i32, %arg1: i32, %arg2: memref<64x256x16xf32, #tpu.memory_space<hbm>>, %arg3: memref<64x16xi32, #tpu.memory_space<hbm>>, %arg4: memref<262144x128xf32, #tpu.memory_space<hbm>>, %arg5: memref<64x1536x128xf32, #tpu.memory_space<hbm>>, %arg6: memref<64x1536xf32, #tpu.memory_space<hbm>>, %arg7: memref<256x16xf32, #tpu.memory_space<vmem>>, %arg8: memref<16xi32, #tpu.memory_space<vmem>>, %arg9: memref<1552xi32, #tpu.memory_space<vmem>>, %arg10: memref<1552xf32, #tpu.memory_space<vmem>>, %arg11: memref<128x128xf32, #tpu.memory_space<vmem>>, %arg12: memref<128x128xf32, #tpu.memory_space<vmem>>, %arg13: memref<!tpu.dma_semaphore, #tpu.memory_space<semaphore_mem>>, %arg14: memref<!tpu.dma_semaphore, #tpu.memory_space<semaphore_mem>>, %arg15: memref<!tpu.dma_semaphore, #tpu.memory_space<semaphore_mem>>, %arg16: memref<!tpu.dma_semaphore, #tpu.memory_space<semaphore_mem>>) attributes {dimension_semantics = [#tpu.dimension_semantics<core_parallel>, #tpu.dimension_semantics<subcore_parallel>], iteration_bounds = array<i64: 2, 16>, scalar_prefetch = 0 : i64, scratch_operands = 10 : i64, tpu.core_type = #tpu.core_type<sc_vector_subcore>, window_params = [{transform_indices = #map}, {transform_indices = #map1}, {transform_indices = #map1}, {transform_indices = #map}, {transform_indices = #map1}]} {
    %mul3A = arith.constant 2 : i32
    %mul3A_0 = arith.muli %arg1, %mul3A : i32
    %add3A = arith.addi %mul3A_0, %arg0 : i32
    %iota3A = tpu.iota {dimensions = array<i32: 0>} : vector<16xi32>
    %mul3A_1 = arith.constant 2 : i32
    %mul3A_2 = arith.muli %add3A, %mul3A_1 : i32
    %add3A_3 = arith.constant 0 : i32
    %add3A_4 = arith.addi %mul3A_2, %add3A_3 : i32
    "tpu.region"() ({
      %run_scoped3A = tpu.sem_alloc : memref<!tpu.dma_semaphore, #tpu.memory_space<semaphore_mem>>
      %dma_start3A_821 = arith.constant 0 : i32
      %dma_start3A_822 = arith.constant 0 : i32
      %dma_start3A_823 = tpu.memref_slice %arg2[%add3A_4, %dma_start3A_821, %dma_start3A_822] : memref<64x256x16xf32, #tpu.memory_space<hbm>> -> memref<1x256x16xf32, #tpu.memory_space<hbm>>
      %dma_start3A_824 = tpu.memref_squeeze %dma_start3A_823 : memref<1x256x16xf32, #tpu.memory_space<hbm>> -> memref<256x16xf32, #tpu.memory_space<hbm>>
      %dma_start3A_825 = arith.constant 0 : i32
      %dma_start3A_826 = arith.constant 0 : i32
      %dma_start3A_827 = tpu.memref_slice %arg2[%add3A_4, %dma_start3A_825, %dma_start3A_826] : memref<64x256x16xf32, #tpu.memory_space<hbm>> -> memref<1x256x16xf32, #tpu.memory_space<hbm>>
      %dma_start3A_828 = tpu.memref_squeeze %dma_start3A_827 : memref<1x256x16xf32, #tpu.memory_space<hbm>> -> memref<256x16xf32, #tpu.memory_space<hbm>>
      tpu.enqueue_dma source(%dma_start3A_828 : memref<256x16xf32, #tpu.memory_space<hbm>>) target(%arg7 : memref<256x16xf32, #tpu.memory_space<vmem>>) target_semaphore(%run_scoped3A : memref<!tpu.dma_semaphore, #tpu.memory_space<semaphore_mem>>)
      %dma_wait3A_829 = arith.constant 0 : i32
      %dma_wait3A_830 = arith.constant 0 : i32
      %dma_wait3A_831 = tpu.memref_slice %arg2[%add3A_4, %dma_wait3A_829, %dma_wait3A_830] : memref<64x256x16xf32, #tpu.memory_space<hbm>> -> memref<1x256x16xf32, #tpu.memory_space<hbm>>
      %dma_wait3A_832 = tpu.memref_squeeze %dma_wait3A_831 : memref<1x256x16xf32, #tpu.memory_space<hbm>> -> memref<256x16xf32, #tpu.memory_space<hbm>>
      %dma_wait3A_833 = arith.constant 0 : i32
      %dma_wait3A_834 = arith.constant 0 : i32
      %dma_wait3A_835 = tpu.memref_slice %arg2[%add3A_4, %dma_wait3A_833, %dma_wait3A_834] : memref<64x256x16xf32, #tpu.memory_space<hbm>> -> memref<1x256x16xf32, #tpu.memory_space<hbm>>
      %dma_wait3A_836 = tpu.memref_squeeze %dma_wait3A_835 : memref<1x256x16xf32, #tpu.memory_space<hbm>> -> memref<256x16xf32, #tpu.memory_space<hbm>>
      tpu.wait_dma2 semaphore(%run_scoped3A : memref<!tpu.dma_semaphore, #tpu.memory_space<semaphore_mem>>) src(%dma_wait3A_836 : memref<256x16xf32, #tpu.memory_space<hbm>>) dst(%arg7 : memref<256x16xf32, #tpu.memory_space<vmem>>)
      tpu.yield
    }) : () -> ()
    "tpu.region"() ({
      %run_scoped3A = tpu.sem_alloc : memref<!tpu.dma_semaphore, #tpu.memory_space<semaphore_mem>>
      %dma_start3A_821 = arith.constant 0 : i32
      %dma_start3A_822 = tpu.memref_slice %arg3[%add3A_4, %dma_start3A_821] : memref<64x16xi32, #tpu.memory_space<hbm>> -> memref<1x16xi32, #tpu.memory_space<hbm>>
      %dma_start3A_823 = tpu.memref_squeeze %dma_start3A_822 : memref<1x16xi32, #tpu.memory_space<hbm>> -> memref<16xi32, #tpu.memory_space<hbm>>
      %dma_start3A_824 = arith.constant 0 : i32
      %dma_start3A_825 = tpu.memref_slice %arg3[%add3A_4, %dma_start3A_824] : memref<64x16xi32, #tpu.memory_space<hbm>> -> memref<1x16xi32, #tpu.memory_space<hbm>>
      %dma_start3A_826 = tpu.memref_squeeze %dma_start3A_825 : memref<1x16xi32, #tpu.memory_space<hbm>> -> memref<16xi32, #tpu.memory_space<hbm>>
      tpu.enqueue_dma source(%dma_start3A_826 : memref<16xi32, #tpu.memory_space<hbm>>) target(%arg8 : memref<16xi32, #tpu.memory_space<vmem>>) target_semaphore(%run_scoped3A : memref<!tpu.dma_semaphore, #tpu.memory_space<semaphore_mem>>)
      %dma_wait3A_827 = arith.constant 0 : i32
      %dma_wait3A_828 = tpu.memref_slice %arg3[%add3A_4, %dma_wait3A_827] : memref<64x16xi32, #tpu.memory_space<hbm>> -> memref<1x16xi32, #tpu.memory_space<hbm>>
      %dma_wait3A_829 = tpu.memref_squeeze %dma_wait3A_828 : memref<1x16xi32, #tpu.memory_space<hbm>> -> memref<16xi32, #tpu.memory_space<hbm>>
      %dma_wait3A_830 = arith.constant 0 : i32
      %dma_wait3A_831 = tpu.memref_slice %arg3[%add3A_4, %dma_wait3A_830] : memref<64x16xi32, #tpu.memory_space<hbm>> -> memref<1x16xi32, #tpu.memory_space<hbm>>
      %dma_wait3A_832 = tpu.memref_squeeze %dma_wait3A_831 : memref<1x16xi32, #tpu.memory_space<hbm>> -> memref<16xi32, #tpu.memory_space<hbm>>
      tpu.wait_dma2 semaphore(%run_scoped3A : memref<!tpu.dma_semaphore, #tpu.memory_space<semaphore_mem>>) src(%dma_wait3A_832 : memref<16xi32, #tpu.memory_space<hbm>>) dst(%arg8 : memref<16xi32, #tpu.memory_space<vmem>>)
      tpu.yield
    }) : () -> ()
    %get3A = arith.constant 0 : index
    %get3A_5 = tpu.vector_load %arg8[%get3A] {strides = array<i32>} : memref<16xi32, #tpu.memory_space<vmem>>, vector<16xi32>,
    %eq3A = arith.constant 0 : i32
    %eq3A_6 = vector.broadcast %eq3A : i32 to vector<16xi32>
    %eq3A_7 = arith.cmpi eq, %iota3A, %eq3A_6 : vector<16xi32>
    %jit3A = arith.constant 0 : i32
    %broadcast_in_dim3A = vector.broadcast %jit3A : i32 to vector<16xi32>
    %select_n3A = arith.select %eq3A_7, %get3A_5, %broadcast_in_dim3A : vector<16xi1>, vector<16xi32>
    %reduce_sum3A = arith.constant true
    %reduce_sum3A_8 = vector.broadcast %reduce_sum3A : i1 to vector<16xi1>
    %reduce_sum3A_9 = tpu.scan <sum>, %select_n3A masked %reduce_sum3A_8 : vector<16xi32>, vector<16xi1> -> vector<16xi32>
    %reduce_sum3A_10 = vector.extract %reduce_sum3A_9[15] : i32 from vector<16xi32>
    %eq3A_11 = arith.constant 1 : i32
    %eq3A_12 = vector.broadcast %eq3A_11 : i32 to vector<16xi32>
    %eq3A_13 = arith.cmpi eq, %iota3A, %eq3A_12 : vector<16xi32>
    %jit3A_14 = arith.constant 0 : i32
    %broadcast_in_dim3A_15 = vector.broadcast %jit3A_14 : i32 to vector<16xi32>
    %select_n3A_16 = arith.select %eq3A_13, %get3A_5, %broadcast_in_dim3A_15 : vector<16xi1>, vector<16xi32>
    %reduce_sum3A_17 = arith.constant true
    %reduce_sum3A_18 = vector.broadcast %reduce_sum3A_17 : i1 to vector<16xi1>
    %reduce_sum3A_19 = tpu.scan <sum>, %select_n3A_16 masked %reduce_sum3A_18 : vector<16xi32>, vector<16xi1> -> vector<16xi32>
    %reduce_sum3A_20 = vector.extract %reduce_sum3A_19[15] : i32 from vector<16xi32>
    %eq3A_21 = arith.constant 2 : i32
    %eq3A_22 = vector.broadcast %eq3A_21 : i32 to vector<16xi32>
    %eq3A_23 = arith.cmpi eq, %iota3A, %eq3A_22 : vector<16xi32>
    %jit3A_24 = arith.constant 0 : i32
    %broadcast_in_dim3A_25 = vector.broadcast %jit3A_24 : i32 to vector<16xi32>
    %select_n3A_26 = arith.select %eq3A_23, %get3A_5, %broadcast_in_dim3A_25 : vector<16xi1>, vector<16xi32>
    %reduce_sum3A_27 = arith.constant true
    %reduce_sum3A_28 = vector.broadcast %reduce_sum3A_27 : i1 to vector<16xi1>
    %reduce_sum3A_29 = tpu.scan <sum>, %select_n3A_26 masked %reduce_sum3A_28 : vector<16xi32>, vector<16xi1> -> vector<16xi32>
    %reduce_sum3A_30 = vector.extract %reduce_sum3A_29[15] : i32 from vector<16xi32>
    %eq3A_31 = arith.constant 3 : i32
    %eq3A_32 = vector.broadcast %eq3A_31 : i32 to vector<16xi32>
    %eq3A_33 = arith.cmpi eq, %iota3A, %eq3A_32 : vector<16xi32>
    %jit3A_34 = arith.constant 0 : i32
    %broadcast_in_dim3A_35 = vector.broadcast %jit3A_34 : i32 to vector<16xi32>
    %select_n3A_36 = arith.select %eq3A_33, %get3A_5, %broadcast_in_dim3A_35 : vector<16xi1>, vector<16xi32>
    %reduce_sum3A_37 = arith.constant true
    %reduce_sum3A_38 = vector.broadcast %reduce_sum3A_37 : i1 to vector<16xi1>
    %reduce_sum3A_39 = tpu.scan <sum>, %select_n3A_36 masked %reduce_sum3A_38 : vector<16xi32>, vector<16xi1> -> vector<16xi32>
    %reduce_sum3A_40 = vector.extract %reduce_sum3A_39[15] : i32 from vector<16xi32>
    %add3A_41 = arith.constant 0 : i32
    %add3A_42 = arith.addi %add3A_4, %add3A_41 : i32
    %mul3A_43 = arith.constant 4096 : i32
    %mul3A_44 = arith.muli %add3A_42, %mul3A_43 : i32
    %scan3A = arith.constant 0 : i32
    %scan3A_45 = arith.constant 0 : i32
    %scan3A_46 = arith.constant 0 : i32
    %scan3A_47 = arith.constant 255 : i32
    %scan3A_48 = arith.addi %scan3A_46, %scan3A_47 : i32
    %scan3A_49 = arith.constant 1 : i32
    %scan3A_50:2 = scf.for %scan3A_821 = %scan3A_46 to %scan3A_48 step %scan3A_49 iter_args(%scan3A_822 = %scan3A, %scan3A_823 = %scan3A_45) -> (i32, i32)  : i32 {
      %get3A_824 = arith.index_cast %scan3A_821 : i32 to index
      %get3A_825 = arith.constant 0 : index
      %get3A_826 = tpu.vector_load %arg7[%get3A_824, %get3A_825] {strides = array<i32>} : memref<256x16xf32, #tpu.memory_space<vmem>>, vector<16xf32>,
      %bitcast3A_827 = vector.bitcast %get3A_826 : vector<16xf32> to vector<16xi32>
      %gt3A_828 = vector.broadcast %reduce_sum3A_10 : i32 to vector<16xi32>
      %gt3A_829 = arith.cmpi sgt, %bitcast3A_827, %gt3A_828 : vector<16xi32>
      %eq3A_830 = vector.broadcast %reduce_sum3A_10 : i32 to vector<16xi32>
      %eq3A_831 = arith.cmpi eq, %bitcast3A_827, %eq3A_830 : vector<16xi32>
      %jit3A_832 = arith.constant 1 : i32
      %jit3A_833 = arith.constant 0 : i32
      %broadcast_in_dim3A_834 = vector.broadcast %jit3A_832 : i32 to vector<16xi32>
      %broadcast_in_dim3A_835 = vector.broadcast %jit3A_833 : i32 to vector<16xi32>
      %select_n3A_836 = arith.select %eq3A_831, %broadcast_in_dim3A_834, %broadcast_in_dim3A_835 : vector<16xi1>, vector<16xi32>
      %broadcast_in_dim3A_837 = arith.constant true
      %broadcast_in_dim3A_838 = vector.broadcast %broadcast_in_dim3A_837 : i1 to vector<16xi1>
      %masked_cumsum3A_839 = tpu.scan <sum>, %select_n3A_836 masked %broadcast_in_dim3A_838 : vector<16xi32>, vector<16xi1> -> vector<16xi32>
      %add3A_840 = vector.broadcast %scan3A_823 : i32 to vector<16xi32>
      %add3A_841 = arith.addi %masked_cumsum3A_839, %add3A_840 : vector<16xi32>
      %le3A_842 = vector.broadcast %reduce_sum3A_20 : i32 to vector<16xi32>
      %le3A_843 = arith.cmpi sle, %add3A_841, %le3A_842 : vector<16xi32>
      %and3A_844 = arith.andi %eq3A_831, %le3A_843 : vector<16xi1>
      %or3A_845 = arith.ori %gt3A_829, %and3A_844 : vector<16xi1>
      %mul3A_846 = arith.constant 16 : i32
      %mul3A_847 = arith.muli %scan3A_821, %mul3A_846 : i32
      %add3A_848 = arith.addi %mul3A_44, %mul3A_847 : i32
      %add3A_849 = vector.broadcast %add3A_848 : i32 to vector<16xi32>
      %add3A_850 = arith.addi %iota3A, %add3A_849 : vector<16xi32>
      %swap3A_851 = arith.index_cast %scan3A_822 : i32 to index
      %swap3A_852 = tpu.vector_load %arg9[%swap3A_851] masked %or3A_845 {strides = array<i32>} : memref<1552xi32, #tpu.memory_space<vmem>>, vector<16xi32>, vector<16xi1>
      tpu.vector_store %arg9[%swap3A_851], %add3A_850 masked %or3A_845 {strides = array<i32>} : memref<1552xi32, #tpu.memory_space<vmem>>, vector<16xi32>, vector<16xi1>
      %swap3A_853 = arith.index_cast %scan3A_822 : i32 to index
      %swap3A_854 = tpu.vector_load %arg10[%swap3A_853] masked %or3A_845 {strides = array<i32>} : memref<1552xf32, #tpu.memory_space<vmem>>, vector<16xf32>, vector<16xi1>
      tpu.vector_store %arg10[%swap3A_853], %get3A_826 masked %or3A_845 {strides = array<i32>} : memref<1552xf32, #tpu.memory_space<vmem>>, vector<16xf32>, vector<16xi1>
      %jit3A_855 = arith.constant 1 : i32
      %jit3A_856 = arith.constant 0 : i32
      %broadcast_in_dim3A_857 = vector.broadcast %jit3A_855 : i32 to vector<16xi32>
      %broadcast_in_dim3A_858 = vector.broadcast %jit3A_856 : i32 to vector<16xi32>
      %select_n3A_859 = arith.select %or3A_845, %broadcast_in_dim3A_857, %broadcast_in_dim3A_858 : vector<16xi1>, vector<16xi32>
      %reduce_sum3A_860 = arith.constant true
      %reduce_sum3A_861 = vector.broadcast %reduce_sum3A_860 : i1 to vector<16xi1>
      %reduce_sum3A_862 = tpu.scan <sum>, %select_n3A_859 masked %reduce_sum3A_861 : vector<16xi32>, vector<16xi1> -> vector<16xi32>
      %reduce_sum3A_863 = vector.extract %reduce_sum3A_862[15] : i32 from vector<16xi32>
      %reduce_sum3A_864 = arith.constant true
      %reduce_sum3A_865 = vector.broadcast %reduce_sum3A_864 : i1 to vector<16xi1>
      %reduce_sum3A_866 = tpu.scan <sum>, %select_n3A_836 masked %reduce_sum3A_865 : vector<16xi32>, vector<16xi1> -> vector<16xi32>
      %reduce_sum3A_867 = vector.extract %reduce_sum3A_866[15] : i32 from vector<16xi32>
      %add3A_868 = arith.addi %scan3A_822, %reduce_sum3A_863 : i32
      %add3A_869 = arith.addi %scan3A_823, %reduce_sum3A_867 : i32
      scf.yield %add3A_868, %add3A_869 : i32, i32
    }
    %scan3A_51 = arith.constant 255 : i32
    %get3A_52 = arith.constant 255 : i32
    %get3A_53 = arith.index_cast %get3A_52 : i32 to index
    %get3A_54 = arith.constant 0 : index
    %get3A_55 = tpu.vector_load %arg7[%get3A_53, %get3A_54] {strides = array<i32>} : memref<256x16xf32, #tpu.memory_space<vmem>>, vector<16xf32>,
    %bitcast3A = vector.bitcast %get3A_55 : vector<16xf32> to vector<16xi32>
    %gt3A = vector.broadcast %reduce_sum3A_30 : i32 to vector<16xi32>
    %gt3A_56 = arith.cmpi sgt, %bitcast3A, %gt3A : vector<16xi32>
    %eq3A_57 = vector.broadcast %reduce_sum3A_30 : i32 to vector<16xi32>
    %eq3A_58 = arith.cmpi eq, %bitcast3A, %eq3A_57 : vector<16xi32>
    %jit3A_59 = arith.constant 1 : i32
    %jit3A_60 = arith.constant 0 : i32
    %broadcast_in_dim3A_61 = vector.broadcast %jit3A_59 : i32 to vector<16xi32>
    %broadcast_in_dim3A_62 = vector.broadcast %jit3A_60 : i32 to vector<16xi32>
    %select_n3A_63 = arith.select %eq3A_58, %broadcast_in_dim3A_61, %broadcast_in_dim3A_62 : vector<16xi1>, vector<16xi32>
    %broadcast_in_dim3A_64 = arith.constant true
    %broadcast_in_dim3A_65 = vector.broadcast %broadcast_in_dim3A_64 : i1 to vector<16xi1>
    %masked_cumsum3A = tpu.scan <sum>, %select_n3A_63 masked %broadcast_in_dim3A_65 : vector<16xi32>, vector<16xi1> -> vector<16xi32>
    %add3A_66 = arith.constant 0 : i32
    %add3A_67 = vector.broadcast %add3A_66 : i32 to vector<16xi32>
    %add3A_68 = arith.addi %masked_cumsum3A, %add3A_67 : vector<16xi32>
    %le3A = vector.broadcast %reduce_sum3A_40 : i32 to vector<16xi32>
    %le3A_69 = arith.cmpi sle, %add3A_68, %le3A : vector<16xi32>
    %and3A = arith.andi %eq3A_58, %le3A_69 : vector<16xi1>
    %or3A = arith.ori %gt3A_56, %and3A : vector<16xi1>
    %add3A_70 = arith.constant 4080 : i32
    %add3A_71 = arith.addi %mul3A_44, %add3A_70 : i32
    %add3A_72 = vector.broadcast %add3A_71 : i32 to vector<16xi32>
    %add3A_73 = arith.addi %iota3A, %add3A_72 : vector<16xi32>
    %swap3A = arith.index_cast %scan3A_50#0 : i32 to index
    %swap3A_74 = tpu.vector_load %arg9[%swap3A] masked %or3A {strides = array<i32>} : memref<1552xi32, #tpu.memory_space<vmem>>, vector<16xi32>, vector<16xi1>
    tpu.vector_store %arg9[%swap3A], %add3A_73 masked %or3A {strides = array<i32>} : memref<1552xi32, #tpu.memory_space<vmem>>, vector<16xi32>, vector<16xi1>
    %swap3A_75 = arith.index_cast %scan3A_50#0 : i32 to index
    %swap3A_76 = tpu.vector_load %arg10[%swap3A_75] masked %or3A {strides = array<i32>} : memref<1552xf32, #tpu.memory_space<vmem>>, vector<16xf32>, vector<16xi1>
    tpu.vector_store %arg10[%swap3A_75], %get3A_55 masked %or3A {strides = array<i32>} : memref<1552xf32, #tpu.memory_space<vmem>>, vector<16xf32>, vector<16xi1>
    %jit3A_77 = arith.constant 1 : i32
    %jit3A_78 = arith.constant 0 : i32
    %broadcast_in_dim3A_79 = vector.broadcast %jit3A_77 : i32 to vector<16xi32>
    %broadcast_in_dim3A_80 = vector.broadcast %jit3A_78 : i32 to vector<16xi32>
    %select_n3A_81 = arith.select %or3A, %broadcast_in_dim3A_79, %broadcast_in_dim3A_80 : vector<16xi1>, vector<16xi32>
    %reduce_sum3A_82 = arith.constant true
    %reduce_sum3A_83 = vector.broadcast %reduce_sum3A_82 : i1 to vector<16xi1>
    %reduce_sum3A_84 = tpu.scan <sum>, %select_n3A_81 masked %reduce_sum3A_83 : vector<16xi32>, vector<16xi1> -> vector<16xi32>
    %reduce_sum3A_85 = vector.extract %reduce_sum3A_84[15] : i32 from vector<16xi32>
    %reduce_sum3A_86 = arith.constant true
    %reduce_sum3A_87 = vector.broadcast %reduce_sum3A_86 : i1 to vector<16xi1>
    %reduce_sum3A_88 = tpu.scan <sum>, %select_n3A_63 masked %reduce_sum3A_87 : vector<16xi32>, vector<16xi1> -> vector<16xi32>
    %reduce_sum3A_89 = vector.extract %reduce_sum3A_88[15] : i32 from vector<16xi32>
    %add3A_90 = arith.addi %scan3A_50#0, %reduce_sum3A_85 : i32
    %add3A_91 = arith.constant 0 : i32
    %add3A_92 = arith.addi %add3A_91, %reduce_sum3A_89 : i32
    "tpu.region"() ({
      %run_scoped3A = tpu.sem_alloc : memref<!tpu.dma_semaphore, #tpu.memory_space<semaphore_mem>>
      %dma_start3A_821 = arith.constant 0 : i32
      %dma_start3A_822 = tpu.memref_slice %arg10[%dma_start3A_821] : memref<1552xf32, #tpu.memory_space<vmem>> -> memref<1536xf32, #tpu.memory_space<vmem>>
      %dma_start3A_823 = arith.constant 0 : i32
      %dma_start3A_824 = tpu.memref_slice %arg6[%add3A_4, %dma_start3A_823] : memref<64x1536xf32, #tpu.memory_space<hbm>> -> memref<1x1536xf32, #tpu.memory_space<hbm>>
      %dma_start3A_825 = tpu.memref_squeeze %dma_start3A_824 : memref<1x1536xf32, #tpu.memory_space<hbm>> -> memref<1536xf32, #tpu.memory_space<hbm>>
      %dma_start3A_826 = arith.constant 0 : i32
      %dma_start3A_827 = tpu.memref_slice %arg6[%add3A_4, %dma_start3A_826] : memref<64x1536xf32, #tpu.memory_space<hbm>> -> memref<1x1536xf32, #tpu.memory_space<hbm>>
      %dma_start3A_828 = tpu.memref_squeeze %dma_start3A_827 : memref<1x1536xf32, #tpu.memory_space<hbm>> -> memref<1536xf32, #tpu.memory_space<hbm>>
      %dma_start3A_829 = arith.constant 0 : i32
      %dma_start3A_830 = tpu.memref_slice %arg10[%dma_start3A_829] : memref<1552xf32, #tpu.memory_space<vmem>> -> memref<1536xf32, #tpu.memory_space<vmem>>
      tpu.enqueue_dma source(%dma_start3A_830 : memref<1536xf32, #tpu.memory_space<vmem>>) target(%dma_start3A_828 : memref<1536xf32, #tpu.memory_space<hbm>>) target_semaphore(%run_scoped3A : memref<!tpu.dma_semaphore, #tpu.memory_space<semaphore_mem>>)
      %dma_wait3A_831 = arith.constant 0 : i32
      %dma_wait3A_832 = tpu.memref_slice %arg10[%dma_wait3A_831] : memref<1552xf32, #tpu.memory_space<vmem>> -> memref<1536xf32, #tpu.memory_space<vmem>>
      %dma_wait3A_833 = arith.constant 0 : i32
      %dma_wait3A_834 = tpu.memref_slice %arg6[%add3A_4, %dma_wait3A_833] : memref<64x1536xf32, #tpu.memory_space<hbm>> -> memref<1x1536xf32, #tpu.memory_space<hbm>>
      %dma_wait3A_835 = tpu.memref_squeeze %dma_wait3A_834 : memref<1x1536xf32, #tpu.memory_space<hbm>> -> memref<1536xf32, #tpu.memory_space<hbm>>
      %dma_wait3A_836 = arith.constant 0 : i32
      %dma_wait3A_837 = tpu.memref_slice %arg6[%add3A_4, %dma_wait3A_836] : memref<64x1536xf32, #tpu.memory_space<hbm>> -> memref<1x1536xf32, #tpu.memory_space<hbm>>
      %dma_wait3A_838 = tpu.memref_squeeze %dma_wait3A_837 : memref<1x1536xf32, #tpu.memory_space<hbm>> -> memref<1536xf32, #tpu.memory_space<hbm>>
      %dma_wait3A_839 = arith.constant 0 : i32
      %dma_wait3A_840 = tpu.memref_slice %arg10[%dma_wait3A_839] : memref<1552xf32, #tpu.memory_space<vmem>> -> memref<1536xf32, #tpu.memory_space<vmem>>
      tpu.wait_dma2 semaphore(%run_scoped3A : memref<!tpu.dma_semaphore, #tpu.memory_space<semaphore_mem>>) src(%dma_wait3A_840 : memref<1536xf32, #tpu.memory_space<vmem>>) dst(%dma_wait3A_838 : memref<1536xf32, #tpu.memory_space<hbm>>)
      tpu.yield
    }) : () -> ()
    %dma_start3A = arith.constant 0 : i32
    %dma_start3A_93 = tpu.memref_slice %arg9[%dma_start3A] : memref<1552xi32, #tpu.memory_space<vmem>> -> memref<128xi32, #tpu.memory_space<vmem>>
    %dma_start3A_94 = arith.constant 0 : i32
    %dma_start3A_95 = arith.constant 0 : i32
    %dma_start3A_96 = tpu.memref_slice %arg4[%dma_start3A_94, %dma_start3A_95] : memref<262144x128xf32, #tpu.memory_space<hbm>> -> memref<262144x128xf32, #tpu.memory_space<hbm>>
    tpu.enqueue_indirect_dma source(%dma_start3A_96 : memref<262144x128xf32, #tpu.memory_space<hbm>>) target(%arg11 : memref<128x128xf32, #tpu.memory_space<vmem>>) offsets(%dma_start3A_93 : memref<128xi32, #tpu.memory_space<vmem>>) semaphore(%arg13 : memref<!tpu.dma_semaphore, #tpu.memory_space<semaphore_mem>>)
    %dma_start3A_97 = arith.constant 128 : i32
    %dma_start3A_98 = tpu.memref_slice %arg9[%dma_start3A_97] : memref<1552xi32, #tpu.memory_space<vmem>> -> memref<128xi32, #tpu.memory_space<vmem>>
    %dma_start3A_99 = arith.constant 0 : i32
    %dma_start3A_100 = arith.constant 0 : i32
    %dma_start3A_101 = tpu.memref_slice %arg4[%dma_start3A_99, %dma_start3A_100] : memref<262144x128xf32, #tpu.memory_space<hbm>> -> memref<262144x128xf32, #tpu.memory_space<hbm>>
    tpu.enqueue_indirect_dma source(%dma_start3A_101 : memref<262144x128xf32, #tpu.memory_space<hbm>>) target(%arg12 : memref<128x128xf32, #tpu.memory_space<vmem>>) offsets(%dma_start3A_98 : memref<128xi32, #tpu.memory_space<vmem>>) semaphore(%arg14 : memref<!tpu.dma_semaphore, #tpu.memory_space<semaphore_mem>>)
    %dma_wait3A = arith.constant 0 : i32
    %dma_wait3A_102 = tpu.memref_slice %arg9[%dma_wait3A] : memref<1552xi32, #tpu.memory_space<vmem>> -> memref<128xi32, #tpu.memory_space<vmem>>
    %dma_wait3A_103 = arith.constant 0 : i32
    %dma_wait3A_104 = arith.constant 0 : i32
    %dma_wait3A_105 = tpu.memref_slice %arg4[%dma_wait3A_103, %dma_wait3A_104] : memref<262144x128xf32, #tpu.memory_space<hbm>> -> memref<262144x128xf32, #tpu.memory_space<hbm>>
    tpu.wait_indirect_dma semaphore(%arg13 : memref<!tpu.dma_semaphore, #tpu.memory_space<semaphore_mem>>) src(%dma_wait3A_105 : memref<262144x128xf32, #tpu.memory_space<hbm>>) dst(%arg11 : memref<128x128xf32, #tpu.memory_space<vmem>>)
    %dma_start3A_106 = arith.constant 0 : i32
    %dma_start3A_107 = arith.constant 0 : i32
    %dma_start3A_108 = tpu.memref_slice %arg5[%add3A_4, %dma_start3A_106, %dma_start3A_107] : memref<64x1536x128xf32, #tpu.memory_space<hbm>> -> memref<1x128x128xf32, #tpu.memory_space<hbm>>
    %dma_start3A_109 = tpu.memref_squeeze %dma_start3A_108 : memref<1x128x128xf32, #tpu.memory_space<hbm>> -> memref<128x128xf32, #tpu.memory_space<hbm>>
    %dma_start3A_110 = arith.constant 0 : i32
    %dma_start3A_111 = arith.constant 0 : i32
    %dma_start3A_112 = tpu.memref_slice %arg5[%add3A_4, %dma_start3A_110, %dma_start3A_111] : memref<64x1536x128xf32, #tpu.memory_space<hbm>> -> memref<1x128x128xf32, #tpu.memory_space<hbm>>
    %dma_start3A_113 = tpu.memref_squeeze %dma_start3A_112 : memref<1x128x128xf32, #tpu.memory_space<hbm>> -> memref<128x128xf32, #tpu.memory_space<hbm>>
    tpu.enqueue_dma source(%arg11 : memref<128x128xf32, #tpu.memory_space<vmem>>) target(%dma_start3A_113 : memref<128x128xf32, #tpu.memory_space<hbm>>) target_semaphore(%arg15 : memref<!tpu.dma_semaphore, #tpu.memory_space<semaphore_mem>>)
    %dma_wait3A_114 = arith.constant 0 : i32
    %dma_wait3A_115 = arith.constant 0 : i32
    %dma_wait3A_116 = tpu.memref_slice %arg5[%add3A_4, %dma_wait3A_114, %dma_wait3A_115] : memref<64x1536x128xf32, #tpu.memory_space<hbm>> -> memref<1x128x128xf32, #tpu.memory_space<hbm>>
    %dma_wait3A_117 = tpu.memref_squeeze %dma_wait3A_116 : memref<1x128x128xf32, #tpu.memory_space<hbm>> -> memref<128x128xf32, #tpu.memory_space<hbm>>
    %dma_wait3A_118 = arith.constant 0 : i32
    %dma_wait3A_119 = arith.constant 0 : i32
    %dma_wait3A_120 = tpu.memref_slice %arg5[%add3A_4, %dma_wait3A_118, %dma_wait3A_119] : memref<64x1536x128xf32, #tpu.memory_space<hbm>> -> memref<1x128x128xf32, #tpu.memory_space<hbm>>
    %dma_wait3A_121 = tpu.memref_squeeze %dma_wait3A_120 : memref<1x128x128xf32, #tpu.memory_space<hbm>> -> memref<128x128xf32, #tpu.memory_space<hbm>>
    tpu.wait_dma2 semaphore(%arg15 : memref<!tpu.dma_semaphore, #tpu.memory_space<semaphore_mem>>) src(%arg11 : memref<128x128xf32, #tpu.memory_space<vmem>>) dst(%dma_wait3A_121 : memref<128x128xf32, #tpu.memory_space<hbm>>)
    %dma_start3A_122 = arith.constant 256 : i32
    %dma_start3A_123 = tpu.memref_slice %arg9[%dma_start3A_122] : memref<1552xi32, #tpu.memory_space<vmem>> -> memref<128xi32, #tpu.memory_space<vmem>>
    %dma_start3A_124 = arith.constant 0 : i32
    %dma_start3A_125 = arith.constant 0 : i32
    %dma_start3A_126 = tpu.memref_slice %arg4[%dma_start3A_124, %dma_start3A_125] : memref<262144x128xf32, #tpu.memory_space<hbm>> -> memref<262144x128xf32, #tpu.memory_space<hbm>>
    tpu.enqueue_indirect_dma source(%dma_start3A_126 : memref<262144x128xf32, #tpu.memory_space<hbm>>) target(%arg11 : memref<128x128xf32, #tpu.memory_space<vmem>>) offsets(%dma_start3A_123 : memref<128xi32, #tpu.memory_space<vmem>>) semaphore(%arg13 : memref<!tpu.dma_semaphore, #tpu.memory_space<semaphore_mem>>)
    %dma_wait3A_127 = arith.constant 128 : i32
    %dma_wait3A_128 = tpu.memref_slice %arg9[%dma_wait3A_127] : memref<1552xi32, #tpu.memory_space<vmem>> -> memref<128xi32, #tpu.memory_space<vmem>>
    %dma_wait3A_129 = arith.constant 0 : i32
    %dma_wait3A_130 = arith.constant 0 : i32
    %dma_wait3A_131 = tpu.memref_slice %arg4[%dma_wait3A_129, %dma_wait3A_130] : memref<262144x128xf32, #tpu.memory_space<hbm>> -> memref<262144x128xf32, #tpu.memory_space<hbm>>
    tpu.wait_indirect_dma semaphore(%arg14 : memref<!tpu.dma_semaphore, #tpu.memory_space<semaphore_mem>>) src(%dma_wait3A_131 : memref<262144x128xf32, #tpu.memory_space<hbm>>) dst(%arg12 : memref<128x128xf32, #tpu.memory_space<vmem>>)
    %dma_start3A_132 = arith.constant 128 : i32
    %dma_start3A_133 = arith.constant 0 : i32
    %dma_start3A_134 = tpu.memref_slice %arg5[%add3A_4, %dma_start3A_132, %dma_start3A_133] : memref<64x1536x128xf32, #tpu.memory_space<hbm>> -> memref<1x128x128xf32, #tpu.memory_space<hbm>>
    %dma_start3A_135 = tpu.memref_squeeze %dma_start3A_134 : memref<1x128x128xf32, #tpu.memory_space<hbm>> -> memref<128x128xf32, #tpu.memory_space<hbm>>
    %dma_start3A_136 = arith.constant 128 : i32
    %dma_start3A_137 = arith.constant 0 : i32
    %dma_start3A_138 = tpu.memref_slice %arg5[%add3A_4, %dma_start3A_136, %dma_start3A_137] : memref<64x1536x128xf32, #tpu.memory_space<hbm>> -> memref<1x128x128xf32, #tpu.memory_space<hbm>>
    %dma_start3A_139 = tpu.memref_squeeze %dma_start3A_138 : memref<1x128x128xf32, #tpu.memory_space<hbm>> -> memref<128x128xf32, #tpu.memory_space<hbm>>
    tpu.enqueue_dma source(%arg12 : memref<128x128xf32, #tpu.memory_space<vmem>>) target(%dma_start3A_139 : memref<128x128xf32, #tpu.memory_space<hbm>>) target_semaphore(%arg16 : memref<!tpu.dma_semaphore, #tpu.memory_space<semaphore_mem>>)
    %dma_wait3A_140 = arith.constant 128 : i32
    %dma_wait3A_141 = arith.constant 0 : i32
    %dma_wait3A_142 = tpu.memref_slice %arg5[%add3A_4, %dma_wait3A_140, %dma_wait3A_141] : memref<64x1536x128xf32, #tpu.memory_space<hbm>> -> memref<1x128x128xf32, #tpu.memory_space<hbm>>
    %dma_wait3A_143 = tpu.memref_squeeze %dma_wait3A_142 : memref<1x128x128xf32, #tpu.memory_space<hbm>> -> memref<128x128xf32, #tpu.memory_space<hbm>>
    %dma_wait3A_144 = arith.constant 128 : i32
    %dma_wait3A_145 = arith.constant 0 : i32
    %dma_wait3A_146 = tpu.memref_slice %arg5[%add3A_4, %dma_wait3A_144, %dma_wait3A_145] : memref<64x1536x128xf32, #tpu.memory_space<hbm>> -> memref<1x128x128xf32, #tpu.memory_space<hbm>>
    %dma_wait3A_147 = tpu.memref_squeeze %dma_wait3A_146 : memref<1x128x128xf32, #tpu.memory_space<hbm>> -> memref<128x128xf32, #tpu.memory_space<hbm>>
    tpu.wait_dma2 semaphore(%arg16 : memref<!tpu.dma_semaphore, #tpu.memory_space<semaphore_mem>>) src(%arg12 : memref<128x128xf32, #tpu.memory_space<vmem>>) dst(%dma_wait3A_147 : memref<128x128xf32, #tpu.memory_space<hbm>>)
    %dma_start3A_148 = arith.constant 384 : i32
    %dma_start3A_149 = tpu.memref_slice %arg9[%dma_start3A_148] : memref<1552xi32, #tpu.memory_space<vmem>> -> memref<128xi32, #tpu.memory_space<vmem>>
    %dma_start3A_150 = arith.constant 0 : i32
    %dma_start3A_151 = arith.constant 0 : i32
    %dma_start3A_152 = tpu.memref_slice %arg4[%dma_start3A_150, %dma_start3A_151] : memref<262144x128xf32, #tpu.memory_space<hbm>> -> memref<262144x128xf32, #tpu.memory_space<hbm>>
    tpu.enqueue_indirect_dma source(%dma_start3A_152 : memref<262144x128xf32, #tpu.memory_space<hbm>>) target(%arg12 : memref<128x128xf32, #tpu.memory_space<vmem>>) offsets(%dma_start3A_149 : memref<128xi32, #tpu.memory_space<vmem>>) semaphore(%arg14 : memref<!tpu.dma_semaphore, #tpu.memory_space<semaphore_mem>>)
    %dma_wait3A_153 = arith.constant 256 : i32
    %dma_wait3A_154 = tpu.memref_slice %arg9[%dma_wait3A_153] : memref<1552xi32, #tpu.memory_space<vmem>> -> memref<128xi32, #tpu.memory_space<vmem>>
    %dma_wait3A_155 = arith.constant 0 : i32
    %dma_wait3A_156 = arith.constant 0 : i32
    %dma_wait3A_157 = tpu.memref_slice %arg4[%dma_wait3A_155, %dma_wait3A_156] : memref<262144x128xf32, #tpu.memory_space<hbm>> -> memref<262144x128xf32, #tpu.memory_space<hbm>>
    tpu.wait_indirect_dma semaphore(%arg13 : memref<!tpu.dma_semaphore, #tpu.memory_space<semaphore_mem>>) src(%dma_wait3A_157 : memref<262144x128xf32, #tpu.memory_space<hbm>>) dst(%arg11 : memref<128x128xf32, #tpu.memory_space<vmem>>)
    %dma_start3A_158 = arith.constant 256 : i32
    %dma_start3A_159 = arith.constant 0 : i32
    %dma_start3A_160 = tpu.memref_slice %arg5[%add3A_4, %dma_start3A_158, %dma_start3A_159] : memref<64x1536x128xf32, #tpu.memory_space<hbm>> -> memref<1x128x128xf32, #tpu.memory_space<hbm>>
    %dma_start3A_161 = tpu.memref_squeeze %dma_start3A_160 : memref<1x128x128xf32, #tpu.memory_space<hbm>> -> memref<128x128xf32, #tpu.memory_space<hbm>>
    %dma_start3A_162 = arith.constant 256 : i32
    %dma_start3A_163 = arith.constant 0 : i32
    %dma_start3A_164 = tpu.memref_slice %arg5[%add3A_4, %dma_start3A_162, %dma_start3A_163] : memref<64x1536x128xf32, #tpu.memory_space<hbm>> -> memref<1x128x128xf32, #tpu.memory_space<hbm>>
    %dma_start3A_165 = tpu.memref_squeeze %dma_start3A_164 : memref<1x128x128xf32, #tpu.memory_space<hbm>> -> memref<128x128xf32, #tpu.memory_space<hbm>>
    tpu.enqueue_dma source(%arg11 : memref<128x128xf32, #tpu.memory_space<vmem>>) target(%dma_start3A_165 : memref<128x128xf32, #tpu.memory_space<hbm>>) target_semaphore(%arg15 : memref<!tpu.dma_semaphore, #tpu.memory_space<semaphore_mem>>)
    %dma_wait3A_166 = arith.constant 256 : i32
    %dma_wait3A_167 = arith.constant 0 : i32
    %dma_wait3A_168 = tpu.memref_slice %arg5[%add3A_4, %dma_wait3A_166, %dma_wait3A_167] : memref<64x1536x128xf32, #tpu.memory_space<hbm>> -> memref<1x128x128xf32, #tpu.memory_space<hbm>>
    %dma_wait3A_169 = tpu.memref_squeeze %dma_wait3A_168 : memref<1x128x128xf32, #tpu.memory_space<hbm>> -> memref<128x128xf32, #tpu.memory_space<hbm>>
    %dma_wait3A_170 = arith.constant 256 : i32
    %dma_wait3A_171 = arith.constant 0 : i32
    %dma_wait3A_172 = tpu.memref_slice %arg5[%add3A_4, %dma_wait3A_170, %dma_wait3A_171] : memref<64x1536x128xf32, #tpu.memory_space<hbm>> -> memref<1x128x128xf32, #tpu.memory_space<hbm>>
    %dma_wait3A_173 = tpu.memref_squeeze %dma_wait3A_172 : memref<1x128x128xf32, #tpu.memory_space<hbm>> -> memref<128x128xf32, #tpu.memory_space<hbm>>
    tpu.wait_dma2 semaphore(%arg15 : memref<!tpu.dma_semaphore, #tpu.memory_space<semaphore_mem>>) src(%arg11 : memref<128x128xf32, #tpu.memory_space<vmem>>) dst(%dma_wait3A_173 : memref<128x128xf32, #tpu.memory_space<hbm>>)
    %dma_start3A_174 = arith.constant 512 : i32
    %dma_start3A_175 = tpu.memref_slice %arg9[%dma_start3A_174] : memref<1552xi32, #tpu.memory_space<vmem>> -> memref<128xi32, #tpu.memory_space<vmem>>
    %dma_start3A_176 = arith.constant 0 : i32
    %dma_start3A_177 = arith.constant 0 : i32
    %dma_start3A_178 = tpu.memref_slice %arg4[%dma_start3A_176, %dma_start3A_177] : memref<262144x128xf32, #tpu.memory_space<hbm>> -> memref<262144x128xf32, #tpu.memory_space<hbm>>
    tpu.enqueue_indirect_dma source(%dma_start3A_178 : memref<262144x128xf32, #tpu.memory_space<hbm>>) target(%arg11 : memref<128x128xf32, #tpu.memory_space<vmem>>) offsets(%dma_start3A_175 : memref<128xi32, #tpu.memory_space<vmem>>) semaphore(%arg13 : memref<!tpu.dma_semaphore, #tpu.memory_space<semaphore_mem>>)
    %dma_wait3A_179 = arith.constant 384 : i32
    %dma_wait3A_180 = tpu.memref_slice %arg9[%dma_wait3A_179] : memref<1552xi32, #tpu.memory_space<vmem>> -> memref<128xi32, #tpu.memory_space<vmem>>
    %dma_wait3A_181 = arith.constant 0 : i32
    %dma_wait3A_182 = arith.constant 0 : i32
    %dma_wait3A_183 = tpu.memref_slice %arg4[%dma_wait3A_181, %dma_wait3A_182] : memref<262144x128xf32, #tpu.memory_space<hbm>> -> memref<262144x128xf32, #tpu.memory_space<hbm>>
    tpu.wait_indirect_dma semaphore(%arg14 : memref<!tpu.dma_semaphore, #tpu.memory_space<semaphore_mem>>) src(%dma_wait3A_183 : memref<262144x128xf32, #tpu.memory_space<hbm>>) dst(%arg12 : memref<128x128xf32, #tpu.memory_space<vmem>>)
    %dma_start3A_184 = arith.constant 384 : i32
    %dma_start3A_185 = arith.constant 0 : i32
    %dma_start3A_186 = tpu.memref_slice %arg5[%add3A_4, %dma_start3A_184, %dma_start3A_185] : memref<64x1536x128xf32, #tpu.memory_space<hbm>> -> memref<1x128x128xf32, #tpu.memory_space<hbm>>
    %dma_start3A_187 = tpu.memref_squeeze %dma_start3A_186 : memref<1x128x128xf32, #tpu.memory_space<hbm>> -> memref<128x128xf32, #tpu.memory_space<hbm>>
    %dma_start3A_188 = arith.constant 384 : i32
    %dma_start3A_189 = arith.constant 0 : i32
    %dma_start3A_190 = tpu.memref_slice %arg5[%add3A_4, %dma_start3A_188, %dma_start3A_189] : memref<64x1536x128xf32, #tpu.memory_space<hbm>> -> memref<1x128x128xf32, #tpu.memory_space<hbm>>
    %dma_start3A_191 = tpu.memref_squeeze %dma_start3A_190 : memref<1x128x128xf32, #tpu.memory_space<hbm>> -> memref<128x128xf32, #tpu.memory_space<hbm>>
    tpu.enqueue_dma source(%arg12 : memref<128x128xf32, #tpu.memory_space<vmem>>) target(%dma_start3A_191 : memref<128x128xf32, #tpu.memory_space<hbm>>) target_semaphore(%arg16 : memref<!tpu.dma_semaphore, #tpu.memory_space<semaphore_mem>>)
    %dma_wait3A_192 = arith.constant 384 : i32
    %dma_wait3A_193 = arith.constant 0 : i32
    %dma_wait3A_194 = tpu.memref_slice %arg5[%add3A_4, %dma_wait3A_192, %dma_wait3A_193] : memref<64x1536x128xf32, #tpu.memory_space<hbm>> -> memref<1x128x128xf32, #tpu.memory_space<hbm>>
    %dma_wait3A_195 = tpu.memref_squeeze %dma_wait3A_194 : memref<1x128x128xf32, #tpu.memory_space<hbm>> -> memref<128x128xf32, #tpu.memory_space<hbm>>
    %dma_wait3A_196 = arith.constant 384 : i32
    %dma_wait3A_197 = arith.constant 0 : i32
    %dma_wait3A_198 = tpu.memref_slice %arg5[%add3A_4, %dma_wait3A_196, %dma_wait3A_197] : memref<64x1536x128xf32, #tpu.memory_space<hbm>> -> memref<1x128x128xf32, #tpu.memory_space<hbm>>
    %dma_wait3A_199 = tpu.memref_squeeze %dma_wait3A_198 : memref<1x128x128xf32, #tpu.memory_space<hbm>> -> memref<128x128xf32, #tpu.memory_space<hbm>>
    tpu.wait_dma2 semaphore(%arg16 : memref<!tpu.dma_semaphore, #tpu.memory_space<semaphore_mem>>) src(%arg12 : memref<128x128xf32, #tpu.memory_space<vmem>>) dst(%dma_wait3A_199 : memref<128x128xf32, #tpu.memory_space<hbm>>)
    %dma_start3A_200 = arith.constant 640 : i32
    %dma_start3A_201 = tpu.memref_slice %arg9[%dma_start3A_200] : memref<1552xi32, #tpu.memory_space<vmem>> -> memref<128xi32, #tpu.memory_space<vmem>>
    %dma_start3A_202 = arith.constant 0 : i32
    %dma_start3A_203 = arith.constant 0 : i32
    %dma_start3A_204 = tpu.memref_slice %arg4[%dma_start3A_202, %dma_start3A_203] : memref<262144x128xf32, #tpu.memory_space<hbm>> -> memref<262144x128xf32, #tpu.memory_space<hbm>>
    tpu.enqueue_indirect_dma source(%dma_start3A_204 : memref<262144x128xf32, #tpu.memory_space<hbm>>) target(%arg12 : memref<128x128xf32, #tpu.memory_space<vmem>>) offsets(%dma_start3A_201 : memref<128xi32, #tpu.memory_space<vmem>>) semaphore(%arg14 : memref<!tpu.dma_semaphore, #tpu.memory_space<semaphore_mem>>)
    %dma_wait3A_205 = arith.constant 512 : i32
    %dma_wait3A_206 = tpu.memref_slice %arg9[%dma_wait3A_205] : memref<1552xi32, #tpu.memory_space<vmem>> -> memref<128xi32, #tpu.memory_space<vmem>>
    %dma_wait3A_207 = arith.constant 0 : i32
    %dma_wait3A_208 = arith.constant 0 : i32
    %dma_wait3A_209 = tpu.memref_slice %arg4[%dma_wait3A_207, %dma_wait3A_208] : memref<262144x128xf32, #tpu.memory_space<hbm>> -> memref<262144x128xf32, #tpu.memory_space<hbm>>
    tpu.wait_indirect_dma semaphore(%arg13 : memref<!tpu.dma_semaphore, #tpu.memory_space<semaphore_mem>>) src(%dma_wait3A_209 : memref<262144x128xf32, #tpu.memory_space<hbm>>) dst(%arg11 : memref<128x128xf32, #tpu.memory_space<vmem>>)
    %dma_start3A_210 = arith.constant 512 : i32
    %dma_start3A_211 = arith.constant 0 : i32
    %dma_start3A_212 = tpu.memref_slice %arg5[%add3A_4, %dma_start3A_210, %dma_start3A_211] : memref<64x1536x128xf32, #tpu.memory_space<hbm>> -> memref<1x128x128xf32, #tpu.memory_space<hbm>>
    %dma_start3A_213 = tpu.memref_squeeze %dma_start3A_212 : memref<1x128x128xf32, #tpu.memory_space<hbm>> -> memref<128x128xf32, #tpu.memory_space<hbm>>
    %dma_start3A_214 = arith.constant 512 : i32
    %dma_start3A_215 = arith.constant 0 : i32
    %dma_start3A_216 = tpu.memref_slice %arg5[%add3A_4, %dma_start3A_214, %dma_start3A_215] : memref<64x1536x128xf32, #tpu.memory_space<hbm>> -> memref<1x128x128xf32, #tpu.memory_space<hbm>>
    %dma_start3A_217 = tpu.memref_squeeze %dma_start3A_216 : memref<1x128x128xf32, #tpu.memory_space<hbm>> -> memref<128x128xf32, #tpu.memory_space<hbm>>
    tpu.enqueue_dma source(%arg11 : memref<128x128xf32, #tpu.memory_space<vmem>>) target(%dma_start3A_217 : memref<128x128xf32, #tpu.memory_space<hbm>>) target_semaphore(%arg15 : memref<!tpu.dma_semaphore, #tpu.memory_space<semaphore_mem>>)
    %dma_wait3A_218 = arith.constant 512 : i32
    %dma_wait3A_219 = arith.constant 0 : i32
    %dma_wait3A_220 = tpu.memref_slice %arg5[%add3A_4, %dma_wait3A_218, %dma_wait3A_219] : memref<64x1536x128xf32, #tpu.memory_space<hbm>> -> memref<1x128x128xf32, #tpu.memory_space<hbm>>
    %dma_wait3A_221 = tpu.memref_squeeze %dma_wait3A_220 : memref<1x128x128xf32, #tpu.memory_space<hbm>> -> memref<128x128xf32, #tpu.memory_space<hbm>>
    %dma_wait3A_222 = arith.constant 512 : i32
    %dma_wait3A_223 = arith.constant 0 : i32
    %dma_wait3A_224 = tpu.memref_slice %arg5[%add3A_4, %dma_wait3A_222, %dma_wait3A_223] : memref<64x1536x128xf32, #tpu.memory_space<hbm>> -> memref<1x128x128xf32, #tpu.memory_space<hbm>>
    %dma_wait3A_225 = tpu.memref_squeeze %dma_wait3A_224 : memref<1x128x128xf32, #tpu.memory_space<hbm>> -> memref<128x128xf32, #tpu.memory_space<hbm>>
    tpu.wait_dma2 semaphore(%arg15 : memref<!tpu.dma_semaphore, #tpu.memory_space<semaphore_mem>>) src(%arg11 : memref<128x128xf32, #tpu.memory_space<vmem>>) dst(%dma_wait3A_225 : memref<128x128xf32, #tpu.memory_space<hbm>>)
    %dma_start3A_226 = arith.constant 768 : i32
    %dma_start3A_227 = tpu.memref_slice %arg9[%dma_start3A_226] : memref<1552xi32, #tpu.memory_space<vmem>> -> memref<128xi32, #tpu.memory_space<vmem>>
    %dma_start3A_228 = arith.constant 0 : i32
    %dma_start3A_229 = arith.constant 0 : i32
    %dma_start3A_230 = tpu.memref_slice %arg4[%dma_start3A_228, %dma_start3A_229] : memref<262144x128xf32, #tpu.memory_space<hbm>> -> memref<262144x128xf32, #tpu.memory_space<hbm>>
    tpu.enqueue_indirect_dma source(%dma_start3A_230 : memref<262144x128xf32, #tpu.memory_space<hbm>>) target(%arg11 : memref<128x128xf32, #tpu.memory_space<vmem>>) offsets(%dma_start3A_227 : memref<128xi32, #tpu.memory_space<vmem>>) semaphore(%arg13 : memref<!tpu.dma_semaphore, #tpu.memory_space<semaphore_mem>>)
    %dma_wait3A_231 = arith.constant 640 : i32
    %dma_wait3A_232 = tpu.memref_slice %arg9[%dma_wait3A_231] : memref<1552xi32, #tpu.memory_space<vmem>> -> memref<128xi32, #tpu.memory_space<vmem>>
    %dma_wait3A_233 = arith.constant 0 : i32
    %dma_wait3A_234 = arith.constant 0 : i32
    %dma_wait3A_235 = tpu.memref_slice %arg4[%dma_wait3A_233, %dma_wait3A_234] : memref<262144x128xf32, #tpu.memory_space<hbm>> -> memref<262144x128xf32, #tpu.memory_space<hbm>>
    tpu.wait_indirect_dma semaphore(%arg14 : memref<!tpu.dma_semaphore, #tpu.memory_space<semaphore_mem>>) src(%dma_wait3A_235 : memref<262144x128xf32, #tpu.memory_space<hbm>>) dst(%arg12 : memref<128x128xf32, #tpu.memory_space<vmem>>)
    %dma_start3A_236 = arith.constant 640 : i32
    %dma_start3A_237 = arith.constant 0 : i32
    %dma_start3A_238 = tpu.memref_slice %arg5[%add3A_4, %dma_start3A_236, %dma_start3A_237] : memref<64x1536x128xf32, #tpu.memory_space<hbm>> -> memref<1x128x128xf32, #tpu.memory_space<hbm>>
    %dma_start3A_239 = tpu.memref_squeeze %dma_start3A_238 : memref<1x128x128xf32, #tpu.memory_space<hbm>> -> memref<128x128xf32, #tpu.memory_space<hbm>>
    %dma_start3A_240 = arith.constant 640 : i32
    %dma_start3A_241 = arith.constant 0 : i32
    %dma_start3A_242 = tpu.memref_slice %arg5[%add3A_4, %dma_start3A_240, %dma_start3A_241] : memref<64x1536x128xf32, #tpu.memory_space<hbm>> -> memref<1x128x128xf32, #tpu.memory_space<hbm>>
    %dma_start3A_243 = tpu.memref_squeeze %dma_start3A_242 : memref<1x128x128xf32, #tpu.memory_space<hbm>> -> memref<128x128xf32, #tpu.memory_space<hbm>>
    tpu.enqueue_dma source(%arg12 : memref<128x128xf32, #tpu.memory_space<vmem>>) target(%dma_start3A_243 : memref<128x128xf32, #tpu.memory_space<hbm>>) target_semaphore(%arg16 : memref<!tpu.dma_semaphore, #tpu.memory_space<semaphore_mem>>)
    %dma_wait3A_244 = arith.constant 640 : i32
    %dma_wait3A_245 = arith.constant 0 : i32
    %dma_wait3A_246 = tpu.memref_slice %arg5[%add3A_4, %dma_wait3A_244, %dma_wait3A_245] : memref<64x1536x128xf32, #tpu.memory_space<hbm>> -> memref<1x128x128xf32, #tpu.memory_space<hbm>>
    %dma_wait3A_247 = tpu.memref_squeeze %dma_wait3A_246 : memref<1x128x128xf32, #tpu.memory_space<hbm>> -> memref<128x128xf32, #tpu.memory_space<hbm>>
    %dma_wait3A_248 = arith.constant 640 : i32
    %dma_wait3A_249 = arith.constant 0 : i32
    %dma_wait3A_250 = tpu.memref_slice %arg5[%add3A_4, %dma_wait3A_248, %dma_wait3A_249] : memref<64x1536x128xf32, #tpu.memory_space<hbm>> -> memref<1x128x128xf32, #tpu.memory_space<hbm>>
    %dma_wait3A_251 = tpu.memref_squeeze %dma_wait3A_250 : memref<1x128x128xf32, #tpu.memory_space<hbm>> -> memref<128x128xf32, #tpu.memory_space<hbm>>
    tpu.wait_dma2 semaphore(%arg16 : memref<!tpu.dma_semaphore, #tpu.memory_space<semaphore_mem>>) src(%arg12 : memref<128x128xf32, #tpu.memory_space<vmem>>) dst(%dma_wait3A_251 : memref<128x128xf32, #tpu.memory_space<hbm>>)
    %dma_start3A_252 = arith.constant 896 : i32
    %dma_start3A_253 = tpu.memref_slice %arg9[%dma_start3A_252] : memref<1552xi32, #tpu.memory_space<vmem>> -> memref<128xi32, #tpu.memory_space<vmem>>
    %dma_start3A_254 = arith.constant 0 : i32
    %dma_start3A_255 = arith.constant 0 : i32
    %dma_start3A_256 = tpu.memref_slice %arg4[%dma_start3A_254, %dma_start3A_255] : memref<262144x128xf32, #tpu.memory_space<hbm>> -> memref<262144x128xf32, #tpu.memory_space<hbm>>
    tpu.enqueue_indirect_dma source(%dma_start3A_256 : memref<262144x128xf32, #tpu.memory_space<hbm>>) target(%arg12 : memref<128x128xf32, #tpu.memory_space<vmem>>) offsets(%dma_start3A_253 : memref<128xi32, #tpu.memory_space<vmem>>) semaphore(%arg14 : memref<!tpu.dma_semaphore, #tpu.memory_space<semaphore_mem>>)
    %dma_wait3A_257 = arith.constant 768 : i32
    %dma_wait3A_258 = tpu.memref_slice %arg9[%dma_wait3A_257] : memref<1552xi32, #tpu.memory_space<vmem>> -> memref<128xi32, #tpu.memory_space<vmem>>
    %dma_wait3A_259 = arith.constant 0 : i32
    %dma_wait3A_260 = arith.constant 0 : i32
    %dma_wait3A_261 = tpu.memref_slice %arg4[%dma_wait3A_259, %dma_wait3A_260] : memref<262144x128xf32, #tpu.memory_space<hbm>> -> memref<262144x128xf32, #tpu.memory_space<hbm>>
    tpu.wait_indirect_dma semaphore(%arg13 : memref<!tpu.dma_semaphore, #tpu.memory_space<semaphore_mem>>) src(%dma_wait3A_261 : memref<262144x128xf32, #tpu.memory_space<hbm>>) dst(%arg11 : memref<128x128xf32, #tpu.memory_space<vmem>>)
    %dma_start3A_262 = arith.constant 768 : i32
    %dma_start3A_263 = arith.constant 0 : i32
    %dma_start3A_264 = tpu.memref_slice %arg5[%add3A_4, %dma_start3A_262, %dma_start3A_263] : memref<64x1536x128xf32, #tpu.memory_space<hbm>> -> memref<1x128x128xf32, #tpu.memory_space<hbm>>
    %dma_start3A_265 = tpu.memref_squeeze %dma_start3A_264 : memref<1x128x128xf32, #tpu.memory_space<hbm>> -> memref<128x128xf32, #tpu.memory_space<hbm>>
    %dma_start3A_266 = arith.constant 768 : i32
    %dma_start3A_267 = arith.constant 0 : i32
    %dma_start3A_268 = tpu.memref_slice %arg5[%add3A_4, %dma_start3A_266, %dma_start3A_267] : memref<64x1536x128xf32, #tpu.memory_space<hbm>> -> memref<1x128x128xf32, #tpu.memory_space<hbm>>
    %dma_start3A_269 = tpu.memref_squeeze %dma_start3A_268 : memref<1x128x128xf32, #tpu.memory_space<hbm>> -> memref<128x128xf32, #tpu.memory_space<hbm>>
    tpu.enqueue_dma source(%arg11 : memref<128x128xf32, #tpu.memory_space<vmem>>) target(%dma_start3A_269 : memref<128x128xf32, #tpu.memory_space<hbm>>) target_semaphore(%arg15 : memref<!tpu.dma_semaphore, #tpu.memory_space<semaphore_mem>>)
    %dma_wait3A_270 = arith.constant 768 : i32
    %dma_wait3A_271 = arith.constant 0 : i32
    %dma_wait3A_272 = tpu.memref_slice %arg5[%add3A_4, %dma_wait3A_270, %dma_wait3A_271] : memref<64x1536x128xf32, #tpu.memory_space<hbm>> -> memref<1x128x128xf32, #tpu.memory_space<hbm>>
    %dma_wait3A_273 = tpu.memref_squeeze %dma_wait3A_272 : memref<1x128x128xf32, #tpu.memory_space<hbm>> -> memref<128x128xf32, #tpu.memory_space<hbm>>
    %dma_wait3A_274 = arith.constant 768 : i32
    %dma_wait3A_275 = arith.constant 0 : i32
    %dma_wait3A_276 = tpu.memref_slice %arg5[%add3A_4, %dma_wait3A_274, %dma_wait3A_275] : memref<64x1536x128xf32, #tpu.memory_space<hbm>> -> memref<1x128x128xf32, #tpu.memory_space<hbm>>
    %dma_wait3A_277 = tpu.memref_squeeze %dma_wait3A_276 : memref<1x128x128xf32, #tpu.memory_space<hbm>> -> memref<128x128xf32, #tpu.memory_space<hbm>>
    tpu.wait_dma2 semaphore(%arg15 : memref<!tpu.dma_semaphore, #tpu.memory_space<semaphore_mem>>) src(%arg11 : memref<128x128xf32, #tpu.memory_space<vmem>>) dst(%dma_wait3A_277 : memref<128x128xf32, #tpu.memory_space<hbm>>)
    %dma_start3A_278 = arith.constant 1024 : i32
    %dma_start3A_279 = tpu.memref_slice %arg9[%dma_start3A_278] : memref<1552xi32, #tpu.memory_space<vmem>> -> memref<128xi32, #tpu.memory_space<vmem>>
    %dma_start3A_280 = arith.constant 0 : i32
    %dma_start3A_281 = arith.constant 0 : i32
    %dma_start3A_282 = tpu.memref_slice %arg4[%dma_start3A_280, %dma_start3A_281] : memref<262144x128xf32, #tpu.memory_space<hbm>> -> memref<262144x128xf32, #tpu.memory_space<hbm>>
    tpu.enqueue_indirect_dma source(%dma_start3A_282 : memref<262144x128xf32, #tpu.memory_space<hbm>>) target(%arg11 : memref<128x128xf32, #tpu.memory_space<vmem>>) offsets(%dma_start3A_279 : memref<128xi32, #tpu.memory_space<vmem>>) semaphore(%arg13 : memref<!tpu.dma_semaphore, #tpu.memory_space<semaphore_mem>>)
    %dma_wait3A_283 = arith.constant 896 : i32
    %dma_wait3A_284 = tpu.memref_slice %arg9[%dma_wait3A_283] : memref<1552xi32, #tpu.memory_space<vmem>> -> memref<128xi32, #tpu.memory_space<vmem>>
    %dma_wait3A_285 = arith.constant 0 : i32
    %dma_wait3A_286 = arith.constant 0 : i32
    %dma_wait3A_287 = tpu.memref_slice %arg4[%dma_wait3A_285, %dma_wait3A_286] : memref<262144x128xf32, #tpu.memory_space<hbm>> -> memref<262144x128xf32, #tpu.memory_space<hbm>>
    tpu.wait_indirect_dma semaphore(%arg14 : memref<!tpu.dma_semaphore, #tpu.memory_space<semaphore_mem>>) src(%dma_wait3A_287 : memref<262144x128xf32, #tpu.memory_space<hbm>>) dst(%arg12 : memref<128x128xf32, #tpu.memory_space<vmem>>)
    %dma_start3A_288 = arith.constant 896 : i32
    %dma_start3A_289 = arith.constant 0 : i32
    %dma_start3A_290 = tpu.memref_slice %arg5[%add3A_4, %dma_start3A_288, %dma_start3A_289] : memref<64x1536x128xf32, #tpu.memory_space<hbm>> -> memref<1x128x128xf32, #tpu.memory_space<hbm>>
    %dma_start3A_291 = tpu.memref_squeeze %dma_start3A_290 : memref<1x128x128xf32, #tpu.memory_space<hbm>> -> memref<128x128xf32, #tpu.memory_space<hbm>>
    %dma_start3A_292 = arith.constant 896 : i32
    %dma_start3A_293 = arith.constant 0 : i32
    %dma_start3A_294 = tpu.memref_slice %arg5[%add3A_4, %dma_start3A_292, %dma_start3A_293] : memref<64x1536x128xf32, #tpu.memory_space<hbm>> -> memref<1x128x128xf32, #tpu.memory_space<hbm>>
    %dma_start3A_295 = tpu.memref_squeeze %dma_start3A_294 : memref<1x128x128xf32, #tpu.memory_space<hbm>> -> memref<128x128xf32, #tpu.memory_space<hbm>>
    tpu.enqueue_dma source(%arg12 : memref<128x128xf32, #tpu.memory_space<vmem>>) target(%dma_start3A_295 : memref<128x128xf32, #tpu.memory_space<hbm>>) target_semaphore(%arg16 : memref<!tpu.dma_semaphore, #tpu.memory_space<semaphore_mem>>)
    %dma_wait3A_296 = arith.constant 896 : i32
    %dma_wait3A_297 = arith.constant 0 : i32
    %dma_wait3A_298 = tpu.memref_slice %arg5[%add3A_4, %dma_wait3A_296, %dma_wait3A_297] : memref<64x1536x128xf32, #tpu.memory_space<hbm>> -> memref<1x128x128xf32, #tpu.memory_space<hbm>>
    %dma_wait3A_299 = tpu.memref_squeeze %dma_wait3A_298 : memref<1x128x128xf32, #tpu.memory_space<hbm>> -> memref<128x128xf32, #tpu.memory_space<hbm>>
    %dma_wait3A_300 = arith.constant 896 : i32
    %dma_wait3A_301 = arith.constant 0 : i32
    %dma_wait3A_302 = tpu.memref_slice %arg5[%add3A_4, %dma_wait3A_300, %dma_wait3A_301] : memref<64x1536x128xf32, #tpu.memory_space<hbm>> -> memref<1x128x128xf32, #tpu.memory_space<hbm>>
    %dma_wait3A_303 = tpu.memref_squeeze %dma_wait3A_302 : memref<1x128x128xf32, #tpu.memory_space<hbm>> -> memref<128x128xf32, #tpu.memory_space<hbm>>
    tpu.wait_dma2 semaphore(%arg16 : memref<!tpu.dma_semaphore, #tpu.memory_space<semaphore_mem>>) src(%arg12 : memref<128x128xf32, #tpu.memory_space<vmem>>) dst(%dma_wait3A_303 : memref<128x128xf32, #tpu.memory_space<hbm>>)
    %dma_start3A_304 = arith.constant 1152 : i32
    %dma_start3A_305 = tpu.memref_slice %arg9[%dma_start3A_304] : memref<1552xi32, #tpu.memory_space<vmem>> -> memref<128xi32, #tpu.memory_space<vmem>>
    %dma_start3A_306 = arith.constant 0 : i32
    %dma_start3A_307 = arith.constant 0 : i32
    %dma_start3A_308 = tpu.memref_slice %arg4[%dma_start3A_306, %dma_start3A_307] : memref<262144x128xf32, #tpu.memory_space<hbm>> -> memref<262144x128xf32, #tpu.memory_space<hbm>>
    tpu.enqueue_indirect_dma source(%dma_start3A_308 : memref<262144x128xf32, #tpu.memory_space<hbm>>) target(%arg12 : memref<128x128xf32, #tpu.memory_space<vmem>>) offsets(%dma_start3A_305 : memref<128xi32, #tpu.memory_space<vmem>>) semaphore(%arg14 : memref<!tpu.dma_semaphore, #tpu.memory_space<semaphore_mem>>)
    %dma_wait3A_309 = arith.constant 1024 : i32
    %dma_wait3A_310 = tpu.memref_slice %arg9[%dma_wait3A_309] : memref<1552xi32, #tpu.memory_space<vmem>> -> memref<128xi32, #tpu.memory_space<vmem>>
    %dma_wait3A_311 = arith.constant 0 : i32
    %dma_wait3A_312 = arith.constant 0 : i32
    %dma_wait3A_313 = tpu.memref_slice %arg4[%dma_wait3A_311, %dma_wait3A_312] : memref<262144x128xf32, #tpu.memory_space<hbm>> -> memref<262144x128xf32, #tpu.memory_space<hbm>>
    tpu.wait_indirect_dma semaphore(%arg13 : memref<!tpu.dma_semaphore, #tpu.memory_space<semaphore_mem>>) src(%dma_wait3A_313 : memref<262144x128xf32, #tpu.memory_space<hbm>>) dst(%arg11 : memref<128x128xf32, #tpu.memory_space<vmem>>)
    %dma_start3A_314 = arith.constant 1024 : i32
    %dma_start3A_315 = arith.constant 0 : i32
    %dma_start3A_316 = tpu.memref_slice %arg5[%add3A_4, %dma_start3A_314, %dma_start3A_315] : memref<64x1536x128xf32, #tpu.memory_space<hbm>> -> memref<1x128x128xf32, #tpu.memory_space<hbm>>
    %dma_start3A_317 = tpu.memref_squeeze %dma_start3A_316 : memref<1x128x128xf32, #tpu.memory_space<hbm>> -> memref<128x128xf32, #tpu.memory_space<hbm>>
    %dma_start3A_318 = arith.constant 1024 : i32
    %dma_start3A_319 = arith.constant 0 : i32
    %dma_start3A_320 = tpu.memref_slice %arg5[%add3A_4, %dma_start3A_318, %dma_start3A_319] : memref<64x1536x128xf32, #tpu.memory_space<hbm>> -> memref<1x128x128xf32, #tpu.memory_space<hbm>>
    %dma_start3A_321 = tpu.memref_squeeze %dma_start3A_320 : memref<1x128x128xf32, #tpu.memory_space<hbm>> -> memref<128x128xf32, #tpu.memory_space<hbm>>
    tpu.enqueue_dma source(%arg11 : memref<128x128xf32, #tpu.memory_space<vmem>>) target(%dma_start3A_321 : memref<128x128xf32, #tpu.memory_space<hbm>>) target_semaphore(%arg15 : memref<!tpu.dma_semaphore, #tpu.memory_space<semaphore_mem>>)
    %dma_wait3A_322 = arith.constant 1024 : i32
    %dma_wait3A_323 = arith.constant 0 : i32
    %dma_wait3A_324 = tpu.memref_slice %arg5[%add3A_4, %dma_wait3A_322, %dma_wait3A_323] : memref<64x1536x128xf32, #tpu.memory_space<hbm>> -> memref<1x128x128xf32, #tpu.memory_space<hbm>>
    %dma_wait3A_325 = tpu.memref_squeeze %dma_wait3A_324 : memref<1x128x128xf32, #tpu.memory_space<hbm>> -> memref<128x128xf32, #tpu.memory_space<hbm>>
    %dma_wait3A_326 = arith.constant 1024 : i32
    %dma_wait3A_327 = arith.constant 0 : i32
    %dma_wait3A_328 = tpu.memref_slice %arg5[%add3A_4, %dma_wait3A_326, %dma_wait3A_327] : memref<64x1536x128xf32, #tpu.memory_space<hbm>> -> memref<1x128x128xf32, #tpu.memory_space<hbm>>
    %dma_wait3A_329 = tpu.memref_squeeze %dma_wait3A_328 : memref<1x128x128xf32, #tpu.memory_space<hbm>> -> memref<128x128xf32, #tpu.memory_space<hbm>>
    tpu.wait_dma2 semaphore(%arg15 : memref<!tpu.dma_semaphore, #tpu.memory_space<semaphore_mem>>) src(%arg11 : memref<128x128xf32, #tpu.memory_space<vmem>>) dst(%dma_wait3A_329 : memref<128x128xf32, #tpu.memory_space<hbm>>)
    %dma_start3A_330 = arith.constant 1280 : i32
    %dma_start3A_331 = tpu.memref_slice %arg9[%dma_start3A_330] : memref<1552xi32, #tpu.memory_space<vmem>> -> memref<128xi32, #tpu.memory_space<vmem>>
    %dma_start3A_332 = arith.constant 0 : i32
    %dma_start3A_333 = arith.constant 0 : i32
    %dma_start3A_334 = tpu.memref_slice %arg4[%dma_start3A_332, %dma_start3A_333] : memref<262144x128xf32, #tpu.memory_space<hbm>> -> memref<262144x128xf32, #tpu.memory_space<hbm>>
    tpu.enqueue_indirect_dma source(%dma_start3A_334 : memref<262144x128xf32, #tpu.memory_space<hbm>>) target(%arg11 : memref<128x128xf32, #tpu.memory_space<vmem>>) offsets(%dma_start3A_331 : memref<128xi32, #tpu.memory_space<vmem>>) semaphore(%arg13 : memref<!tpu.dma_semaphore, #tpu.memory_space<semaphore_mem>>)
    %dma_wait3A_335 = arith.constant 1152 : i32
    %dma_wait3A_336 = tpu.memref_slice %arg9[%dma_wait3A_335] : memref<1552xi32, #tpu.memory_space<vmem>> -> memref<128xi32, #tpu.memory_space<vmem>>
    %dma_wait3A_337 = arith.constant 0 : i32
    %dma_wait3A_338 = arith.constant 0 : i32
    %dma_wait3A_339 = tpu.memref_slice %arg4[%dma_wait3A_337, %dma_wait3A_338] : memref<262144x128xf32, #tpu.memory_space<hbm>> -> memref<262144x128xf32, #tpu.memory_space<hbm>>
    tpu.wait_indirect_dma semaphore(%arg14 : memref<!tpu.dma_semaphore, #tpu.memory_space<semaphore_mem>>) src(%dma_wait3A_339 : memref<262144x128xf32, #tpu.memory_space<hbm>>) dst(%arg12 : memref<128x128xf32, #tpu.memory_space<vmem>>)
    %dma_start3A_340 = arith.constant 1152 : i32
    %dma_start3A_341 = arith.constant 0 : i32
    %dma_start3A_342 = tpu.memref_slice %arg5[%add3A_4, %dma_start3A_340, %dma_start3A_341] : memref<64x1536x128xf32, #tpu.memory_space<hbm>> -> memref<1x128x128xf32, #tpu.memory_space<hbm>>
    %dma_start3A_343 = tpu.memref_squeeze %dma_start3A_342 : memref<1x128x128xf32, #tpu.memory_space<hbm>> -> memref<128x128xf32, #tpu.memory_space<hbm>>
    %dma_start3A_344 = arith.constant 1152 : i32
    %dma_start3A_345 = arith.constant 0 : i32
    %dma_start3A_346 = tpu.memref_slice %arg5[%add3A_4, %dma_start3A_344, %dma_start3A_345] : memref<64x1536x128xf32, #tpu.memory_space<hbm>> -> memref<1x128x128xf32, #tpu.memory_space<hbm>>
    %dma_start3A_347 = tpu.memref_squeeze %dma_start3A_346 : memref<1x128x128xf32, #tpu.memory_space<hbm>> -> memref<128x128xf32, #tpu.memory_space<hbm>>
    tpu.enqueue_dma source(%arg12 : memref<128x128xf32, #tpu.memory_space<vmem>>) target(%dma_start3A_347 : memref<128x128xf32, #tpu.memory_space<hbm>>) target_semaphore(%arg16 : memref<!tpu.dma_semaphore, #tpu.memory_space<semaphore_mem>>)
    %dma_wait3A_348 = arith.constant 1152 : i32
    %dma_wait3A_349 = arith.constant 0 : i32
    %dma_wait3A_350 = tpu.memref_slice %arg5[%add3A_4, %dma_wait3A_348, %dma_wait3A_349] : memref<64x1536x128xf32, #tpu.memory_space<hbm>> -> memref<1x128x128xf32, #tpu.memory_space<hbm>>
    %dma_wait3A_351 = tpu.memref_squeeze %dma_wait3A_350 : memref<1x128x128xf32, #tpu.memory_space<hbm>> -> memref<128x128xf32, #tpu.memory_space<hbm>>
    %dma_wait3A_352 = arith.constant 1152 : i32
    %dma_wait3A_353 = arith.constant 0 : i32
    %dma_wait3A_354 = tpu.memref_slice %arg5[%add3A_4, %dma_wait3A_352, %dma_wait3A_353] : memref<64x1536x128xf32, #tpu.memory_space<hbm>> -> memref<1x128x128xf32, #tpu.memory_space<hbm>>
    %dma_wait3A_355 = tpu.memref_squeeze %dma_wait3A_354 : memref<1x128x128xf32, #tpu.memory_space<hbm>> -> memref<128x128xf32, #tpu.memory_space<hbm>>
    tpu.wait_dma2 semaphore(%arg16 : memref<!tpu.dma_semaphore, #tpu.memory_space<semaphore_mem>>) src(%arg12 : memref<128x128xf32, #tpu.memory_space<vmem>>) dst(%dma_wait3A_355 : memref<128x128xf32, #tpu.memory_space<hbm>>)
    %dma_start3A_356 = arith.constant 1408 : i32
    %dma_start3A_357 = tpu.memref_slice %arg9[%dma_start3A_356] : memref<1552xi32, #tpu.memory_space<vmem>> -> memref<128xi32, #tpu.memory_space<vmem>>
    %dma_start3A_358 = arith.constant 0 : i32
    %dma_start3A_359 = arith.constant 0 : i32
    %dma_start3A_360 = tpu.memref_slice %arg4[%dma_start3A_358, %dma_start3A_359] : memref<262144x128xf32, #tpu.memory_space<hbm>> -> memref<262144x128xf32, #tpu.memory_space<hbm>>
    tpu.enqueue_indirect_dma source(%dma_start3A_360 : memref<262144x128xf32, #tpu.memory_space<hbm>>) target(%arg12 : memref<128x128xf32, #tpu.memory_space<vmem>>) offsets(%dma_start3A_357 : memref<128xi32, #tpu.memory_space<vmem>>) semaphore(%arg14 : memref<!tpu.dma_semaphore, #tpu.memory_space<semaphore_mem>>)
    %dma_wait3A_361 = arith.constant 1280 : i32
    %dma_wait3A_362 = tpu.memref_slice %arg9[%dma_wait3A_361] : memref<1552xi32, #tpu.memory_space<vmem>> -> memref<128xi32, #tpu.memory_space<vmem>>
    %dma_wait3A_363 = arith.constant 0 : i32
    %dma_wait3A_364 = arith.constant 0 : i32
    %dma_wait3A_365 = tpu.memref_slice %arg4[%dma_wait3A_363, %dma_wait3A_364] : memref<262144x128xf32, #tpu.memory_space<hbm>> -> memref<262144x128xf32, #tpu.memory_space<hbm>>
    tpu.wait_indirect_dma semaphore(%arg13 : memref<!tpu.dma_semaphore, #tpu.memory_space<semaphore_mem>>) src(%dma_wait3A_365 : memref<262144x128xf32, #tpu.memory_space<hbm>>) dst(%arg11 : memref<128x128xf32, #tpu.memory_space<vmem>>)
    %dma_start3A_366 = arith.constant 1280 : i32
    %dma_start3A_367 = arith.constant 0 : i32
    %dma_start3A_368 = tpu.memref_slice %arg5[%add3A_4, %dma_start3A_366, %dma_start3A_367] : memref<64x1536x128xf32, #tpu.memory_space<hbm>> -> memref<1x128x128xf32, #tpu.memory_space<hbm>>
    %dma_start3A_369 = tpu.memref_squeeze %dma_start3A_368 : memref<1x128x128xf32, #tpu.memory_space<hbm>> -> memref<128x128xf32, #tpu.memory_space<hbm>>
    %dma_start3A_370 = arith.constant 1280 : i32
    %dma_start3A_371 = arith.constant 0 : i32
    %dma_start3A_372 = tpu.memref_slice %arg5[%add3A_4, %dma_start3A_370, %dma_start3A_371] : memref<64x1536x128xf32, #tpu.memory_space<hbm>> -> memref<1x128x128xf32, #tpu.memory_space<hbm>>
    %dma_start3A_373 = tpu.memref_squeeze %dma_start3A_372 : memref<1x128x128xf32, #tpu.memory_space<hbm>> -> memref<128x128xf32, #tpu.memory_space<hbm>>
    tpu.enqueue_dma source(%arg11 : memref<128x128xf32, #tpu.memory_space<vmem>>) target(%dma_start3A_373 : memref<128x128xf32, #tpu.memory_space<hbm>>) target_semaphore(%arg15 : memref<!tpu.dma_semaphore, #tpu.memory_space<semaphore_mem>>)
    %dma_wait3A_374 = arith.constant 1408 : i32
    %dma_wait3A_375 = tpu.memref_slice %arg9[%dma_wait3A_374] : memref<1552xi32, #tpu.memory_space<vmem>> -> memref<128xi32, #tpu.memory_space<vmem>>
    %dma_wait3A_376 = arith.constant 0 : i32
    %dma_wait3A_377 = arith.constant 0 : i32
    %dma_wait3A_378 = tpu.memref_slice %arg4[%dma_wait3A_376, %dma_wait3A_377] : memref<262144x128xf32, #tpu.memory_space<hbm>> -> memref<262144x128xf32, #tpu.memory_space<hbm>>
    tpu.wait_indirect_dma semaphore(%arg14 : memref<!tpu.dma_semaphore, #tpu.memory_space<semaphore_mem>>) src(%dma_wait3A_378 : memref<262144x128xf32, #tpu.memory_space<hbm>>) dst(%arg12 : memref<128x128xf32, #tpu.memory_space<vmem>>)
    %dma_start3A_379 = arith.constant 1408 : i32
    %dma_start3A_380 = arith.constant 0 : i32
    %dma_start3A_381 = tpu.memref_slice %arg5[%add3A_4, %dma_start3A_379, %dma_start3A_380] : memref<64x1536x128xf32, #tpu.memory_space<hbm>> -> memref<1x128x128xf32, #tpu.memory_space<hbm>>
    %dma_start3A_382 = tpu.memref_squeeze %dma_start3A_381 : memref<1x128x128xf32, #tpu.memory_space<hbm>> -> memref<128x128xf32, #tpu.memory_space<hbm>>
    %dma_start3A_383 = arith.constant 1408 : i32
    %dma_start3A_384 = arith.constant 0 : i32
    %dma_start3A_385 = tpu.memref_slice %arg5[%add3A_4, %dma_start3A_383, %dma_start3A_384] : memref<64x1536x128xf32, #tpu.memory_space<hbm>> -> memref<1x128x128xf32, #tpu.memory_space<hbm>>
    %dma_start3A_386 = tpu.memref_squeeze %dma_start3A_385 : memref<1x128x128xf32, #tpu.memory_space<hbm>> -> memref<128x128xf32, #tpu.memory_space<hbm>>
    tpu.enqueue_dma source(%arg12 : memref<128x128xf32, #tpu.memory_space<vmem>>) target(%dma_start3A_386 : memref<128x128xf32, #tpu.memory_space<hbm>>) target_semaphore(%arg16 : memref<!tpu.dma_semaphore, #tpu.memory_space<semaphore_mem>>)
    %dma_wait3A_387 = arith.constant 1280 : i32
    %dma_wait3A_388 = arith.constant 0 : i32
    %dma_wait3A_389 = tpu.memref_slice %arg5[%add3A_4, %dma_wait3A_387, %dma_wait3A_388] : memref<64x1536x128xf32, #tpu.memory_space<hbm>> -> memref<1x128x128xf32, #tpu.memory_space<hbm>>
    %dma_wait3A_390 = tpu.memref_squeeze %dma_wait3A_389 : memref<1x128x128xf32, #tpu.memory_space<hbm>> -> memref<128x128xf32, #tpu.memory_space<hbm>>
    %dma_wait3A_391 = arith.constant 1280 : i32
    %dma_wait3A_392 = arith.constant 0 : i32
    %dma_wait3A_393 = tpu.memref_slice %arg5[%add3A_4, %dma_wait3A_391, %dma_wait3A_392] : memref<64x1536x128xf32, #tpu.memory_space<hbm>> -> memref<1x128x128xf32, #tpu.memory_space<hbm>>
    %dma_wait3A_394 = tpu.memref_squeeze %dma_wait3A_393 : memref<1x128x128xf32, #tpu.memory_space<hbm>> -> memref<128x128xf32, #tpu.memory_space<hbm>>
    tpu.wait_dma2 semaphore(%arg15 : memref<!tpu.dma_semaphore, #tpu.memory_space<semaphore_mem>>) src(%arg11 : memref<128x128xf32, #tpu.memory_space<vmem>>) dst(%dma_wait3A_394 : memref<128x128xf32, #tpu.memory_space<hbm>>)
    %dma_wait3A_395 = arith.constant 1408 : i32
    %dma_wait3A_396 = arith.constant 0 : i32
    %dma_wait3A_397 = tpu.memref_slice %arg5[%add3A_4, %dma_wait3A_395, %dma_wait3A_396] : memref<64x1536x128xf32, #tpu.memory_space<hbm>> -> memref<1x128x128xf32, #tpu.memory_space<hbm>>
    %dma_wait3A_398 = tpu.memref_squeeze %dma_wait3A_397 : memref<1x128x128xf32, #tpu.memory_space<hbm>> -> memref<128x128xf32, #tpu.memory_space<hbm>>
    %dma_wait3A_399 = arith.constant 1408 : i32
    %dma_wait3A_400 = arith.constant 0 : i32
    %dma_wait3A_401 = tpu.memref_slice %arg5[%add3A_4, %dma_wait3A_399, %dma_wait3A_400] : memref<64x1536x128xf32, #tpu.memory_space<hbm>> -> memref<1x128x128xf32, #tpu.memory_space<hbm>>
    %dma_wait3A_402 = tpu.memref_squeeze %dma_wait3A_401 : memref<1x128x128xf32, #tpu.memory_space<hbm>> -> memref<128x128xf32, #tpu.memory_space<hbm>>
    tpu.wait_dma2 semaphore(%arg16 : memref<!tpu.dma_semaphore, #tpu.memory_space<semaphore_mem>>) src(%arg12 : memref<128x128xf32, #tpu.memory_space<vmem>>) dst(%dma_wait3A_402 : memref<128x128xf32, #tpu.memory_space<hbm>>)
    %mul3A_403 = arith.constant 2 : i32
    %mul3A_404 = arith.muli %add3A, %mul3A_403 : i32
    %add3A_405 = arith.constant 1 : i32
    %add3A_406 = arith.addi %mul3A_404, %add3A_405 : i32
    "tpu.region"() ({
      %run_scoped3A = tpu.sem_alloc : memref<!tpu.dma_semaphore, #tpu.memory_space<semaphore_mem>>
      %dma_start3A_821 = arith.constant 0 : i32
      %dma_start3A_822 = arith.constant 0 : i32
      %dma_start3A_823 = tpu.memref_slice %arg2[%add3A_406, %dma_start3A_821, %dma_start3A_822] : memref<64x256x16xf32, #tpu.memory_space<hbm>> -> memref<1x256x16xf32, #tpu.memory_space<hbm>>
      %dma_start3A_824 = tpu.memref_squeeze %dma_start3A_823 : memref<1x256x16xf32, #tpu.memory_space<hbm>> -> memref<256x16xf32, #tpu.memory_space<hbm>>
      %dma_start3A_825 = arith.constant 0 : i32
      %dma_start3A_826 = arith.constant 0 : i32
      %dma_start3A_827 = tpu.memref_slice %arg2[%add3A_406, %dma_start3A_825, %dma_start3A_826] : memref<64x256x16xf32, #tpu.memory_space<hbm>> -> memref<1x256x16xf32, #tpu.memory_space<hbm>>
      %dma_start3A_828 = tpu.memref_squeeze %dma_start3A_827 : memref<1x256x16xf32, #tpu.memory_space<hbm>> -> memref<256x16xf32, #tpu.memory_space<hbm>>
      tpu.enqueue_dma source(%dma_start3A_828 : memref<256x16xf32, #tpu.memory_space<hbm>>) target(%arg7 : memref<256x16xf32, #tpu.memory_space<vmem>>) target_semaphore(%run_scoped3A : memref<!tpu.dma_semaphore, #tpu.memory_space<semaphore_mem>>)
      %dma_wait3A_829 = arith.constant 0 : i32
      %dma_wait3A_830 = arith.constant 0 : i32
      %dma_wait3A_831 = tpu.memref_slice %arg2[%add3A_406, %dma_wait3A_829, %dma_wait3A_830] : memref<64x256x16xf32, #tpu.memory_space<hbm>> -> memref<1x256x16xf32, #tpu.memory_space<hbm>>
      %dma_wait3A_832 = tpu.memref_squeeze %dma_wait3A_831 : memref<1x256x16xf32, #tpu.memory_space<hbm>> -> memref<256x16xf32, #tpu.memory_space<hbm>>
      %dma_wait3A_833 = arith.constant 0 : i32
      %dma_wait3A_834 = arith.constant 0 : i32
      %dma_wait3A_835 = tpu.memref_slice %arg2[%add3A_406, %dma_wait3A_833, %dma_wait3A_834] : memref<64x256x16xf32, #tpu.memory_space<hbm>> -> memref<1x256x16xf32, #tpu.memory_space<hbm>>
      %dma_wait3A_836 = tpu.memref_squeeze %dma_wait3A_835 : memref<1x256x16xf32, #tpu.memory_space<hbm>> -> memref<256x16xf32, #tpu.memory_space<hbm>>
      tpu.wait_dma2 semaphore(%run_scoped3A : memref<!tpu.dma_semaphore, #tpu.memory_space<semaphore_mem>>) src(%dma_wait3A_836 : memref<256x16xf32, #tpu.memory_space<hbm>>) dst(%arg7 : memref<256x16xf32, #tpu.memory_space<vmem>>)
      tpu.yield
    }) : () -> ()
    "tpu.region"() ({
      %run_scoped3A = tpu.sem_alloc : memref<!tpu.dma_semaphore, #tpu.memory_space<semaphore_mem>>
      %dma_start3A_821 = arith.constant 0 : i32
      %dma_start3A_822 = tpu.memref_slice %arg3[%add3A_406, %dma_start3A_821] : memref<64x16xi32, #tpu.memory_space<hbm>> -> memref<1x16xi32, #tpu.memory_space<hbm>>
      %dma_start3A_823 = tpu.memref_squeeze %dma_start3A_822 : memref<1x16xi32, #tpu.memory_space<hbm>> -> memref<16xi32, #tpu.memory_space<hbm>>
      %dma_start3A_824 = arith.constant 0 : i32
      %dma_start3A_825 = tpu.memref_slice %arg3[%add3A_406, %dma_start3A_824] : memref<64x16xi32, #tpu.memory_space<hbm>> -> memref<1x16xi32, #tpu.memory_space<hbm>>
      %dma_start3A_826 = tpu.memref_squeeze %dma_start3A_825 : memref<1x16xi32, #tpu.memory_space<hbm>> -> memref<16xi32, #tpu.memory_space<hbm>>
      tpu.enqueue_dma source(%dma_start3A_826 : memref<16xi32, #tpu.memory_space<hbm>>) target(%arg8 : memref<16xi32, #tpu.memory_space<vmem>>) target_semaphore(%run_scoped3A : memref<!tpu.dma_semaphore, #tpu.memory_space<semaphore_mem>>)
      %dma_wait3A_827 = arith.constant 0 : i32
      %dma_wait3A_828 = tpu.memref_slice %arg3[%add3A_406, %dma_wait3A_827] : memref<64x16xi32, #tpu.memory_space<hbm>> -> memref<1x16xi32, #tpu.memory_space<hbm>>
      %dma_wait3A_829 = tpu.memref_squeeze %dma_wait3A_828 : memref<1x16xi32, #tpu.memory_space<hbm>> -> memref<16xi32, #tpu.memory_space<hbm>>
      %dma_wait3A_830 = arith.constant 0 : i32
      %dma_wait3A_831 = tpu.memref_slice %arg3[%add3A_406, %dma_wait3A_830] : memref<64x16xi32, #tpu.memory_space<hbm>> -> memref<1x16xi32, #tpu.memory_space<hbm>>
      %dma_wait3A_832 = tpu.memref_squeeze %dma_wait3A_831 : memref<1x16xi32, #tpu.memory_space<hbm>> -> memref<16xi32, #tpu.memory_space<hbm>>
      tpu.wait_dma2 semaphore(%run_scoped3A : memref<!tpu.dma_semaphore, #tpu.memory_space<semaphore_mem>>) src(%dma_wait3A_832 : memref<16xi32, #tpu.memory_space<hbm>>) dst(%arg8 : memref<16xi32, #tpu.memory_space<vmem>>)
      tpu.yield
    }) : () -> ()
    %get3A_407 = arith.constant 0 : index
    %get3A_408 = tpu.vector_load %arg8[%get3A_407] {strides = array<i32>} : memref<16xi32, #tpu.memory_space<vmem>>, vector<16xi32>,
    %eq3A_409 = arith.constant 0 : i32
    %eq3A_410 = vector.broadcast %eq3A_409 : i32 to vector<16xi32>
    %eq3A_411 = arith.cmpi eq, %iota3A, %eq3A_410 : vector<16xi32>
    %jit3A_412 = arith.constant 0 : i32
    %broadcast_in_dim3A_413 = vector.broadcast %jit3A_412 : i32 to vector<16xi32>
    %select_n3A_414 = arith.select %eq3A_411, %get3A_408, %broadcast_in_dim3A_413 : vector<16xi1>, vector<16xi32>
    %reduce_sum3A_415 = arith.constant true
    %reduce_sum3A_416 = vector.broadcast %reduce_sum3A_415 : i1 to vector<16xi1>
    %reduce_sum3A_417 = tpu.scan <sum>, %select_n3A_414 masked %reduce_sum3A_416 : vector<16xi32>, vector<16xi1> -> vector<16xi32>
    %reduce_sum3A_418 = vector.extract %reduce_sum3A_417[15] : i32 from vector<16xi32>
    %eq3A_419 = arith.constant 1 : i32
    %eq3A_420 = vector.broadcast %eq3A_419 : i32 to vector<16xi32>
    %eq3A_421 = arith.cmpi eq, %iota3A, %eq3A_420 : vector<16xi32>
    %jit3A_422 = arith.constant 0 : i32
    %broadcast_in_dim3A_423 = vector.broadcast %jit3A_422 : i32 to vector<16xi32>
    %select_n3A_424 = arith.select %eq3A_421, %get3A_408, %broadcast_in_dim3A_423 : vector<16xi1>, vector<16xi32>
    %reduce_sum3A_425 = arith.constant true
    %reduce_sum3A_426 = vector.broadcast %reduce_sum3A_425 : i1 to vector<16xi1>
    %reduce_sum3A_427 = tpu.scan <sum>, %select_n3A_424 masked %reduce_sum3A_426 : vector<16xi32>, vector<16xi1> -> vector<16xi32>
    %reduce_sum3A_428 = vector.extract %reduce_sum3A_427[15] : i32 from vector<16xi32>
    %eq3A_429 = arith.constant 2 : i32
    %eq3A_430 = vector.broadcast %eq3A_429 : i32 to vector<16xi32>
    %eq3A_431 = arith.cmpi eq, %iota3A, %eq3A_430 : vector<16xi32>
    %jit3A_432 = arith.constant 0 : i32
    %broadcast_in_dim3A_433 = vector.broadcast %jit3A_432 : i32 to vector<16xi32>
    %select_n3A_434 = arith.select %eq3A_431, %get3A_408, %broadcast_in_dim3A_433 : vector<16xi1>, vector<16xi32>
    %reduce_sum3A_435 = arith.constant true
    %reduce_sum3A_436 = vector.broadcast %reduce_sum3A_435 : i1 to vector<16xi1>
    %reduce_sum3A_437 = tpu.scan <sum>, %select_n3A_434 masked %reduce_sum3A_436 : vector<16xi32>, vector<16xi1> -> vector<16xi32>
    %reduce_sum3A_438 = vector.extract %reduce_sum3A_437[15] : i32 from vector<16xi32>
    %eq3A_439 = arith.constant 3 : i32
    %eq3A_440 = vector.broadcast %eq3A_439 : i32 to vector<16xi32>
    %eq3A_441 = arith.cmpi eq, %iota3A, %eq3A_440 : vector<16xi32>
    %jit3A_442 = arith.constant 0 : i32
    %broadcast_in_dim3A_443 = vector.broadcast %jit3A_442 : i32 to vector<16xi32>
    %select_n3A_444 = arith.select %eq3A_441, %get3A_408, %broadcast_in_dim3A_443 : vector<16xi1>, vector<16xi32>
    %reduce_sum3A_445 = arith.constant true
    %reduce_sum3A_446 = vector.broadcast %reduce_sum3A_445 : i1 to vector<16xi1>
    %reduce_sum3A_447 = tpu.scan <sum>, %select_n3A_444 masked %reduce_sum3A_446 : vector<16xi32>, vector<16xi1> -> vector<16xi32>
    %reduce_sum3A_448 = vector.extract %reduce_sum3A_447[15] : i32 from vector<16xi32>
    %add3A_449 = arith.constant 0 : i32
    %add3A_450 = arith.addi %add3A_406, %add3A_449 : i32
    %mul3A_451 = arith.constant 4096 : i32
    %mul3A_452 = arith.muli %add3A_450, %mul3A_451 : i32
    %scan3A_453 = arith.constant 0 : i32
    %scan3A_454 = arith.constant 0 : i32
    %scan3A_455 = arith.constant 0 : i32
    %scan3A_456 = arith.constant 255 : i32
    %scan3A_457 = arith.addi %scan3A_455, %scan3A_456 : i32
    %scan3A_458 = arith.constant 1 : i32
    %scan3A_459:2 = scf.for %scan3A_821 = %scan3A_455 to %scan3A_457 step %scan3A_458 iter_args(%scan3A_822 = %scan3A_453, %scan3A_823 = %scan3A_454) -> (i32, i32)  : i32 {
      %get3A_824 = arith.index_cast %scan3A_821 : i32 to index
      %get3A_825 = arith.constant 0 : index
      %get3A_826 = tpu.vector_load %arg7[%get3A_824, %get3A_825] {strides = array<i32>} : memref<256x16xf32, #tpu.memory_space<vmem>>, vector<16xf32>,
      %bitcast3A_827 = vector.bitcast %get3A_826 : vector<16xf32> to vector<16xi32>
      %gt3A_828 = vector.broadcast %reduce_sum3A_418 : i32 to vector<16xi32>
      %gt3A_829 = arith.cmpi sgt, %bitcast3A_827, %gt3A_828 : vector<16xi32>
      %eq3A_830 = vector.broadcast %reduce_sum3A_418 : i32 to vector<16xi32>
      %eq3A_831 = arith.cmpi eq, %bitcast3A_827, %eq3A_830 : vector<16xi32>
      %jit3A_832 = arith.constant 1 : i32
      %jit3A_833 = arith.constant 0 : i32
      %broadcast_in_dim3A_834 = vector.broadcast %jit3A_832 : i32 to vector<16xi32>
      %broadcast_in_dim3A_835 = vector.broadcast %jit3A_833 : i32 to vector<16xi32>
      %select_n3A_836 = arith.select %eq3A_831, %broadcast_in_dim3A_834, %broadcast_in_dim3A_835 : vector<16xi1>, vector<16xi32>
      %broadcast_in_dim3A_837 = arith.constant true
      %broadcast_in_dim3A_838 = vector.broadcast %broadcast_in_dim3A_837 : i1 to vector<16xi1>
      %masked_cumsum3A_839 = tpu.scan <sum>, %select_n3A_836 masked %broadcast_in_dim3A_838 : vector<16xi32>, vector<16xi1> -> vector<16xi32>
      %add3A_840 = vector.broadcast %scan3A_823 : i32 to vector<16xi32>
      %add3A_841 = arith.addi %masked_cumsum3A_839, %add3A_840 : vector<16xi32>
      %le3A_842 = vector.broadcast %reduce_sum3A_428 : i32 to vector<16xi32>
      %le3A_843 = arith.cmpi sle, %add3A_841, %le3A_842 : vector<16xi32>
      %and3A_844 = arith.andi %eq3A_831, %le3A_843 : vector<16xi1>
      %or3A_845 = arith.ori %gt3A_829, %and3A_844 : vector<16xi1>
      %mul3A_846 = arith.constant 16 : i32
      %mul3A_847 = arith.muli %scan3A_821, %mul3A_846 : i32
      %add3A_848 = arith.addi %mul3A_452, %mul3A_847 : i32
      %add3A_849 = vector.broadcast %add3A_848 : i32 to vector<16xi32>
      %add3A_850 = arith.addi %iota3A, %add3A_849 : vector<16xi32>
      %swap3A_851 = arith.index_cast %scan3A_822 : i32 to index
      %swap3A_852 = tpu.vector_load %arg9[%swap3A_851] masked %or3A_845 {strides = array<i32>} : memref<1552xi32, #tpu.memory_space<vmem>>, vector<16xi32>, vector<16xi1>
      tpu.vector_store %arg9[%swap3A_851], %add3A_850 masked %or3A_845 {strides = array<i32>} : memref<1552xi32, #tpu.memory_space<vmem>>, vector<16xi32>, vector<16xi1>
      %swap3A_853 = arith.index_cast %scan3A_822 : i32 to index
      %swap3A_854 = tpu.vector_load %arg10[%swap3A_853] masked %or3A_845 {strides = array<i32>} : memref<1552xf32, #tpu.memory_space<vmem>>, vector<16xf32>, vector<16xi1>
      tpu.vector_store %arg10[%swap3A_853], %get3A_826 masked %or3A_845 {strides = array<i32>} : memref<1552xf32, #tpu.memory_space<vmem>>, vector<16xf32>, vector<16xi1>
      %jit3A_855 = arith.constant 1 : i32
      %jit3A_856 = arith.constant 0 : i32
      %broadcast_in_dim3A_857 = vector.broadcast %jit3A_855 : i32 to vector<16xi32>
      %broadcast_in_dim3A_858 = vector.broadcast %jit3A_856 : i32 to vector<16xi32>
      %select_n3A_859 = arith.select %or3A_845, %broadcast_in_dim3A_857, %broadcast_in_dim3A_858 : vector<16xi1>, vector<16xi32>
      %reduce_sum3A_860 = arith.constant true
      %reduce_sum3A_861 = vector.broadcast %reduce_sum3A_860 : i1 to vector<16xi1>
      %reduce_sum3A_862 = tpu.scan <sum>, %select_n3A_859 masked %reduce_sum3A_861 : vector<16xi32>, vector<16xi1> -> vector<16xi32>
      %reduce_sum3A_863 = vector.extract %reduce_sum3A_862[15] : i32 from vector<16xi32>
      %reduce_sum3A_864 = arith.constant true
      %reduce_sum3A_865 = vector.broadcast %reduce_sum3A_864 : i1 to vector<16xi1>
      %reduce_sum3A_866 = tpu.scan <sum>, %select_n3A_836 masked %reduce_sum3A_865 : vector<16xi32>, vector<16xi1> -> vector<16xi32>
      %reduce_sum3A_867 = vector.extract %reduce_sum3A_866[15] : i32 from vector<16xi32>
      %add3A_868 = arith.addi %scan3A_822, %reduce_sum3A_863 : i32
      %add3A_869 = arith.addi %scan3A_823, %reduce_sum3A_867 : i32
      scf.yield %add3A_868, %add3A_869 : i32, i32
    }
    %scan3A_460 = arith.constant 255 : i32
    %get3A_461 = arith.constant 255 : i32
    %get3A_462 = arith.index_cast %get3A_461 : i32 to index
    %get3A_463 = arith.constant 0 : index
    %get3A_464 = tpu.vector_load %arg7[%get3A_462, %get3A_463] {strides = array<i32>} : memref<256x16xf32, #tpu.memory_space<vmem>>, vector<16xf32>,
    %bitcast3A_465 = vector.bitcast %get3A_464 : vector<16xf32> to vector<16xi32>
    %gt3A_466 = vector.broadcast %reduce_sum3A_438 : i32 to vector<16xi32>
    %gt3A_467 = arith.cmpi sgt, %bitcast3A_465, %gt3A_466 : vector<16xi32>
    %eq3A_468 = vector.broadcast %reduce_sum3A_438 : i32 to vector<16xi32>
    %eq3A_469 = arith.cmpi eq, %bitcast3A_465, %eq3A_468 : vector<16xi32>
    %jit3A_470 = arith.constant 1 : i32
    %jit3A_471 = arith.constant 0 : i32
    %broadcast_in_dim3A_472 = vector.broadcast %jit3A_470 : i32 to vector<16xi32>
    %broadcast_in_dim3A_473 = vector.broadcast %jit3A_471 : i32 to vector<16xi32>
    %select_n3A_474 = arith.select %eq3A_469, %broadcast_in_dim3A_472, %broadcast_in_dim3A_473 : vector<16xi1>, vector<16xi32>
    %broadcast_in_dim3A_475 = arith.constant true
    %broadcast_in_dim3A_476 = vector.broadcast %broadcast_in_dim3A_475 : i1 to vector<16xi1>
    %masked_cumsum3A_477 = tpu.scan <sum>, %select_n3A_474 masked %broadcast_in_dim3A_476 : vector<16xi32>, vector<16xi1> -> vector<16xi32>
    %add3A_478 = arith.constant 0 : i32
    %add3A_479 = vector.broadcast %add3A_478 : i32 to vector<16xi32>
    %add3A_480 = arith.addi %masked_cumsum3A_477, %add3A_479 : vector<16xi32>
    %le3A_481 = vector.broadcast %reduce_sum3A_448 : i32 to vector<16xi32>
    %le3A_482 = arith.cmpi sle, %add3A_480, %le3A_481 : vector<16xi32>
    %and3A_483 = arith.andi %eq3A_469, %le3A_482 : vector<16xi1>
    %or3A_484 = arith.ori %gt3A_467, %and3A_483 : vector<16xi1>
    %add3A_485 = arith.constant 4080 : i32
    %add3A_486 = arith.addi %mul3A_452, %add3A_485 : i32
    %add3A_487 = vector.broadcast %add3A_486 : i32 to vector<16xi32>
    %add3A_488 = arith.addi %iota3A, %add3A_487 : vector<16xi32>
    %swap3A_489 = arith.index_cast %scan3A_459#0 : i32 to index
    %swap3A_490 = tpu.vector_load %arg9[%swap3A_489] masked %or3A_484 {strides = array<i32>} : memref<1552xi32, #tpu.memory_space<vmem>>, vector<16xi32>, vector<16xi1>
    tpu.vector_store %arg9[%swap3A_489], %add3A_488 masked %or3A_484 {strides = array<i32>} : memref<1552xi32, #tpu.memory_space<vmem>>, vector<16xi32>, vector<16xi1>
    %swap3A_491 = arith.index_cast %scan3A_459#0 : i32 to index
    %swap3A_492 = tpu.vector_load %arg10[%swap3A_491] masked %or3A_484 {strides = array<i32>} : memref<1552xf32, #tpu.memory_space<vmem>>, vector<16xf32>, vector<16xi1>
    tpu.vector_store %arg10[%swap3A_491], %get3A_464 masked %or3A_484 {strides = array<i32>} : memref<1552xf32, #tpu.memory_space<vmem>>, vector<16xf32>, vector<16xi1>
    %jit3A_493 = arith.constant 1 : i32
    %jit3A_494 = arith.constant 0 : i32
    %broadcast_in_dim3A_495 = vector.broadcast %jit3A_493 : i32 to vector<16xi32>
    %broadcast_in_dim3A_496 = vector.broadcast %jit3A_494 : i32 to vector<16xi32>
    %select_n3A_497 = arith.select %or3A_484, %broadcast_in_dim3A_495, %broadcast_in_dim3A_496 : vector<16xi1>, vector<16xi32>
    %reduce_sum3A_498 = arith.constant true
    %reduce_sum3A_499 = vector.broadcast %reduce_sum3A_498 : i1 to vector<16xi1>
    %reduce_sum3A_500 = tpu.scan <sum>, %select_n3A_497 masked %reduce_sum3A_499 : vector<16xi32>, vector<16xi1> -> vector<16xi32>
    %reduce_sum3A_501 = vector.extract %reduce_sum3A_500[15] : i32 from vector<16xi32>
    %reduce_sum3A_502 = arith.constant true
    %reduce_sum3A_503 = vector.broadcast %reduce_sum3A_502 : i1 to vector<16xi1>
    %reduce_sum3A_504 = tpu.scan <sum>, %select_n3A_474 masked %reduce_sum3A_503 : vector<16xi32>, vector<16xi1> -> vector<16xi32>
    %reduce_sum3A_505 = vector.extract %reduce_sum3A_504[15] : i32 from vector<16xi32>
    %add3A_506 = arith.addi %scan3A_459#0, %reduce_sum3A_501 : i32
    %add3A_507 = arith.constant 0 : i32
    %add3A_508 = arith.addi %add3A_507, %reduce_sum3A_505 : i32
    "tpu.region"() ({
      %run_scoped3A = tpu.sem_alloc : memref<!tpu.dma_semaphore, #tpu.memory_space<semaphore_mem>>
      %dma_start3A_821 = arith.constant 0 : i32
      %dma_start3A_822 = tpu.memref_slice %arg10[%dma_start3A_821] : memref<1552xf32, #tpu.memory_space<vmem>> -> memref<1536xf32, #tpu.memory_space<vmem>>
      %dma_start3A_823 = arith.constant 0 : i32
      %dma_start3A_824 = tpu.memref_slice %arg6[%add3A_406, %dma_start3A_823] : memref<64x1536xf32, #tpu.memory_space<hbm>> -> memref<1x1536xf32, #tpu.memory_space<hbm>>
      %dma_start3A_825 = tpu.memref_squeeze %dma_start3A_824 : memref<1x1536xf32, #tpu.memory_space<hbm>> -> memref<1536xf32, #tpu.memory_space<hbm>>
      %dma_start3A_826 = arith.constant 0 : i32
      %dma_start3A_827 = tpu.memref_slice %arg6[%add3A_406, %dma_start3A_826] : memref<64x1536xf32, #tpu.memory_space<hbm>> -> memref<1x1536xf32, #tpu.memory_space<hbm>>
      %dma_start3A_828 = tpu.memref_squeeze %dma_start3A_827 : memref<1x1536xf32, #tpu.memory_space<hbm>> -> memref<1536xf32, #tpu.memory_space<hbm>>
      %dma_start3A_829 = arith.constant 0 : i32
      %dma_start3A_830 = tpu.memref_slice %arg10[%dma_start3A_829] : memref<1552xf32, #tpu.memory_space<vmem>> -> memref<1536xf32, #tpu.memory_space<vmem>>
      tpu.enqueue_dma source(%dma_start3A_830 : memref<1536xf32, #tpu.memory_space<vmem>>) target(%dma_start3A_828 : memref<1536xf32, #tpu.memory_space<hbm>>) target_semaphore(%run_scoped3A : memref<!tpu.dma_semaphore, #tpu.memory_space<semaphore_mem>>)
      %dma_wait3A_831 = arith.constant 0 : i32
      %dma_wait3A_832 = tpu.memref_slice %arg10[%dma_wait3A_831] : memref<1552xf32, #tpu.memory_space<vmem>> -> memref<1536xf32, #tpu.memory_space<vmem>>
      %dma_wait3A_833 = arith.constant 0 : i32
      %dma_wait3A_834 = tpu.memref_slice %arg6[%add3A_406, %dma_wait3A_833] : memref<64x1536xf32, #tpu.memory_space<hbm>> -> memref<1x1536xf32, #tpu.memory_space<hbm>>
      %dma_wait3A_835 = tpu.memref_squeeze %dma_wait3A_834 : memref<1x1536xf32, #tpu.memory_space<hbm>> -> memref<1536xf32, #tpu.memory_space<hbm>>
      %dma_wait3A_836 = arith.constant 0 : i32
      %dma_wait3A_837 = tpu.memref_slice %arg6[%add3A_406, %dma_wait3A_836] : memref<64x1536xf32, #tpu.memory_space<hbm>> -> memref<1x1536xf32, #tpu.memory_space<hbm>>
      %dma_wait3A_838 = tpu.memref_squeeze %dma_wait3A_837 : memref<1x1536xf32, #tpu.memory_space<hbm>> -> memref<1536xf32, #tpu.memory_space<hbm>>
      %dma_wait3A_839 = arith.constant 0 : i32
      %dma_wait3A_840 = tpu.memref_slice %arg10[%dma_wait3A_839] : memref<1552xf32, #tpu.memory_space<vmem>> -> memref<1536xf32, #tpu.memory_space<vmem>>
      tpu.wait_dma2 semaphore(%run_scoped3A : memref<!tpu.dma_semaphore, #tpu.memory_space<semaphore_mem>>) src(%dma_wait3A_840 : memref<1536xf32, #tpu.memory_space<vmem>>) dst(%dma_wait3A_838 : memref<1536xf32, #tpu.memory_space<hbm>>)
      tpu.yield
    }) : () -> ()
    %dma_start3A_509 = arith.constant 0 : i32
    %dma_start3A_510 = tpu.memref_slice %arg9[%dma_start3A_509] : memref<1552xi32, #tpu.memory_space<vmem>> -> memref<128xi32, #tpu.memory_space<vmem>>
    %dma_start3A_511 = arith.constant 0 : i32
    %dma_start3A_512 = arith.constant 0 : i32
    %dma_start3A_513 = tpu.memref_slice %arg4[%dma_start3A_511, %dma_start3A_512] : memref<262144x128xf32, #tpu.memory_space<hbm>> -> memref<262144x128xf32, #tpu.memory_space<hbm>>
    tpu.enqueue_indirect_dma source(%dma_start3A_513 : memref<262144x128xf32, #tpu.memory_space<hbm>>) target(%arg11 : memref<128x128xf32, #tpu.memory_space<vmem>>) offsets(%dma_start3A_510 : memref<128xi32, #tpu.memory_space<vmem>>) semaphore(%arg13 : memref<!tpu.dma_semaphore, #tpu.memory_space<semaphore_mem>>)
    %dma_start3A_514 = arith.constant 128 : i32
    %dma_start3A_515 = tpu.memref_slice %arg9[%dma_start3A_514] : memref<1552xi32, #tpu.memory_space<vmem>> -> memref<128xi32, #tpu.memory_space<vmem>>
    %dma_start3A_516 = arith.constant 0 : i32
    %dma_start3A_517 = arith.constant 0 : i32
    %dma_start3A_518 = tpu.memref_slice %arg4[%dma_start3A_516, %dma_start3A_517] : memref<262144x128xf32, #tpu.memory_space<hbm>> -> memref<262144x128xf32, #tpu.memory_space<hbm>>
    tpu.enqueue_indirect_dma source(%dma_start3A_518 : memref<262144x128xf32, #tpu.memory_space<hbm>>) target(%arg12 : memref<128x128xf32, #tpu.memory_space<vmem>>) offsets(%dma_start3A_515 : memref<128xi32, #tpu.memory_space<vmem>>) semaphore(%arg14 : memref<!tpu.dma_semaphore, #tpu.memory_space<semaphore_mem>>)
    %dma_wait3A_519 = arith.constant 0 : i32
    %dma_wait3A_520 = tpu.memref_slice %arg9[%dma_wait3A_519] : memref<1552xi32, #tpu.memory_space<vmem>> -> memref<128xi32, #tpu.memory_space<vmem>>
    %dma_wait3A_521 = arith.constant 0 : i32
    %dma_wait3A_522 = arith.constant 0 : i32
    %dma_wait3A_523 = tpu.memref_slice %arg4[%dma_wait3A_521, %dma_wait3A_522] : memref<262144x128xf32, #tpu.memory_space<hbm>> -> memref<262144x128xf32, #tpu.memory_space<hbm>>
    tpu.wait_indirect_dma semaphore(%arg13 : memref<!tpu.dma_semaphore, #tpu.memory_space<semaphore_mem>>) src(%dma_wait3A_523 : memref<262144x128xf32, #tpu.memory_space<hbm>>) dst(%arg11 : memref<128x128xf32, #tpu.memory_space<vmem>>)
    %dma_start3A_524 = arith.constant 0 : i32
    %dma_start3A_525 = arith.constant 0 : i32
    %dma_start3A_526 = tpu.memref_slice %arg5[%add3A_406, %dma_start3A_524, %dma_start3A_525] : memref<64x1536x128xf32, #tpu.memory_space<hbm>> -> memref<1x128x128xf32, #tpu.memory_space<hbm>>
    %dma_start3A_527 = tpu.memref_squeeze %dma_start3A_526 : memref<1x128x128xf32, #tpu.memory_space<hbm>> -> memref<128x128xf32, #tpu.memory_space<hbm>>
    %dma_start3A_528 = arith.constant 0 : i32
    %dma_start3A_529 = arith.constant 0 : i32
    %dma_start3A_530 = tpu.memref_slice %arg5[%add3A_406, %dma_start3A_528, %dma_start3A_529] : memref<64x1536x128xf32, #tpu.memory_space<hbm>> -> memref<1x128x128xf32, #tpu.memory_space<hbm>>
    %dma_start3A_531 = tpu.memref_squeeze %dma_start3A_530 : memref<1x128x128xf32, #tpu.memory_space<hbm>> -> memref<128x128xf32, #tpu.memory_space<hbm>>
    tpu.enqueue_dma source(%arg11 : memref<128x128xf32, #tpu.memory_space<vmem>>) target(%dma_start3A_531 : memref<128x128xf32, #tpu.memory_space<hbm>>) target_semaphore(%arg15 : memref<!tpu.dma_semaphore, #tpu.memory_space<semaphore_mem>>)
    %dma_wait3A_532 = arith.constant 0 : i32
    %dma_wait3A_533 = arith.constant 0 : i32
    %dma_wait3A_534 = tpu.memref_slice %arg5[%add3A_406, %dma_wait3A_532, %dma_wait3A_533] : memref<64x1536x128xf32, #tpu.memory_space<hbm>> -> memref<1x128x128xf32, #tpu.memory_space<hbm>>
    %dma_wait3A_535 = tpu.memref_squeeze %dma_wait3A_534 : memref<1x128x128xf32, #tpu.memory_space<hbm>> -> memref<128x128xf32, #tpu.memory_space<hbm>>
    %dma_wait3A_536 = arith.constant 0 : i32
    %dma_wait3A_537 = arith.constant 0 : i32
    %dma_wait3A_538 = tpu.memref_slice %arg5[%add3A_406, %dma_wait3A_536, %dma_wait3A_537] : memref<64x1536x128xf32, #tpu.memory_space<hbm>> -> memref<1x128x128xf32, #tpu.memory_space<hbm>>
    %dma_wait3A_539 = tpu.memref_squeeze %dma_wait3A_538 : memref<1x128x128xf32, #tpu.memory_space<hbm>> -> memref<128x128xf32, #tpu.memory_space<hbm>>
    tpu.wait_dma2 semaphore(%arg15 : memref<!tpu.dma_semaphore, #tpu.memory_space<semaphore_mem>>) src(%arg11 : memref<128x128xf32, #tpu.memory_space<vmem>>) dst(%dma_wait3A_539 : memref<128x128xf32, #tpu.memory_space<hbm>>)
    %dma_start3A_540 = arith.constant 256 : i32
    %dma_start3A_541 = tpu.memref_slice %arg9[%dma_start3A_540] : memref<1552xi32, #tpu.memory_space<vmem>> -> memref<128xi32, #tpu.memory_space<vmem>>
    %dma_start3A_542 = arith.constant 0 : i32
    %dma_start3A_543 = arith.constant 0 : i32
    %dma_start3A_544 = tpu.memref_slice %arg4[%dma_start3A_542, %dma_start3A_543] : memref<262144x128xf32, #tpu.memory_space<hbm>> -> memref<262144x128xf32, #tpu.memory_space<hbm>>
    tpu.enqueue_indirect_dma source(%dma_start3A_544 : memref<262144x128xf32, #tpu.memory_space<hbm>>) target(%arg11 : memref<128x128xf32, #tpu.memory_space<vmem>>) offsets(%dma_start3A_541 : memref<128xi32, #tpu.memory_space<vmem>>) semaphore(%arg13 : memref<!tpu.dma_semaphore, #tpu.memory_space<semaphore_mem>>)
    %dma_wait3A_545 = arith.constant 128 : i32
    %dma_wait3A_546 = tpu.memref_slice %arg9[%dma_wait3A_545] : memref<1552xi32, #tpu.memory_space<vmem>> -> memref<128xi32, #tpu.memory_space<vmem>>
    %dma_wait3A_547 = arith.constant 0 : i32
    %dma_wait3A_548 = arith.constant 0 : i32
    %dma_wait3A_549 = tpu.memref_slice %arg4[%dma_wait3A_547, %dma_wait3A_548] : memref<262144x128xf32, #tpu.memory_space<hbm>> -> memref<262144x128xf32, #tpu.memory_space<hbm>>
    tpu.wait_indirect_dma semaphore(%arg14 : memref<!tpu.dma_semaphore, #tpu.memory_space<semaphore_mem>>) src(%dma_wait3A_549 : memref<262144x128xf32, #tpu.memory_space<hbm>>) dst(%arg12 : memref<128x128xf32, #tpu.memory_space<vmem>>)
    %dma_start3A_550 = arith.constant 128 : i32
    %dma_start3A_551 = arith.constant 0 : i32
    %dma_start3A_552 = tpu.memref_slice %arg5[%add3A_406, %dma_start3A_550, %dma_start3A_551] : memref<64x1536x128xf32, #tpu.memory_space<hbm>> -> memref<1x128x128xf32, #tpu.memory_space<hbm>>
    %dma_start3A_553 = tpu.memref_squeeze %dma_start3A_552 : memref<1x128x128xf32, #tpu.memory_space<hbm>> -> memref<128x128xf32, #tpu.memory_space<hbm>>
    %dma_start3A_554 = arith.constant 128 : i32
    %dma_start3A_555 = arith.constant 0 : i32
    %dma_start3A_556 = tpu.memref_slice %arg5[%add3A_406, %dma_start3A_554, %dma_start3A_555] : memref<64x1536x128xf32, #tpu.memory_space<hbm>> -> memref<1x128x128xf32, #tpu.memory_space<hbm>>
    %dma_start3A_557 = tpu.memref_squeeze %dma_start3A_556 : memref<1x128x128xf32, #tpu.memory_space<hbm>> -> memref<128x128xf32, #tpu.memory_space<hbm>>
    tpu.enqueue_dma source(%arg12 : memref<128x128xf32, #tpu.memory_space<vmem>>) target(%dma_start3A_557 : memref<128x128xf32, #tpu.memory_space<hbm>>) target_semaphore(%arg16 : memref<!tpu.dma_semaphore, #tpu.memory_space<semaphore_mem>>)
    %dma_wait3A_558 = arith.constant 128 : i32
    %dma_wait3A_559 = arith.constant 0 : i32
    %dma_wait3A_560 = tpu.memref_slice %arg5[%add3A_406, %dma_wait3A_558, %dma_wait3A_559] : memref<64x1536x128xf32, #tpu.memory_space<hbm>> -> memref<1x128x128xf32, #tpu.memory_space<hbm>>
    %dma_wait3A_561 = tpu.memref_squeeze %dma_wait3A_560 : memref<1x128x128xf32, #tpu.memory_space<hbm>> -> memref<128x128xf32, #tpu.memory_space<hbm>>
    %dma_wait3A_562 = arith.constant 128 : i32
    %dma_wait3A_563 = arith.constant 0 : i32
    %dma_wait3A_564 = tpu.memref_slice %arg5[%add3A_406, %dma_wait3A_562, %dma_wait3A_563] : memref<64x1536x128xf32, #tpu.memory_space<hbm>> -> memref<1x128x128xf32, #tpu.memory_space<hbm>>
    %dma_wait3A_565 = tpu.memref_squeeze %dma_wait3A_564 : memref<1x128x128xf32, #tpu.memory_space<hbm>> -> memref<128x128xf32, #tpu.memory_space<hbm>>
    tpu.wait_dma2 semaphore(%arg16 : memref<!tpu.dma_semaphore, #tpu.memory_space<semaphore_mem>>) src(%arg12 : memref<128x128xf32, #tpu.memory_space<vmem>>) dst(%dma_wait3A_565 : memref<128x128xf32, #tpu.memory_space<hbm>>)
    %dma_start3A_566 = arith.constant 384 : i32
    %dma_start3A_567 = tpu.memref_slice %arg9[%dma_start3A_566] : memref<1552xi32, #tpu.memory_space<vmem>> -> memref<128xi32, #tpu.memory_space<vmem>>
    %dma_start3A_568 = arith.constant 0 : i32
    %dma_start3A_569 = arith.constant 0 : i32
    %dma_start3A_570 = tpu.memref_slice %arg4[%dma_start3A_568, %dma_start3A_569] : memref<262144x128xf32, #tpu.memory_space<hbm>> -> memref<262144x128xf32, #tpu.memory_space<hbm>>
    tpu.enqueue_indirect_dma source(%dma_start3A_570 : memref<262144x128xf32, #tpu.memory_space<hbm>>) target(%arg12 : memref<128x128xf32, #tpu.memory_space<vmem>>) offsets(%dma_start3A_567 : memref<128xi32, #tpu.memory_space<vmem>>) semaphore(%arg14 : memref<!tpu.dma_semaphore, #tpu.memory_space<semaphore_mem>>)
    %dma_wait3A_571 = arith.constant 256 : i32
    %dma_wait3A_572 = tpu.memref_slice %arg9[%dma_wait3A_571] : memref<1552xi32, #tpu.memory_space<vmem>> -> memref<128xi32, #tpu.memory_space<vmem>>
    %dma_wait3A_573 = arith.constant 0 : i32
    %dma_wait3A_574 = arith.constant 0 : i32
    %dma_wait3A_575 = tpu.memref_slice %arg4[%dma_wait3A_573, %dma_wait3A_574] : memref<262144x128xf32, #tpu.memory_space<hbm>> -> memref<262144x128xf32, #tpu.memory_space<hbm>>
    tpu.wait_indirect_dma semaphore(%arg13 : memref<!tpu.dma_semaphore, #tpu.memory_space<semaphore_mem>>) src(%dma_wait3A_575 : memref<262144x128xf32, #tpu.memory_space<hbm>>) dst(%arg11 : memref<128x128xf32, #tpu.memory_space<vmem>>)
    %dma_start3A_576 = arith.constant 256 : i32
    %dma_start3A_577 = arith.constant 0 : i32
    %dma_start3A_578 = tpu.memref_slice %arg5[%add3A_406, %dma_start3A_576, %dma_start3A_577] : memref<64x1536x128xf32, #tpu.memory_space<hbm>> -> memref<1x128x128xf32, #tpu.memory_space<hbm>>
    %dma_start3A_579 = tpu.memref_squeeze %dma_start3A_578 : memref<1x128x128xf32, #tpu.memory_space<hbm>> -> memref<128x128xf32, #tpu.memory_space<hbm>>
    %dma_start3A_580 = arith.constant 256 : i32
    %dma_start3A_581 = arith.constant 0 : i32
    %dma_start3A_582 = tpu.memref_slice %arg5[%add3A_406, %dma_start3A_580, %dma_start3A_581] : memref<64x1536x128xf32, #tpu.memory_space<hbm>> -> memref<1x128x128xf32, #tpu.memory_space<hbm>>
    %dma_start3A_583 = tpu.memref_squeeze %dma_start3A_582 : memref<1x128x128xf32, #tpu.memory_space<hbm>> -> memref<128x128xf32, #tpu.memory_space<hbm>>
    tpu.enqueue_dma source(%arg11 : memref<128x128xf32, #tpu.memory_space<vmem>>) target(%dma_start3A_583 : memref<128x128xf32, #tpu.memory_space<hbm>>) target_semaphore(%arg15 : memref<!tpu.dma_semaphore, #tpu.memory_space<semaphore_mem>>)
    %dma_wait3A_584 = arith.constant 256 : i32
    %dma_wait3A_585 = arith.constant 0 : i32
    %dma_wait3A_586 = tpu.memref_slice %arg5[%add3A_406, %dma_wait3A_584, %dma_wait3A_585] : memref<64x1536x128xf32, #tpu.memory_space<hbm>> -> memref<1x128x128xf32, #tpu.memory_space<hbm>>
    %dma_wait3A_587 = tpu.memref_squeeze %dma_wait3A_586 : memref<1x128x128xf32, #tpu.memory_space<hbm>> -> memref<128x128xf32, #tpu.memory_space<hbm>>
    %dma_wait3A_588 = arith.constant 256 : i32
    %dma_wait3A_589 = arith.constant 0 : i32
    %dma_wait3A_590 = tpu.memref_slice %arg5[%add3A_406, %dma_wait3A_588, %dma_wait3A_589] : memref<64x1536x128xf32, #tpu.memory_space<hbm>> -> memref<1x128x128xf32, #tpu.memory_space<hbm>>
    %dma_wait3A_591 = tpu.memref_squeeze %dma_wait3A_590 : memref<1x128x128xf32, #tpu.memory_space<hbm>> -> memref<128x128xf32, #tpu.memory_space<hbm>>
    tpu.wait_dma2 semaphore(%arg15 : memref<!tpu.dma_semaphore, #tpu.memory_space<semaphore_mem>>) src(%arg11 : memref<128x128xf32, #tpu.memory_space<vmem>>) dst(%dma_wait3A_591 : memref<128x128xf32, #tpu.memory_space<hbm>>)
    %dma_start3A_592 = arith.constant 512 : i32
    %dma_start3A_593 = tpu.memref_slice %arg9[%dma_start3A_592] : memref<1552xi32, #tpu.memory_space<vmem>> -> memref<128xi32, #tpu.memory_space<vmem>>
    %dma_start3A_594 = arith.constant 0 : i32
    %dma_start3A_595 = arith.constant 0 : i32
    %dma_start3A_596 = tpu.memref_slice %arg4[%dma_start3A_594, %dma_start3A_595] : memref<262144x128xf32, #tpu.memory_space<hbm>> -> memref<262144x128xf32, #tpu.memory_space<hbm>>
    tpu.enqueue_indirect_dma source(%dma_start3A_596 : memref<262144x128xf32, #tpu.memory_space<hbm>>) target(%arg11 : memref<128x128xf32, #tpu.memory_space<vmem>>) offsets(%dma_start3A_593 : memref<128xi32, #tpu.memory_space<vmem>>) semaphore(%arg13 : memref<!tpu.dma_semaphore, #tpu.memory_space<semaphore_mem>>)
    %dma_wait3A_597 = arith.constant 384 : i32
    %dma_wait3A_598 = tpu.memref_slice %arg9[%dma_wait3A_597] : memref<1552xi32, #tpu.memory_space<vmem>> -> memref<128xi32, #tpu.memory_space<vmem>>
    %dma_wait3A_599 = arith.constant 0 : i32
    %dma_wait3A_600 = arith.constant 0 : i32
    %dma_wait3A_601 = tpu.memref_slice %arg4[%dma_wait3A_599, %dma_wait3A_600] : memref<262144x128xf32, #tpu.memory_space<hbm>> -> memref<262144x128xf32, #tpu.memory_space<hbm>>
    tpu.wait_indirect_dma semaphore(%arg14 : memref<!tpu.dma_semaphore, #tpu.memory_space<semaphore_mem>>) src(%dma_wait3A_601 : memref<262144x128xf32, #tpu.memory_space<hbm>>) dst(%arg12 : memref<128x128xf32, #tpu.memory_space<vmem>>)
    %dma_start3A_602 = arith.constant 384 : i32
    %dma_start3A_603 = arith.constant 0 : i32
    %dma_start3A_604 = tpu.memref_slice %arg5[%add3A_406, %dma_start3A_602, %dma_start3A_603] : memref<64x1536x128xf32, #tpu.memory_space<hbm>> -> memref<1x128x128xf32, #tpu.memory_space<hbm>>
    %dma_start3A_605 = tpu.memref_squeeze %dma_start3A_604 : memref<1x128x128xf32, #tpu.memory_space<hbm>> -> memref<128x128xf32, #tpu.memory_space<hbm>>
    %dma_start3A_606 = arith.constant 384 : i32
    %dma_start3A_607 = arith.constant 0 : i32
    %dma_start3A_608 = tpu.memref_slice %arg5[%add3A_406, %dma_start3A_606, %dma_start3A_607] : memref<64x1536x128xf32, #tpu.memory_space<hbm>> -> memref<1x128x128xf32, #tpu.memory_space<hbm>>
    %dma_start3A_609 = tpu.memref_squeeze %dma_start3A_608 : memref<1x128x128xf32, #tpu.memory_space<hbm>> -> memref<128x128xf32, #tpu.memory_space<hbm>>
    tpu.enqueue_dma source(%arg12 : memref<128x128xf32, #tpu.memory_space<vmem>>) target(%dma_start3A_609 : memref<128x128xf32, #tpu.memory_space<hbm>>) target_semaphore(%arg16 : memref<!tpu.dma_semaphore, #tpu.memory_space<semaphore_mem>>)
    %dma_wait3A_610 = arith.constant 384 : i32
    %dma_wait3A_611 = arith.constant 0 : i32
    %dma_wait3A_612 = tpu.memref_slice %arg5[%add3A_406, %dma_wait3A_610, %dma_wait3A_611] : memref<64x1536x128xf32, #tpu.memory_space<hbm>> -> memref<1x128x128xf32, #tpu.memory_space<hbm>>
    %dma_wait3A_613 = tpu.memref_squeeze %dma_wait3A_612 : memref<1x128x128xf32, #tpu.memory_space<hbm>> -> memref<128x128xf32, #tpu.memory_space<hbm>>
    %dma_wait3A_614 = arith.constant 384 : i32
    %dma_wait3A_615 = arith.constant 0 : i32
    %dma_wait3A_616 = tpu.memref_slice %arg5[%add3A_406, %dma_wait3A_614, %dma_wait3A_615] : memref<64x1536x128xf32, #tpu.memory_space<hbm>> -> memref<1x128x128xf32, #tpu.memory_space<hbm>>
    %dma_wait3A_617 = tpu.memref_squeeze %dma_wait3A_616 : memref<1x128x128xf32, #tpu.memory_space<hbm>> -> memref<128x128xf32, #tpu.memory_space<hbm>>
    tpu.wait_dma2 semaphore(%arg16 : memref<!tpu.dma_semaphore, #tpu.memory_space<semaphore_mem>>) src(%arg12 : memref<128x128xf32, #tpu.memory_space<vmem>>) dst(%dma_wait3A_617 : memref<128x128xf32, #tpu.memory_space<hbm>>)
    %dma_start3A_618 = arith.constant 640 : i32
    %dma_start3A_619 = tpu.memref_slice %arg9[%dma_start3A_618] : memref<1552xi32, #tpu.memory_space<vmem>> -> memref<128xi32, #tpu.memory_space<vmem>>
    %dma_start3A_620 = arith.constant 0 : i32
    %dma_start3A_621 = arith.constant 0 : i32
    %dma_start3A_622 = tpu.memref_slice %arg4[%dma_start3A_620, %dma_start3A_621] : memref<262144x128xf32, #tpu.memory_space<hbm>> -> memref<262144x128xf32, #tpu.memory_space<hbm>>
    tpu.enqueue_indirect_dma source(%dma_start3A_622 : memref<262144x128xf32, #tpu.memory_space<hbm>>) target(%arg12 : memref<128x128xf32, #tpu.memory_space<vmem>>) offsets(%dma_start3A_619 : memref<128xi32, #tpu.memory_space<vmem>>) semaphore(%arg14 : memref<!tpu.dma_semaphore, #tpu.memory_space<semaphore_mem>>)
    %dma_wait3A_623 = arith.constant 512 : i32
    %dma_wait3A_624 = tpu.memref_slice %arg9[%dma_wait3A_623] : memref<1552xi32, #tpu.memory_space<vmem>> -> memref<128xi32, #tpu.memory_space<vmem>>
    %dma_wait3A_625 = arith.constant 0 : i32
    %dma_wait3A_626 = arith.constant 0 : i32
    %dma_wait3A_627 = tpu.memref_slice %arg4[%dma_wait3A_625, %dma_wait3A_626] : memref<262144x128xf32, #tpu.memory_space<hbm>> -> memref<262144x128xf32, #tpu.memory_space<hbm>>
    tpu.wait_indirect_dma semaphore(%arg13 : memref<!tpu.dma_semaphore, #tpu.memory_space<semaphore_mem>>) src(%dma_wait3A_627 : memref<262144x128xf32, #tpu.memory_space<hbm>>) dst(%arg11 : memref<128x128xf32, #tpu.memory_space<vmem>>)
    %dma_start3A_628 = arith.constant 512 : i32
    %dma_start3A_629 = arith.constant 0 : i32
    %dma_start3A_630 = tpu.memref_slice %arg5[%add3A_406, %dma_start3A_628, %dma_start3A_629] : memref<64x1536x128xf32, #tpu.memory_space<hbm>> -> memref<1x128x128xf32, #tpu.memory_space<hbm>>
    %dma_start3A_631 = tpu.memref_squeeze %dma_start3A_630 : memref<1x128x128xf32, #tpu.memory_space<hbm>> -> memref<128x128xf32, #tpu.memory_space<hbm>>
    %dma_start3A_632 = arith.constant 512 : i32
    %dma_start3A_633 = arith.constant 0 : i32
    %dma_start3A_634 = tpu.memref_slice %arg5[%add3A_406, %dma_start3A_632, %dma_start3A_633] : memref<64x1536x128xf32, #tpu.memory_space<hbm>> -> memref<1x128x128xf32, #tpu.memory_space<hbm>>
    %dma_start3A_635 = tpu.memref_squeeze %dma_start3A_634 : memref<1x128x128xf32, #tpu.memory_space<hbm>> -> memref<128x128xf32, #tpu.memory_space<hbm>>
    tpu.enqueue_dma source(%arg11 : memref<128x128xf32, #tpu.memory_space<vmem>>) target(%dma_start3A_635 : memref<128x128xf32, #tpu.memory_space<hbm>>) target_semaphore(%arg15 : memref<!tpu.dma_semaphore, #tpu.memory_space<semaphore_mem>>)
    %dma_wait3A_636 = arith.constant 512 : i32
    %dma_wait3A_637 = arith.constant 0 : i32
    %dma_wait3A_638 = tpu.memref_slice %arg5[%add3A_406, %dma_wait3A_636, %dma_wait3A_637] : memref<64x1536x128xf32, #tpu.memory_space<hbm>> -> memref<1x128x128xf32, #tpu.memory_space<hbm>>
    %dma_wait3A_639 = tpu.memref_squeeze %dma_wait3A_638 : memref<1x128x128xf32, #tpu.memory_space<hbm>> -> memref<128x128xf32, #tpu.memory_space<hbm>>
    %dma_wait3A_640 = arith.constant 512 : i32
    %dma_wait3A_641 = arith.constant 0 : i32
    %dma_wait3A_642 = tpu.memref_slice %arg5[%add3A_406, %dma_wait3A_640, %dma_wait3A_641] : memref<64x1536x128xf32, #tpu.memory_space<hbm>> -> memref<1x128x128xf32, #tpu.memory_space<hbm>>
    %dma_wait3A_643 = tpu.memref_squeeze %dma_wait3A_642 : memref<1x128x128xf32, #tpu.memory_space<hbm>> -> memref<128x128xf32, #tpu.memory_space<hbm>>
    tpu.wait_dma2 semaphore(%arg15 : memref<!tpu.dma_semaphore, #tpu.memory_space<semaphore_mem>>) src(%arg11 : memref<128x128xf32, #tpu.memory_space<vmem>>) dst(%dma_wait3A_643 : memref<128x128xf32, #tpu.memory_space<hbm>>)
    %dma_start3A_644 = arith.constant 768 : i32
    %dma_start3A_645 = tpu.memref_slice %arg9[%dma_start3A_644] : memref<1552xi32, #tpu.memory_space<vmem>> -> memref<128xi32, #tpu.memory_space<vmem>>
    %dma_start3A_646 = arith.constant 0 : i32
    %dma_start3A_647 = arith.constant 0 : i32
    %dma_start3A_648 = tpu.memref_slice %arg4[%dma_start3A_646, %dma_start3A_647] : memref<262144x128xf32, #tpu.memory_space<hbm>> -> memref<262144x128xf32, #tpu.memory_space<hbm>>
    tpu.enqueue_indirect_dma source(%dma_start3A_648 : memref<262144x128xf32, #tpu.memory_space<hbm>>) target(%arg11 : memref<128x128xf32, #tpu.memory_space<vmem>>) offsets(%dma_start3A_645 : memref<128xi32, #tpu.memory_space<vmem>>) semaphore(%arg13 : memref<!tpu.dma_semaphore, #tpu.memory_space<semaphore_mem>>)
    %dma_wait3A_649 = arith.constant 640 : i32
    %dma_wait3A_650 = tpu.memref_slice %arg9[%dma_wait3A_649] : memref<1552xi32, #tpu.memory_space<vmem>> -> memref<128xi32, #tpu.memory_space<vmem>>
    %dma_wait3A_651 = arith.constant 0 : i32
    %dma_wait3A_652 = arith.constant 0 : i32
    %dma_wait3A_653 = tpu.memref_slice %arg4[%dma_wait3A_651, %dma_wait3A_652] : memref<262144x128xf32, #tpu.memory_space<hbm>> -> memref<262144x128xf32, #tpu.memory_space<hbm>>
    tpu.wait_indirect_dma semaphore(%arg14 : memref<!tpu.dma_semaphore, #tpu.memory_space<semaphore_mem>>) src(%dma_wait3A_653 : memref<262144x128xf32, #tpu.memory_space<hbm>>) dst(%arg12 : memref<128x128xf32, #tpu.memory_space<vmem>>)
    %dma_start3A_654 = arith.constant 640 : i32
    %dma_start3A_655 = arith.constant 0 : i32
    %dma_start3A_656 = tpu.memref_slice %arg5[%add3A_406, %dma_start3A_654, %dma_start3A_655] : memref<64x1536x128xf32, #tpu.memory_space<hbm>> -> memref<1x128x128xf32, #tpu.memory_space<hbm>>
    %dma_start3A_657 = tpu.memref_squeeze %dma_start3A_656 : memref<1x128x128xf32, #tpu.memory_space<hbm>> -> memref<128x128xf32, #tpu.memory_space<hbm>>
    %dma_start3A_658 = arith.constant 640 : i32
    %dma_start3A_659 = arith.constant 0 : i32
    %dma_start3A_660 = tpu.memref_slice %arg5[%add3A_406, %dma_start3A_658, %dma_start3A_659] : memref<64x1536x128xf32, #tpu.memory_space<hbm>> -> memref<1x128x128xf32, #tpu.memory_space<hbm>>
    %dma_start3A_661 = tpu.memref_squeeze %dma_start3A_660 : memref<1x128x128xf32, #tpu.memory_space<hbm>> -> memref<128x128xf32, #tpu.memory_space<hbm>>
    tpu.enqueue_dma source(%arg12 : memref<128x128xf32, #tpu.memory_space<vmem>>) target(%dma_start3A_661 : memref<128x128xf32, #tpu.memory_space<hbm>>) target_semaphore(%arg16 : memref<!tpu.dma_semaphore, #tpu.memory_space<semaphore_mem>>)
    %dma_wait3A_662 = arith.constant 640 : i32
    %dma_wait3A_663 = arith.constant 0 : i32
    %dma_wait3A_664 = tpu.memref_slice %arg5[%add3A_406, %dma_wait3A_662, %dma_wait3A_663] : memref<64x1536x128xf32, #tpu.memory_space<hbm>> -> memref<1x128x128xf32, #tpu.memory_space<hbm>>
    %dma_wait3A_665 = tpu.memref_squeeze %dma_wait3A_664 : memref<1x128x128xf32, #tpu.memory_space<hbm>> -> memref<128x128xf32, #tpu.memory_space<hbm>>
    %dma_wait3A_666 = arith.constant 640 : i32
    %dma_wait3A_667 = arith.constant 0 : i32
    %dma_wait3A_668 = tpu.memref_slice %arg5[%add3A_406, %dma_wait3A_666, %dma_wait3A_667] : memref<64x1536x128xf32, #tpu.memory_space<hbm>> -> memref<1x128x128xf32, #tpu.memory_space<hbm>>
    %dma_wait3A_669 = tpu.memref_squeeze %dma_wait3A_668 : memref<1x128x128xf32, #tpu.memory_space<hbm>> -> memref<128x128xf32, #tpu.memory_space<hbm>>
    tpu.wait_dma2 semaphore(%arg16 : memref<!tpu.dma_semaphore, #tpu.memory_space<semaphore_mem>>) src(%arg12 : memref<128x128xf32, #tpu.memory_space<vmem>>) dst(%dma_wait3A_669 : memref<128x128xf32, #tpu.memory_space<hbm>>)
    %dma_start3A_670 = arith.constant 896 : i32
    %dma_start3A_671 = tpu.memref_slice %arg9[%dma_start3A_670] : memref<1552xi32, #tpu.memory_space<vmem>> -> memref<128xi32, #tpu.memory_space<vmem>>
    %dma_start3A_672 = arith.constant 0 : i32
    %dma_start3A_673 = arith.constant 0 : i32
    %dma_start3A_674 = tpu.memref_slice %arg4[%dma_start3A_672, %dma_start3A_673] : memref<262144x128xf32, #tpu.memory_space<hbm>> -> memref<262144x128xf32, #tpu.memory_space<hbm>>
    tpu.enqueue_indirect_dma source(%dma_start3A_674 : memref<262144x128xf32, #tpu.memory_space<hbm>>) target(%arg12 : memref<128x128xf32, #tpu.memory_space<vmem>>) offsets(%dma_start3A_671 : memref<128xi32, #tpu.memory_space<vmem>>) semaphore(%arg14 : memref<!tpu.dma_semaphore, #tpu.memory_space<semaphore_mem>>)
    %dma_wait3A_675 = arith.constant 768 : i32
    %dma_wait3A_676 = tpu.memref_slice %arg9[%dma_wait3A_675] : memref<1552xi32, #tpu.memory_space<vmem>> -> memref<128xi32, #tpu.memory_space<vmem>>
    %dma_wait3A_677 = arith.constant 0 : i32
    %dma_wait3A_678 = arith.constant 0 : i32
    %dma_wait3A_679 = tpu.memref_slice %arg4[%dma_wait3A_677, %dma_wait3A_678] : memref<262144x128xf32, #tpu.memory_space<hbm>> -> memref<262144x128xf32, #tpu.memory_space<hbm>>
    tpu.wait_indirect_dma semaphore(%arg13 : memref<!tpu.dma_semaphore, #tpu.memory_space<semaphore_mem>>) src(%dma_wait3A_679 : memref<262144x128xf32, #tpu.memory_space<hbm>>) dst(%arg11 : memref<128x128xf32, #tpu.memory_space<vmem>>)
    %dma_start3A_680 = arith.constant 768 : i32
    %dma_start3A_681 = arith.constant 0 : i32
    %dma_start3A_682 = tpu.memref_slice %arg5[%add3A_406, %dma_start3A_680, %dma_start3A_681] : memref<64x1536x128xf32, #tpu.memory_space<hbm>> -> memref<1x128x128xf32, #tpu.memory_space<hbm>>
    %dma_start3A_683 = tpu.memref_squeeze %dma_start3A_682 : memref<1x128x128xf32, #tpu.memory_space<hbm>> -> memref<128x128xf32, #tpu.memory_space<hbm>>
    %dma_start3A_684 = arith.constant 768 : i32
    %dma_start3A_685 = arith.constant 0 : i32
    %dma_start3A_686 = tpu.memref_slice %arg5[%add3A_406, %dma_start3A_684, %dma_start3A_685] : memref<64x1536x128xf32, #tpu.memory_space<hbm>> -> memref<1x128x128xf32, #tpu.memory_space<hbm>>
    %dma_start3A_687 = tpu.memref_squeeze %dma_start3A_686 : memref<1x128x128xf32, #tpu.memory_space<hbm>> -> memref<128x128xf32, #tpu.memory_space<hbm>>
    tpu.enqueue_dma source(%arg11 : memref<128x128xf32, #tpu.memory_space<vmem>>) target(%dma_start3A_687 : memref<128x128xf32, #tpu.memory_space<hbm>>) target_semaphore(%arg15 : memref<!tpu.dma_semaphore, #tpu.memory_space<semaphore_mem>>)
    %dma_wait3A_688 = arith.constant 768 : i32
    %dma_wait3A_689 = arith.constant 0 : i32
    %dma_wait3A_690 = tpu.memref_slice %arg5[%add3A_406, %dma_wait3A_688, %dma_wait3A_689] : memref<64x1536x128xf32, #tpu.memory_space<hbm>> -> memref<1x128x128xf32, #tpu.memory_space<hbm>>
    %dma_wait3A_691 = tpu.memref_squeeze %dma_wait3A_690 : memref<1x128x128xf32, #tpu.memory_space<hbm>> -> memref<128x128xf32, #tpu.memory_space<hbm>>
    %dma_wait3A_692 = arith.constant 768 : i32
    %dma_wait3A_693 = arith.constant 0 : i32
    %dma_wait3A_694 = tpu.memref_slice %arg5[%add3A_406, %dma_wait3A_692, %dma_wait3A_693] : memref<64x1536x128xf32, #tpu.memory_space<hbm>> -> memref<1x128x128xf32, #tpu.memory_space<hbm>>
    %dma_wait3A_695 = tpu.memref_squeeze %dma_wait3A_694 : memref<1x128x128xf32, #tpu.memory_space<hbm>> -> memref<128x128xf32, #tpu.memory_space<hbm>>
    tpu.wait_dma2 semaphore(%arg15 : memref<!tpu.dma_semaphore, #tpu.memory_space<semaphore_mem>>) src(%arg11 : memref<128x128xf32, #tpu.memory_space<vmem>>) dst(%dma_wait3A_695 : memref<128x128xf32, #tpu.memory_space<hbm>>)
    %dma_start3A_696 = arith.constant 1024 : i32
    %dma_start3A_697 = tpu.memref_slice %arg9[%dma_start3A_696] : memref<1552xi32, #tpu.memory_space<vmem>> -> memref<128xi32, #tpu.memory_space<vmem>>
    %dma_start3A_698 = arith.constant 0 : i32
    %dma_start3A_699 = arith.constant 0 : i32
    %dma_start3A_700 = tpu.memref_slice %arg4[%dma_start3A_698, %dma_start3A_699] : memref<262144x128xf32, #tpu.memory_space<hbm>> -> memref<262144x128xf32, #tpu.memory_space<hbm>>
    tpu.enqueue_indirect_dma source(%dma_start3A_700 : memref<262144x128xf32, #tpu.memory_space<hbm>>) target(%arg11 : memref<128x128xf32, #tpu.memory_space<vmem>>) offsets(%dma_start3A_697 : memref<128xi32, #tpu.memory_space<vmem>>) semaphore(%arg13 : memref<!tpu.dma_semaphore, #tpu.memory_space<semaphore_mem>>)
    %dma_wait3A_701 = arith.constant 896 : i32
    %dma_wait3A_702 = tpu.memref_slice %arg9[%dma_wait3A_701] : memref<1552xi32, #tpu.memory_space<vmem>> -> memref<128xi32, #tpu.memory_space<vmem>>
    %dma_wait3A_703 = arith.constant 0 : i32
    %dma_wait3A_704 = arith.constant 0 : i32
    %dma_wait3A_705 = tpu.memref_slice %arg4[%dma_wait3A_703, %dma_wait3A_704] : memref<262144x128xf32, #tpu.memory_space<hbm>> -> memref<262144x128xf32, #tpu.memory_space<hbm>>
    tpu.wait_indirect_dma semaphore(%arg14 : memref<!tpu.dma_semaphore, #tpu.memory_space<semaphore_mem>>) src(%dma_wait3A_705 : memref<262144x128xf32, #tpu.memory_space<hbm>>) dst(%arg12 : memref<128x128xf32, #tpu.memory_space<vmem>>)
    %dma_start3A_706 = arith.constant 896 : i32
    %dma_start3A_707 = arith.constant 0 : i32
    %dma_start3A_708 = tpu.memref_slice %arg5[%add3A_406, %dma_start3A_706, %dma_start3A_707] : memref<64x1536x128xf32, #tpu.memory_space<hbm>> -> memref<1x128x128xf32, #tpu.memory_space<hbm>>
    %dma_start3A_709 = tpu.memref_squeeze %dma_start3A_708 : memref<1x128x128xf32, #tpu.memory_space<hbm>> -> memref<128x128xf32, #tpu.memory_space<hbm>>
    %dma_start3A_710 = arith.constant 896 : i32
    %dma_start3A_711 = arith.constant 0 : i32
    %dma_start3A_712 = tpu.memref_slice %arg5[%add3A_406, %dma_start3A_710, %dma_start3A_711] : memref<64x1536x128xf32, #tpu.memory_space<hbm>> -> memref<1x128x128xf32, #tpu.memory_space<hbm>>
    %dma_start3A_713 = tpu.memref_squeeze %dma_start3A_712 : memref<1x128x128xf32, #tpu.memory_space<hbm>> -> memref<128x128xf32, #tpu.memory_space<hbm>>
    tpu.enqueue_dma source(%arg12 : memref<128x128xf32, #tpu.memory_space<vmem>>) target(%dma_start3A_713 : memref<128x128xf32, #tpu.memory_space<hbm>>) target_semaphore(%arg16 : memref<!tpu.dma_semaphore, #tpu.memory_space<semaphore_mem>>)
    %dma_wait3A_714 = arith.constant 896 : i32
    %dma_wait3A_715 = arith.constant 0 : i32
    %dma_wait3A_716 = tpu.memref_slice %arg5[%add3A_406, %dma_wait3A_714, %dma_wait3A_715] : memref<64x1536x128xf32, #tpu.memory_space<hbm>> -> memref<1x128x128xf32, #tpu.memory_space<hbm>>
    %dma_wait3A_717 = tpu.memref_squeeze %dma_wait3A_716 : memref<1x128x128xf32, #tpu.memory_space<hbm>> -> memref<128x128xf32, #tpu.memory_space<hbm>>
    %dma_wait3A_718 = arith.constant 896 : i32
    %dma_wait3A_719 = arith.constant 0 : i32
    %dma_wait3A_720 = tpu.memref_slice %arg5[%add3A_406, %dma_wait3A_718, %dma_wait3A_719] : memref<64x1536x128xf32, #tpu.memory_space<hbm>> -> memref<1x128x128xf32, #tpu.memory_space<hbm>>
    %dma_wait3A_721 = tpu.memref_squeeze %dma_wait3A_720 : memref<1x128x128xf32, #tpu.memory_space<hbm>> -> memref<128x128xf32, #tpu.memory_space<hbm>>
    tpu.wait_dma2 semaphore(%arg16 : memref<!tpu.dma_semaphore, #tpu.memory_space<semaphore_mem>>) src(%arg12 : memref<128x128xf32, #tpu.memory_space<vmem>>) dst(%dma_wait3A_721 : memref<128x128xf32, #tpu.memory_space<hbm>>)
    %dma_start3A_722 = arith.constant 1152 : i32
    %dma_start3A_723 = tpu.memref_slice %arg9[%dma_start3A_722] : memref<1552xi32, #tpu.memory_space<vmem>> -> memref<128xi32, #tpu.memory_space<vmem>>
    %dma_start3A_724 = arith.constant 0 : i32
    %dma_start3A_725 = arith.constant 0 : i32
    %dma_start3A_726 = tpu.memref_slice %arg4[%dma_start3A_724, %dma_start3A_725] : memref<262144x128xf32, #tpu.memory_space<hbm>> -> memref<262144x128xf32, #tpu.memory_space<hbm>>
    tpu.enqueue_indirect_dma source(%dma_start3A_726 : memref<262144x128xf32, #tpu.memory_space<hbm>>) target(%arg12 : memref<128x128xf32, #tpu.memory_space<vmem>>) offsets(%dma_start3A_723 : memref<128xi32, #tpu.memory_space<vmem>>) semaphore(%arg14 : memref<!tpu.dma_semaphore, #tpu.memory_space<semaphore_mem>>)
    %dma_wait3A_727 = arith.constant 1024 : i32
    %dma_wait3A_728 = tpu.memref_slice %arg9[%dma_wait3A_727] : memref<1552xi32, #tpu.memory_space<vmem>> -> memref<128xi32, #tpu.memory_space<vmem>>
    %dma_wait3A_729 = arith.constant 0 : i32
    %dma_wait3A_730 = arith.constant 0 : i32
    %dma_wait3A_731 = tpu.memref_slice %arg4[%dma_wait3A_729, %dma_wait3A_730] : memref<262144x128xf32, #tpu.memory_space<hbm>> -> memref<262144x128xf32, #tpu.memory_space<hbm>>
    tpu.wait_indirect_dma semaphore(%arg13 : memref<!tpu.dma_semaphore, #tpu.memory_space<semaphore_mem>>) src(%dma_wait3A_731 : memref<262144x128xf32, #tpu.memory_space<hbm>>) dst(%arg11 : memref<128x128xf32, #tpu.memory_space<vmem>>)
    %dma_start3A_732 = arith.constant 1024 : i32
    %dma_start3A_733 = arith.constant 0 : i32
    %dma_start3A_734 = tpu.memref_slice %arg5[%add3A_406, %dma_start3A_732, %dma_start3A_733] : memref<64x1536x128xf32, #tpu.memory_space<hbm>> -> memref<1x128x128xf32, #tpu.memory_space<hbm>>
    %dma_start3A_735 = tpu.memref_squeeze %dma_start3A_734 : memref<1x128x128xf32, #tpu.memory_space<hbm>> -> memref<128x128xf32, #tpu.memory_space<hbm>>
    %dma_start3A_736 = arith.constant 1024 : i32
    %dma_start3A_737 = arith.constant 0 : i32
    %dma_start3A_738 = tpu.memref_slice %arg5[%add3A_406, %dma_start3A_736, %dma_start3A_737] : memref<64x1536x128xf32, #tpu.memory_space<hbm>> -> memref<1x128x128xf32, #tpu.memory_space<hbm>>
    %dma_start3A_739 = tpu.memref_squeeze %dma_start3A_738 : memref<1x128x128xf32, #tpu.memory_space<hbm>> -> memref<128x128xf32, #tpu.memory_space<hbm>>
    tpu.enqueue_dma source(%arg11 : memref<128x128xf32, #tpu.memory_space<vmem>>) target(%dma_start3A_739 : memref<128x128xf32, #tpu.memory_space<hbm>>) target_semaphore(%arg15 : memref<!tpu.dma_semaphore, #tpu.memory_space<semaphore_mem>>)
    %dma_wait3A_740 = arith.constant 1024 : i32
    %dma_wait3A_741 = arith.constant 0 : i32
    %dma_wait3A_742 = tpu.memref_slice %arg5[%add3A_406, %dma_wait3A_740, %dma_wait3A_741] : memref<64x1536x128xf32, #tpu.memory_space<hbm>> -> memref<1x128x128xf32, #tpu.memory_space<hbm>>
    %dma_wait3A_743 = tpu.memref_squeeze %dma_wait3A_742 : memref<1x128x128xf32, #tpu.memory_space<hbm>> -> memref<128x128xf32, #tpu.memory_space<hbm>>
    %dma_wait3A_744 = arith.constant 1024 : i32
    %dma_wait3A_745 = arith.constant 0 : i32
    %dma_wait3A_746 = tpu.memref_slice %arg5[%add3A_406, %dma_wait3A_744, %dma_wait3A_745] : memref<64x1536x128xf32, #tpu.memory_space<hbm>> -> memref<1x128x128xf32, #tpu.memory_space<hbm>>
    %dma_wait3A_747 = tpu.memref_squeeze %dma_wait3A_746 : memref<1x128x128xf32, #tpu.memory_space<hbm>> -> memref<128x128xf32, #tpu.memory_space<hbm>>
    tpu.wait_dma2 semaphore(%arg15 : memref<!tpu.dma_semaphore, #tpu.memory_space<semaphore_mem>>) src(%arg11 : memref<128x128xf32, #tpu.memory_space<vmem>>) dst(%dma_wait3A_747 : memref<128x128xf32, #tpu.memory_space<hbm>>)
    %dma_start3A_748 = arith.constant 1280 : i32
    %dma_start3A_749 = tpu.memref_slice %arg9[%dma_start3A_748] : memref<1552xi32, #tpu.memory_space<vmem>> -> memref<128xi32, #tpu.memory_space<vmem>>
    %dma_start3A_750 = arith.constant 0 : i32
    %dma_start3A_751 = arith.constant 0 : i32
    %dma_start3A_752 = tpu.memref_slice %arg4[%dma_start3A_750, %dma_start3A_751] : memref<262144x128xf32, #tpu.memory_space<hbm>> -> memref<262144x128xf32, #tpu.memory_space<hbm>>
    tpu.enqueue_indirect_dma source(%dma_start3A_752 : memref<262144x128xf32, #tpu.memory_space<hbm>>) target(%arg11 : memref<128x128xf32, #tpu.memory_space<vmem>>) offsets(%dma_start3A_749 : memref<128xi32, #tpu.memory_space<vmem>>) semaphore(%arg13 : memref<!tpu.dma_semaphore, #tpu.memory_space<semaphore_mem>>)
    %dma_wait3A_753 = arith.constant 1152 : i32
    %dma_wait3A_754 = tpu.memref_slice %arg9[%dma_wait3A_753] : memref<1552xi32, #tpu.memory_space<vmem>> -> memref<128xi32, #tpu.memory_space<vmem>>
    %dma_wait3A_755 = arith.constant 0 : i32
    %dma_wait3A_756 = arith.constant 0 : i32
    %dma_wait3A_757 = tpu.memref_slice %arg4[%dma_wait3A_755, %dma_wait3A_756] : memref<262144x128xf32, #tpu.memory_space<hbm>> -> memref<262144x128xf32, #tpu.memory_space<hbm>>
    tpu.wait_indirect_dma semaphore(%arg14 : memref<!tpu.dma_semaphore, #tpu.memory_space<semaphore_mem>>) src(%dma_wait3A_757 : memref<262144x128xf32, #tpu.memory_space<hbm>>) dst(%arg12 : memref<128x128xf32, #tpu.memory_space<vmem>>)
    %dma_start3A_758 = arith.constant 1152 : i32
    %dma_start3A_759 = arith.constant 0 : i32
    %dma_start3A_760 = tpu.memref_slice %arg5[%add3A_406, %dma_start3A_758, %dma_start3A_759] : memref<64x1536x128xf32, #tpu.memory_space<hbm>> -> memref<1x128x128xf32, #tpu.memory_space<hbm>>
    %dma_start3A_761 = tpu.memref_squeeze %dma_start3A_760 : memref<1x128x128xf32, #tpu.memory_space<hbm>> -> memref<128x128xf32, #tpu.memory_space<hbm>>
    %dma_start3A_762 = arith.constant 1152 : i32
    %dma_start3A_763 = arith.constant 0 : i32
    %dma_start3A_764 = tpu.memref_slice %arg5[%add3A_406, %dma_start3A_762, %dma_start3A_763] : memref<64x1536x128xf32, #tpu.memory_space<hbm>> -> memref<1x128x128xf32, #tpu.memory_space<hbm>>
    %dma_start3A_765 = tpu.memref_squeeze %dma_start3A_764 : memref<1x128x128xf32, #tpu.memory_space<hbm>> -> memref<128x128xf32, #tpu.memory_space<hbm>>
    tpu.enqueue_dma source(%arg12 : memref<128x128xf32, #tpu.memory_space<vmem>>) target(%dma_start3A_765 : memref<128x128xf32, #tpu.memory_space<hbm>>) target_semaphore(%arg16 : memref<!tpu.dma_semaphore, #tpu.memory_space<semaphore_mem>>)
    %dma_wait3A_766 = arith.constant 1152 : i32
    %dma_wait3A_767 = arith.constant 0 : i32
    %dma_wait3A_768 = tpu.memref_slice %arg5[%add3A_406, %dma_wait3A_766, %dma_wait3A_767] : memref<64x1536x128xf32, #tpu.memory_space<hbm>> -> memref<1x128x128xf32, #tpu.memory_space<hbm>>
    %dma_wait3A_769 = tpu.memref_squeeze %dma_wait3A_768 : memref<1x128x128xf32, #tpu.memory_space<hbm>> -> memref<128x128xf32, #tpu.memory_space<hbm>>
    %dma_wait3A_770 = arith.constant 1152 : i32
    %dma_wait3A_771 = arith.constant 0 : i32
    %dma_wait3A_772 = tpu.memref_slice %arg5[%add3A_406, %dma_wait3A_770, %dma_wait3A_771] : memref<64x1536x128xf32, #tpu.memory_space<hbm>> -> memref<1x128x128xf32, #tpu.memory_space<hbm>>
    %dma_wait3A_773 = tpu.memref_squeeze %dma_wait3A_772 : memref<1x128x128xf32, #tpu.memory_space<hbm>> -> memref<128x128xf32, #tpu.memory_space<hbm>>
    tpu.wait_dma2 semaphore(%arg16 : memref<!tpu.dma_semaphore, #tpu.memory_space<semaphore_mem>>) src(%arg12 : memref<128x128xf32, #tpu.memory_space<vmem>>) dst(%dma_wait3A_773 : memref<128x128xf32, #tpu.memory_space<hbm>>)
    %dma_start3A_774 = arith.constant 1408 : i32
    %dma_start3A_775 = tpu.memref_slice %arg9[%dma_start3A_774] : memref<1552xi32, #tpu.memory_space<vmem>> -> memref<128xi32, #tpu.memory_space<vmem>>
    %dma_start3A_776 = arith.constant 0 : i32
    %dma_start3A_777 = arith.constant 0 : i32
    %dma_start3A_778 = tpu.memref_slice %arg4[%dma_start3A_776, %dma_start3A_777] : memref<262144x128xf32, #tpu.memory_space<hbm>> -> memref<262144x128xf32, #tpu.memory_space<hbm>>
    tpu.enqueue_indirect_dma source(%dma_start3A_778 : memref<262144x128xf32, #tpu.memory_space<hbm>>) target(%arg12 : memref<128x128xf32, #tpu.memory_space<vmem>>) offsets(%dma_start3A_775 : memref<128xi32, #tpu.memory_space<vmem>>) semaphore(%arg14 : memref<!tpu.dma_semaphore, #tpu.memory_space<semaphore_mem>>)
    %dma_wait3A_779 = arith.constant 1280 : i32
    %dma_wait3A_780 = tpu.memref_slice %arg9[%dma_wait3A_779] : memref<1552xi32, #tpu.memory_space<vmem>> -> memref<128xi32, #tpu.memory_space<vmem>>
    %dma_wait3A_781 = arith.constant 0 : i32
    %dma_wait3A_782 = arith.constant 0 : i32
    %dma_wait3A_783 = tpu.memref_slice %arg4[%dma_wait3A_781, %dma_wait3A_782] : memref<262144x128xf32, #tpu.memory_space<hbm>> -> memref<262144x128xf32, #tpu.memory_space<hbm>>
    tpu.wait_indirect_dma semaphore(%arg13 : memref<!tpu.dma_semaphore, #tpu.memory_space<semaphore_mem>>) src(%dma_wait3A_783 : memref<262144x128xf32, #tpu.memory_space<hbm>>) dst(%arg11 : memref<128x128xf32, #tpu.memory_space<vmem>>)
    %dma_start3A_784 = arith.constant 1280 : i32
    %dma_start3A_785 = arith.constant 0 : i32
    %dma_start3A_786 = tpu.memref_slice %arg5[%add3A_406, %dma_start3A_784, %dma_start3A_785] : memref<64x1536x128xf32, #tpu.memory_space<hbm>> -> memref<1x128x128xf32, #tpu.memory_space<hbm>>
    %dma_start3A_787 = tpu.memref_squeeze %dma_start3A_786 : memref<1x128x128xf32, #tpu.memory_space<hbm>> -> memref<128x128xf32, #tpu.memory_space<hbm>>
    %dma_start3A_788 = arith.constant 1280 : i32
    %dma_start3A_789 = arith.constant 0 : i32
    %dma_start3A_790 = tpu.memref_slice %arg5[%add3A_406, %dma_start3A_788, %dma_start3A_789] : memref<64x1536x128xf32, #tpu.memory_space<hbm>> -> memref<1x128x128xf32, #tpu.memory_space<hbm>>
    %dma_start3A_791 = tpu.memref_squeeze %dma_start3A_790 : memref<1x128x128xf32, #tpu.memory_space<hbm>> -> memref<128x128xf32, #tpu.memory_space<hbm>>
    tpu.enqueue_dma source(%arg11 : memref<128x128xf32, #tpu.memory_space<vmem>>) target(%dma_start3A_791 : memref<128x128xf32, #tpu.memory_space<hbm>>) target_semaphore(%arg15 : memref<!tpu.dma_semaphore, #tpu.memory_space<semaphore_mem>>)
    %dma_wait3A_792 = arith.constant 1408 : i32
    %dma_wait3A_793 = tpu.memref_slice %arg9[%dma_wait3A_792] : memref<1552xi32, #tpu.memory_space<vmem>> -> memref<128xi32, #tpu.memory_space<vmem>>
    %dma_wait3A_794 = arith.constant 0 : i32
    %dma_wait3A_795 = arith.constant 0 : i32
    %dma_wait3A_796 = tpu.memref_slice %arg4[%dma_wait3A_794, %dma_wait3A_795] : memref<262144x128xf32, #tpu.memory_space<hbm>> -> memref<262144x128xf32, #tpu.memory_space<hbm>>
    tpu.wait_indirect_dma semaphore(%arg14 : memref<!tpu.dma_semaphore, #tpu.memory_space<semaphore_mem>>) src(%dma_wait3A_796 : memref<262144x128xf32, #tpu.memory_space<hbm>>) dst(%arg12 : memref<128x128xf32, #tpu.memory_space<vmem>>)
    %dma_start3A_797 = arith.constant 1408 : i32
    %dma_start3A_798 = arith.constant 0 : i32
    %dma_start3A_799 = tpu.memref_slice %arg5[%add3A_406, %dma_start3A_797, %dma_start3A_798] : memref<64x1536x128xf32, #tpu.memory_space<hbm>> -> memref<1x128x128xf32, #tpu.memory_space<hbm>>
    %dma_start3A_800 = tpu.memref_squeeze %dma_start3A_799 : memref<1x128x128xf32, #tpu.memory_space<hbm>> -> memref<128x128xf32, #tpu.memory_space<hbm>>
    %dma_start3A_801 = arith.constant 1408 : i32
    %dma_start3A_802 = arith.constant 0 : i32
    %dma_start3A_803 = tpu.memref_slice %arg5[%add3A_406, %dma_start3A_801, %dma_start3A_802] : memref<64x1536x128xf32, #tpu.memory_space<hbm>> -> memref<1x128x128xf32, #tpu.memory_space<hbm>>
    %dma_start3A_804 = tpu.memref_squeeze %dma_start3A_803 : memref<1x128x128xf32, #tpu.memory_space<hbm>> -> memref<128x128xf32, #tpu.memory_space<hbm>>
    tpu.enqueue_dma source(%arg12 : memref<128x128xf32, #tpu.memory_space<vmem>>) target(%dma_start3A_804 : memref<128x128xf32, #tpu.memory_space<hbm>>) target_semaphore(%arg16 : memref<!tpu.dma_semaphore, #tpu.memory_space<semaphore_mem>>)
    %dma_wait3A_805 = arith.constant 1280 : i32
    %dma_wait3A_806 = arith.constant 0 : i32
    %dma_wait3A_807 = tpu.memref_slice %arg5[%add3A_406, %dma_wait3A_805, %dma_wait3A_806] : memref<64x1536x128xf32, #tpu.memory_space<hbm>> -> memref<1x128x128xf32, #tpu.memory_space<hbm>>
    %dma_wait3A_808 = tpu.memref_squeeze %dma_wait3A_807 : memref<1x128x128xf32, #tpu.memory_space<hbm>> -> memref<128x128xf32, #tpu.memory_space<hbm>>
    %dma_wait3A_809 = arith.constant 1280 : i32
    %dma_wait3A_810 = arith.constant 0 : i32
    %dma_wait3A_811 = tpu.memref_slice %arg5[%add3A_406, %dma_wait3A_809, %dma_wait3A_810] : memref<64x1536x128xf32, #tpu.memory_space<hbm>> -> memref<1x128x128xf32, #tpu.memory_space<hbm>>
    %dma_wait3A_812 = tpu.memref_squeeze %dma_wait3A_811 : memref<1x128x128xf32, #tpu.memory_space<hbm>> -> memref<128x128xf32, #tpu.memory_space<hbm>>
    tpu.wait_dma2 semaphore(%arg15 : memref<!tpu.dma_semaphore, #tpu.memory_space<semaphore_mem>>) src(%arg11 : memref<128x128xf32, #tpu.memory_space<vmem>>) dst(%dma_wait3A_812 : memref<128x128xf32, #tpu.memory_space<hbm>>)
    %dma_wait3A_813 = arith.constant 1408 : i32
    %dma_wait3A_814 = arith.constant 0 : i32
    %dma_wait3A_815 = tpu.memref_slice %arg5[%add3A_406, %dma_wait3A_813, %dma_wait3A_814] : memref<64x1536x128xf32, #tpu.memory_space<hbm>> -> memref<1x128x128xf32, #tpu.memory_space<hbm>>
    %dma_wait3A_816 = tpu.memref_squeeze %dma_wait3A_815 : memref<1x128x128xf32, #tpu.memory_space<hbm>> -> memref<128x128xf32, #tpu.memory_space<hbm>>
    %dma_wait3A_817 = arith.constant 1408 : i32
    %dma_wait3A_818 = arith.constant 0 : i32
    %dma_wait3A_819 = tpu.memref_slice %arg5[%add3A_406, %dma_wait3A_817, %dma_wait3A_818] : memref<64x1536x128xf32, #tpu.memory_space<hbm>> -> memref<1x128x128xf32, #tpu.memory_space<hbm>>
    %dma_wait3A_820 = tpu.memref_squeeze %dma_wait3A_819 : memref<1x128x128xf32, #tpu.memory_space<hbm>> -> memref<128x128xf32, #tpu.memory_space<hbm>>
    tpu.wait_dma2 semaphore(%arg16 : memref<!tpu.dma_semaphore, #tpu.memory_space<semaphore_mem>>) src(%arg12 : memref<128x128xf32, #tpu.memory_space<vmem>>) dst(%dma_wait3A_820 : memref<128x128xf32, #tpu.memory_space<hbm>>)
    return
  }
}

module attributes {stable_mosaic.version = 14 : i64} {
  func.func @body(%arg0: i32, %arg1: memref<1x4096x128xf32, #tpu.memory_space<vmem>>, %arg2: memref<64x768xf32, #tpu.memory_space<vmem>>, %arg3: memref<768x512xf32, #tpu.memory_space<vmem>>, %arg4: memref<1x512xf32, #tpu.memory_space<vmem>>, %arg5: memref<512x128xf32, #tpu.memory_space<vmem>>, %arg6: memref<1x128xf32, #tpu.memory_space<vmem>>, %arg7: memref<768x512xf32, #tpu.memory_space<vmem>>, %arg8: memref<1x512xf32, #tpu.memory_space<vmem>>, %arg9: memref<512x128xf32, #tpu.memory_space<vmem>>, %arg10: memref<1x128xf32, #tpu.memory_space<vmem>>, %arg11: memref<2x128xf32, #tpu.memory_space<vmem>>, %arg12: memref<1x2xf32, #tpu.memory_space<vmem>>, %arg13: memref<1x1x4096xf32, #tpu.memory_space<vmem>>, %arg14: memref<64x16xi32, #tpu.memory_space<vmem>>, %arg15: memref<64x4096xf32, #tpu.memory_space<vmem>>, %arg16: memref<64x128xf32, #tpu.memory_space<vmem>>, %arg17: memref<64x128xf32, #tpu.memory_space<vmem>>) attributes {dimension_semantics = [#tpu.dimension_semantics<arbitrary>], iteration_bounds = array<i64: 64>, scalar_prefetch = 0 : i64, scratch_operands = 3 : i64, tpu.core_type = #tpu.core_type<tc>, window_params = [{transform_indices = @transform_0, window_bounds = array<i64: 1, 4096, 128>}, {pipeline_mode = #tpu.pipeline_mode<synchronous>, transform_indices = @transform_1, window_bounds = array<i64: 64, 768>}, {pipeline_mode = #tpu.pipeline_mode<synchronous>, transform_indices = @transform_2, window_bounds = array<i64: 768, 512>}, {pipeline_mode = #tpu.pipeline_mode<synchronous>, transform_indices = @transform_3, window_bounds = array<i64: 1, 512>}, {pipeline_mode = #tpu.pipeline_mode<synchronous>, transform_indices = @transform_4, window_bounds = array<i64: 512, 128>}, {pipeline_mode = #tpu.pipeline_mode<synchronous>, transform_indices = @transform_5, window_bounds = array<i64: 1, 128>}, {pipeline_mode = #tpu.pipeline_mode<synchronous>, transform_indices = @transform_6, window_bounds = array<i64: 768, 512>}, {pipeline_mode = #tpu.pipeline_mode<synchronous>, transform_indices = @transform_7, window_bounds = array<i64: 1, 512>}, {pipeline_mode = #tpu.pipeline_mode<synchronous>, transform_indices = @transform_8, window_bounds = array<i64: 512, 128>}, {pipeline_mode = #tpu.pipeline_mode<synchronous>, transform_indices = @transform_9, window_bounds = array<i64: 1, 128>}, {pipeline_mode = #tpu.pipeline_mode<synchronous>, transform_indices = @transform_10, window_bounds = array<i64: 2, 128>}, {pipeline_mode = #tpu.pipeline_mode<synchronous>, transform_indices = @transform_11, window_bounds = array<i64: 1, 2>}, {transform_indices = @transform_12, window_bounds = array<i64: 1, 1, 4096>}, {pipeline_mode = #tpu.pipeline_mode<synchronous>, transform_indices = @transform_13, window_bounds = array<i64: 64, 16>}]} {
    %eq3A = arith.constant 0 : i32
    %eq3A_0 = arith.cmpi eq, %arg0, %eq3A : i32
    %convert_element_type3A = arith.extui %eq3A_0 : i1 to i32
    %cond3A = arith.constant 0 : i32
    %cond3A_1 = arith.cmpi ne, %convert_element_type3A, %cond3A : i32
    scf.if %cond3A_1 {
      %get3A_54 = arith.constant 0 : index
      %get3A_55 = arith.constant 0 : index
      %get3A_56 = vector.load %arg2[%get3A_54, %get3A_55] : memref<64x768xf32, #tpu.memory_space<vmem>>, vector<64x768xf32>
      %get3A_57 = arith.constant 0 : index
      %get3A_58 = arith.constant 0 : index
      %get3A_59 = vector.load %arg3[%get3A_57, %get3A_58] : memref<768x512xf32, #tpu.memory_space<vmem>>, vector<768x512xf32>
      %get3A_60 = arith.constant 0 : index
      %get3A_61 = arith.constant 0 : index
      %get3A_62 = vector.load %arg4[%get3A_60, %get3A_61] : memref<1x512xf32, #tpu.memory_space<vmem>>, vector<1x512xf32>
      %get3A_63 = arith.constant 0 : index
      %get3A_64 = arith.constant 0 : index
      %get3A_65 = vector.load %arg5[%get3A_63, %get3A_64] : memref<512x128xf32, #tpu.memory_space<vmem>>, vector<512x128xf32>
      %get3A_66 = arith.constant 0 : index
      %get3A_67 = arith.constant 0 : index
      %get3A_68 = vector.load %arg6[%get3A_66, %get3A_67] : memref<1x128xf32, #tpu.memory_space<vmem>>, vector<1x128xf32>
      %dot_general3A_69 = arith.constant dense<0.000000e+00> : vector<64x512xf32>
      %dot_general3A_70 = tpu.matmul %get3A_56, %get3A_59, %dot_general3A_69 {dimension_numbers = #tpu.dot_dimension_numbers<[1], [0], [0], [1], [0, 0, 1, 1], [], []>, transpose_lhs_hint = false} : vector<64x768xf32>, vector<768x512xf32>, vector<64x512xf32> -> vector<64x512xf32>
      %add3A_71 = vector.broadcast %get3A_62 : vector<1x512xf32> to vector<64x512xf32>
      %add3A_72 = arith.addf %dot_general3A_70, %add3A_71 : vector<64x512xf32>
      %mul3A_73 = arith.constant 5.000000e-01 : f32
      %mul3A_74 = vector.broadcast %mul3A_73 : f32 to vector<64x512xf32>
      %mul3A_75 = arith.mulf %mul3A_74, %add3A_72 : vector<64x512xf32>
      %mul3A_76 = arith.constant 0.707106769 : f32
      %mul3A_77 = vector.broadcast %mul3A_76 : f32 to vector<64x512xf32>
      %mul3A_78 = arith.mulf %add3A_72, %mul3A_77 : vector<64x512xf32>
      %erf3A = math.erf %mul3A_78 : vector<64x512xf32>
      %add3A_79 = arith.constant 1.000000e+00 : f32
      %add3A_80 = vector.broadcast %add3A_79 : f32 to vector<64x512xf32>
      %add3A_81 = arith.addf %add3A_80, %erf3A : vector<64x512xf32>
      %mul3A_82 = arith.mulf %mul3A_75, %add3A_81 : vector<64x512xf32>
      %dot_general3A_83 = arith.constant dense<0.000000e+00> : vector<64x128xf32>
      %dot_general3A_84 = tpu.matmul %mul3A_82, %get3A_65, %dot_general3A_83 {dimension_numbers = #tpu.dot_dimension_numbers<[1], [0], [0], [1], [0, 0, 1, 1], [], []>, transpose_lhs_hint = false} : vector<64x512xf32>, vector<512x128xf32>, vector<64x128xf32> -> vector<64x128xf32>
      %add3A_85 = vector.broadcast %get3A_68 : vector<1x128xf32> to vector<64x128xf32>
      %add3A_86 = arith.addf %dot_general3A_84, %add3A_85 : vector<64x128xf32>
      %swap3A_87 = arith.constant 0 : index
      %swap3A_88 = arith.constant 0 : index
      %swap3A_89 = vector.load %arg16[%swap3A_87, %swap3A_88] : memref<64x128xf32, #tpu.memory_space<vmem>>, vector<64x128xf32>
      tpu.vector_store %arg16[%swap3A_87, %swap3A_88], %add3A_86 {strides = array<i32>} : memref<64x128xf32, #tpu.memory_space<vmem>>, vector<64x128xf32>,
      %get3A_90 = arith.constant 0 : index
      %get3A_91 = arith.constant 0 : index
      %get3A_92 = vector.load %arg7[%get3A_90, %get3A_91] : memref<768x512xf32, #tpu.memory_space<vmem>>, vector<768x512xf32>
      %get3A_93 = arith.constant 0 : index
      %get3A_94 = arith.constant 0 : index
      %get3A_95 = vector.load %arg8[%get3A_93, %get3A_94] : memref<1x512xf32, #tpu.memory_space<vmem>>, vector<1x512xf32>
      %get3A_96 = arith.constant 0 : index
      %get3A_97 = arith.constant 0 : index
      %get3A_98 = vector.load %arg9[%get3A_96, %get3A_97] : memref<512x128xf32, #tpu.memory_space<vmem>>, vector<512x128xf32>
      %get3A_99 = arith.constant 0 : index
      %get3A_100 = arith.constant 0 : index
      %get3A_101 = vector.load %arg10[%get3A_99, %get3A_100] : memref<1x128xf32, #tpu.memory_space<vmem>>, vector<1x128xf32>
      %dot_general3A_102 = arith.constant dense<0.000000e+00> : vector<64x512xf32>
      %dot_general3A_103 = tpu.matmul %get3A_56, %get3A_92, %dot_general3A_102 {dimension_numbers = #tpu.dot_dimension_numbers<[1], [0], [0], [1], [0, 0, 1, 1], [], []>, transpose_lhs_hint = false} : vector<64x768xf32>, vector<768x512xf32>, vector<64x512xf32> -> vector<64x512xf32>
      %add3A_104 = vector.broadcast %get3A_95 : vector<1x512xf32> to vector<64x512xf32>
      %add3A_105 = arith.addf %dot_general3A_103, %add3A_104 : vector<64x512xf32>
      %mul3A_106 = arith.constant 5.000000e-01 : f32
      %mul3A_107 = vector.broadcast %mul3A_106 : f32 to vector<64x512xf32>
      %mul3A_108 = arith.mulf %mul3A_107, %add3A_105 : vector<64x512xf32>
      %mul3A_109 = arith.constant 0.707106769 : f32
      %mul3A_110 = vector.broadcast %mul3A_109 : f32 to vector<64x512xf32>
      %mul3A_111 = arith.mulf %add3A_105, %mul3A_110 : vector<64x512xf32>
      %erf3A_112 = math.erf %mul3A_111 : vector<64x512xf32>
      %add3A_113 = arith.constant 1.000000e+00 : f32
      %add3A_114 = vector.broadcast %add3A_113 : f32 to vector<64x512xf32>
      %add3A_115 = arith.addf %add3A_114, %erf3A_112 : vector<64x512xf32>
      %mul3A_116 = arith.mulf %mul3A_108, %add3A_115 : vector<64x512xf32>
      %dot_general3A_117 = arith.constant dense<0.000000e+00> : vector<64x128xf32>
      %dot_general3A_118 = tpu.matmul %mul3A_116, %get3A_98, %dot_general3A_117 {dimension_numbers = #tpu.dot_dimension_numbers<[1], [0], [0], [1], [0, 0, 1, 1], [], []>, transpose_lhs_hint = false} : vector<64x512xf32>, vector<512x128xf32>, vector<64x128xf32> -> vector<64x128xf32>
      %add3A_119 = vector.broadcast %get3A_101 : vector<1x128xf32> to vector<64x128xf32>
      %add3A_120 = arith.addf %dot_general3A_118, %add3A_119 : vector<64x128xf32>
      %swap3A_121 = arith.constant 0 : index
      %swap3A_122 = arith.constant 0 : index
      %swap3A_123 = vector.load %arg17[%swap3A_121, %swap3A_122] : memref<64x128xf32, #tpu.memory_space<vmem>>, vector<64x128xf32>
      tpu.vector_store %arg17[%swap3A_121, %swap3A_122], %add3A_120 {strides = array<i32>} : memref<64x128xf32, #tpu.memory_space<vmem>>, vector<64x128xf32>,
    } else {
    }
    %get3A = arith.constant 0 : index
    %get3A_2 = arith.constant 0 : index
    %get3A_3 = arith.constant 0 : index
    %get3A_4 = vector.load %arg1[%get3A, %get3A_2, %get3A_3] : memref<1x4096x128xf32, #tpu.memory_space<vmem>>, vector<1x4096x128xf32>
    %get3A_5 = vector.shape_cast %get3A_4 : vector<1x4096x128xf32> to vector<4096x128xf32>
    %add3A = arith.constant 0 : i32
    %add3A_6 = arith.addi %arg0, %add3A : i32
    %get3A_7 = arith.index_cast %add3A_6 : i32 to index
    %get3A_8 = arith.constant 0 : index
    %get3A_9 = vector.load %arg16[%get3A_7, %get3A_8] : memref<64x128xf32, #tpu.memory_space<vmem>>, vector<1x128xf32>
    %add3A_10 = arith.constant 0 : i32
    %add3A_11 = arith.addi %arg0, %add3A_10 : i32
    %get3A_12 = arith.index_cast %add3A_11 : i32 to index
    %get3A_13 = arith.constant 0 : index
    %get3A_14 = vector.load %arg17[%get3A_12, %get3A_13] : memref<64x128xf32, #tpu.memory_space<vmem>>, vector<1x128xf32>
    %add3A_15 = arith.constant 1.000000e+00 : f32
    %add3A_16 = vector.broadcast %add3A_15 : f32 to vector<1x128xf32>
    %add3A_17 = arith.addf %add3A_16, %get3A_9 : vector<1x128xf32>
    %mul3A = vector.broadcast %add3A_17 : vector<1x128xf32> to vector<4096x128xf32>
    %mul3A_18 = arith.mulf %get3A_5, %mul3A : vector<4096x128xf32>
    %add3A_19 = vector.broadcast %get3A_14 : vector<1x128xf32> to vector<4096x128xf32>
    %add3A_20 = arith.addf %mul3A_18, %add3A_19 : vector<4096x128xf32>
    %get3A_21 = arith.constant 0 : index
    %get3A_22 = arith.constant 0 : index
    %get3A_23 = vector.load %arg11[%get3A_21, %get3A_22] : memref<2x128xf32, #tpu.memory_space<vmem>>, vector<2x128xf32>
    %dot_general3A = arith.constant dense<0.000000e+00> : vector<2x4096xf32>
    %dot_general3A_24 = tpu.matmul %get3A_23, %add3A_20, %dot_general3A {dimension_numbers = #tpu.dot_dimension_numbers<[1], [1], [0], [0], [0, 0, 1, 0], [], []>, transpose_lhs_hint = false} : vector<2x128xf32>, vector<4096x128xf32>, vector<2x4096xf32> -> vector<2x4096xf32>
    %slice3A = vector.extract_strided_slice %dot_general3A_24 {offsets = [0, 0], sizes = [1, 4096], strides = [1, 1]} : vector<2x4096xf32> to vector<1x4096xf32>
    %get3A_25 = arith.constant 0 : index
    %get3A_26 = arith.constant 0 : index
    %get3A_27 = vector.load %arg12[%get3A_25, %get3A_26] : memref<1x2xf32, #tpu.memory_space<vmem>>, vector<1x1xf32>
    %get3A_28 = vector.extract %get3A_27[0, 0] : f32 from vector<1x1xf32>
    %add3A_29 = vector.broadcast %get3A_28 : f32 to vector<1x4096xf32>
    %add3A_30 = arith.addf %slice3A, %add3A_29 : vector<1x4096xf32>
    %slice3A_31 = vector.extract_strided_slice %dot_general3A_24 {offsets = [1, 0], sizes = [1, 4096], strides = [1, 1]} : vector<2x4096xf32> to vector<1x4096xf32>
    %get3A_32 = arith.constant 0 : index
    %get3A_33 = arith.constant 1 : index
    %get3A_34 = vector.load %arg12[%get3A_32, %get3A_33] : memref<1x2xf32, #tpu.memory_space<vmem>>, vector<1x1xf32>
    %get3A_35 = vector.extract %get3A_34[0, 0] : f32 from vector<1x1xf32>
    %add3A_36 = vector.broadcast %get3A_35 : f32 to vector<1x4096xf32>
    %add3A_37 = arith.addf %slice3A_31, %add3A_36 : vector<1x4096xf32>
    %max3A = arith.maximumf %add3A_30, %add3A_37 : vector<1x4096xf32>
    %sub3A = arith.subf %add3A_30, %max3A : vector<1x4096xf32>
    %exp3A = math.exp %sub3A : vector<1x4096xf32>
    %sub3A_38 = arith.subf %add3A_37, %max3A : vector<1x4096xf32>
    %exp3A_39 = math.exp %sub3A_38 : vector<1x4096xf32>
    %add3A_40 = arith.addf %exp3A, %exp3A_39 : vector<1x4096xf32>
    %div3A = arith.divf %exp3A_39, %add3A_40 : vector<1x4096xf32>
    %squeeze3A = vector.shape_cast %div3A : vector<1x4096xf32> to vector<4096xf32>
    %swap3A = arith.constant 0 : index
    %swap3A_41 = arith.constant 0 : index
    %swap3A_42 = arith.constant 0 : index
    %swap3A_43 = vector.load %arg13[%swap3A, %swap3A_41, %swap3A_42] : memref<1x1x4096xf32, #tpu.memory_space<vmem>>, vector<1x1x4096xf32>
    %swap3A_44 = vector.shape_cast %swap3A_43 : vector<1x1x4096xf32> to vector<4096xf32>
    %swap3A_45 = vector.shape_cast %squeeze3A : vector<4096xf32> to vector<1x1x4096xf32>
    tpu.vector_store %arg13[%swap3A, %swap3A_41, %swap3A_42], %swap3A_45 {strides = array<i32>} : memref<1x1x4096xf32, #tpu.memory_space<vmem>>, vector<1x1x4096xf32>,
    %swap3A_46 = arith.index_cast %arg0 : i32 to index
    %swap3A_47 = arith.constant 0 : index
    %swap3A_48 = vector.load %arg15[%swap3A_46, %swap3A_47] : memref<64x4096xf32, #tpu.memory_space<vmem>>, vector<1x4096xf32>
    tpu.vector_store %arg15[%swap3A_46, %swap3A_47], %div3A {strides = array<i32>} : memref<64x4096xf32, #tpu.memory_space<vmem>>, vector<1x4096xf32>,
    %eq3A_49 = arith.constant 63 : i32
    %eq3A_50 = arith.cmpi eq, %arg0, %eq3A_49 : i32
    %convert_element_type3A_51 = arith.extui %eq3A_50 : i1 to i32
    %cond3A_52 = arith.constant 0 : i32
    %cond3A_53 = arith.cmpi ne, %convert_element_type3A_51, %cond3A_52 : i32
    scf.if %cond3A_53 {
      %get3A_54 = arith.constant 0 : index
      %get3A_55 = arith.constant 0 : index
      %get3A_56 = vector.load %arg15[%get3A_54, %get3A_55] : memref<64x4096xf32, #tpu.memory_space<vmem>>, vector<64x4096xf32>
      %bitcast_convert_type3A = tpu.bitcast %get3A_56 : vector<64x4096xf32> -> vector<64x4096xi32>
      %iota3A = tpu.iota {dimensions = array<i32: 1>} : vector<64x4096xi32>
      %lt3A = arith.constant 4080 : i32
      %lt3A_57 = vector.broadcast %lt3A : i32 to vector<64x4096xi32>
      %lt3A_58 = arith.cmpi slt, %iota3A, %lt3A_57 : vector<64x4096xi32>
      %jit3A = arith.constant -1 : i32
      %broadcast_in_dim3A = vector.broadcast %jit3A : i32 to vector<64x4096xi32>
      %select_n3A = arith.select %lt3A_58, %bitcast_convert_type3A, %broadcast_in_dim3A : vector<64x4096xi1>, vector<64x4096xi32>
      %ge3A = arith.constant 4080 : i32
      %ge3A_59 = vector.broadcast %ge3A : i32 to vector<64x4096xi32>
      %ge3A_60 = arith.cmpi sge, %iota3A, %ge3A_59 : vector<64x4096xi32>
      %jit3A_61 = arith.constant -1 : i32
      %broadcast_in_dim3A_62 = vector.broadcast %jit3A_61 : i32 to vector<64x4096xi32>
      %select_n3A_63 = arith.select %ge3A_60, %bitcast_convert_type3A, %broadcast_in_dim3A_62 : vector<64x4096xi1>, vector<64x4096xi32>
      %broadcast_in_dim3A_64 = arith.constant 0 : i32
      %broadcast_in_dim3A_65 = vector.broadcast %broadcast_in_dim3A_64 : i32 to vector<64x1xi32>
      %broadcast_in_dim3A_66 = arith.constant 2139095040 : i32
      %broadcast_in_dim3A_67 = vector.broadcast %broadcast_in_dim3A_66 : i32 to vector<64x1xi32>
      %scan3A = arith.constant 0 : i32
      %scan3A_68 = arith.constant 31 : i32
      %scan3A_69 = arith.addi %scan3A, %scan3A_68 : i32
      %scan3A_70 = arith.constant 1 : i32
      %scan3A_71:2 = scf.for %scan3A_102 = %scan3A to %scan3A_69 step %scan3A_70 iter_args(%scan3A_103 = %broadcast_in_dim3A_65, %scan3A_104 = %broadcast_in_dim3A_67) -> (vector<64x1xi32>, vector<64x1xi32>)  : i32 {
        %sub3A_105 = arith.subi %scan3A_104, %scan3A_103 : vector<64x1xi32>
        %shift_right_logical3A = arith.constant 1 : i32
        %shift_right_logical3A_106 = vector.broadcast %shift_right_logical3A : i32 to vector<64x1xi32>
        %shift_right_logical3A_107 = arith.shrui %sub3A_105, %shift_right_logical3A_106 : vector<64x1xi32>
        %add3A_108 = arith.addi %scan3A_103, %shift_right_logical3A_107 : vector<64x1xi32>
        %ge3A_109 = vector.broadcast %add3A_108 : vector<64x1xi32> to vector<64x4096xi32>
        %ge3A_110 = arith.cmpi sge, %select_n3A, %ge3A_109 : vector<64x4096xi32>
        %convert_element_type3A_111 = arith.extui %ge3A_110 : vector<64x4096xi1> to vector<64x4096xi32>
        %reduce_sum3A_112 = arith.constant dense<0> : vector<64xi32>
        %reduce_sum3A_113 = vector.multi_reduction <add>, %convert_element_type3A_111, %reduce_sum3A_112 [1] : vector<64x4096xi32> to vector<64xi32>
        %broadcast_in_dim3A_114 = vector.shape_cast %reduce_sum3A_113 : vector<64xi32> to vector<64x1xi32>
        %ge3A_115 = arith.constant 1528 : i32
        %ge3A_116 = vector.broadcast %ge3A_115 : i32 to vector<64x1xi32>
        %ge3A_117 = arith.cmpi sge, %broadcast_in_dim3A_114, %ge3A_116 : vector<64x1xi32>
        %select_n3A_118 = arith.select %ge3A_117, %add3A_108, %scan3A_103 : vector<64x1xi1>, vector<64x1xi32>
        %select_n3A_119 = arith.select %ge3A_117, %scan3A_104, %add3A_108 : vector<64x1xi1>, vector<64x1xi32>
        scf.yield %select_n3A_118, %select_n3A_119 : vector<64x1xi32>, vector<64x1xi32>
      }
      %gt3A = vector.broadcast %scan3A_71#0 : vector<64x1xi32> to vector<64x4096xi32>
      %gt3A_72 = arith.cmpi sgt, %select_n3A, %gt3A : vector<64x4096xi32>
      %convert_element_type3A_73 = arith.extui %gt3A_72 : vector<64x4096xi1> to vector<64x4096xi32>
      %reduce_sum3A = arith.constant dense<0> : vector<64xi32>
      %reduce_sum3A_74 = vector.multi_reduction <add>, %convert_element_type3A_73, %reduce_sum3A [1] : vector<64x4096xi32> to vector<64xi32>
      %broadcast_in_dim3A_75 = vector.shape_cast %reduce_sum3A_74 : vector<64xi32> to vector<64x1xi32>
      %sub3A_76 = arith.constant 1528 : i32
      %sub3A_77 = vector.broadcast %sub3A_76 : i32 to vector<64x1xi32>
      %sub3A_78 = arith.subi %sub3A_77, %broadcast_in_dim3A_75 : vector<64x1xi32>
      %broadcast_in_dim3A_79 = arith.constant 0 : i32
      %broadcast_in_dim3A_80 = vector.broadcast %broadcast_in_dim3A_79 : i32 to vector<64x1xi32>
      %broadcast_in_dim3A_81 = arith.constant 2139095040 : i32
      %broadcast_in_dim3A_82 = vector.broadcast %broadcast_in_dim3A_81 : i32 to vector<64x1xi32>
      %scan3A_83 = arith.constant 0 : i32
      %scan3A_84 = arith.constant 31 : i32
      %scan3A_85 = arith.addi %scan3A_83, %scan3A_84 : i32
      %scan3A_86 = arith.constant 1 : i32
      %scan3A_87:2 = scf.for %scan3A_102 = %scan3A_83 to %scan3A_85 step %scan3A_86 iter_args(%scan3A_103 = %broadcast_in_dim3A_80, %scan3A_104 = %broadcast_in_dim3A_82) -> (vector<64x1xi32>, vector<64x1xi32>)  : i32 {
        %sub3A_105 = arith.subi %scan3A_104, %scan3A_103 : vector<64x1xi32>
        %shift_right_logical3A = arith.constant 1 : i32
        %shift_right_logical3A_106 = vector.broadcast %shift_right_logical3A : i32 to vector<64x1xi32>
        %shift_right_logical3A_107 = arith.shrui %sub3A_105, %shift_right_logical3A_106 : vector<64x1xi32>
        %add3A_108 = arith.addi %scan3A_103, %shift_right_logical3A_107 : vector<64x1xi32>
        %ge3A_109 = vector.broadcast %add3A_108 : vector<64x1xi32> to vector<64x4096xi32>
        %ge3A_110 = arith.cmpi sge, %select_n3A_63, %ge3A_109 : vector<64x4096xi32>
        %convert_element_type3A_111 = arith.extui %ge3A_110 : vector<64x4096xi1> to vector<64x4096xi32>
        %reduce_sum3A_112 = arith.constant dense<0> : vector<64xi32>
        %reduce_sum3A_113 = vector.multi_reduction <add>, %convert_element_type3A_111, %reduce_sum3A_112 [1] : vector<64x4096xi32> to vector<64xi32>
        %broadcast_in_dim3A_114 = vector.shape_cast %reduce_sum3A_113 : vector<64xi32> to vector<64x1xi32>
        %ge3A_115 = arith.constant 8 : i32
        %ge3A_116 = vector.broadcast %ge3A_115 : i32 to vector<64x1xi32>
        %ge3A_117 = arith.cmpi sge, %broadcast_in_dim3A_114, %ge3A_116 : vector<64x1xi32>
        %select_n3A_118 = arith.select %ge3A_117, %add3A_108, %scan3A_103 : vector<64x1xi1>, vector<64x1xi32>
        %select_n3A_119 = arith.select %ge3A_117, %scan3A_104, %add3A_108 : vector<64x1xi1>, vector<64x1xi32>
        scf.yield %select_n3A_118, %select_n3A_119 : vector<64x1xi32>, vector<64x1xi32>
      }
      %gt3A_88 = vector.broadcast %scan3A_87#0 : vector<64x1xi32> to vector<64x4096xi32>
      %gt3A_89 = arith.cmpi sgt, %select_n3A_63, %gt3A_88 : vector<64x4096xi32>
      %convert_element_type3A_90 = arith.extui %gt3A_89 : vector<64x4096xi1> to vector<64x4096xi32>
      %reduce_sum3A_91 = arith.constant dense<0> : vector<64xi32>
      %reduce_sum3A_92 = vector.multi_reduction <add>, %convert_element_type3A_90, %reduce_sum3A_91 [1] : vector<64x4096xi32> to vector<64xi32>
      %broadcast_in_dim3A_93 = vector.shape_cast %reduce_sum3A_92 : vector<64xi32> to vector<64x1xi32>
      %sub3A_94 = arith.constant 8 : i32
      %sub3A_95 = vector.broadcast %sub3A_94 : i32 to vector<64x1xi32>
      %sub3A_96 = arith.subi %sub3A_95, %broadcast_in_dim3A_93 : vector<64x1xi32>
      %broadcast_in_dim3A_97 = arith.constant 0 : i32
      %broadcast_in_dim3A_98 = vector.broadcast %broadcast_in_dim3A_97 : i32 to vector<64x12xi32>
      %concatenate3A = tpu.concatenate %scan3A_71#0, %sub3A_78, %scan3A_87#0, %sub3A_96, %broadcast_in_dim3A_98 in 1 : vector<64x1xi32>, vector<64x1xi32>, vector<64x1xi32>, vector<64x1xi32>, vector<64x12xi32> -> vector<64x16xi32>
      %swap3A_99 = arith.constant 0 : index
      %swap3A_100 = arith.constant 0 : index
      %swap3A_101 = vector.load %arg14[%swap3A_99, %swap3A_100] : memref<64x16xi32, #tpu.memory_space<vmem>>, vector<64x16xi32>
      tpu.vector_store %arg14[%swap3A_99, %swap3A_100], %concatenate3A {strides = array<i32>} : memref<64x16xi32, #tpu.memory_space<vmem>>, vector<64x16xi32>,
    } else {
    }
    return
  }
  func.func @transform_0(%arg0: i32) -> (i32, i32, i32) {
    %add3A = arith.constant 0 : i32
    %add3A_0 = arith.addi %arg0, %add3A : i32
    %c0_i32 = arith.constant 0 : i32
    %c0_i32_1 = arith.constant 0 : i32
    %c0_i32_2 = arith.constant 0 : i32
    return %add3A_0, %c0_i32, %c0_i32_1 : i32, i32, i32
  }
  func.func @transform_1(%arg0: i32) -> (i32, i32) {
    %c0_i32 = arith.constant 0 : i32
    %c0_i32_0 = arith.constant 0 : i32
    %c0_i32_1 = arith.constant 0 : i32
    return %c0_i32, %c0_i32_0 : i32, i32
  }
  func.func @transform_2(%arg0: i32) -> (i32, i32) {
    %c0_i32 = arith.constant 0 : i32
    %c0_i32_0 = arith.constant 0 : i32
    %c0_i32_1 = arith.constant 0 : i32
    return %c0_i32, %c0_i32_0 : i32, i32
  }
  func.func @transform_3(%arg0: i32) -> (i32, i32) {
    %c0_i32 = arith.constant 0 : i32
    %c0_i32_0 = arith.constant 0 : i32
    %c0_i32_1 = arith.constant 0 : i32
    return %c0_i32, %c0_i32_0 : i32, i32
  }
  func.func @transform_4(%arg0: i32) -> (i32, i32) {
    %c0_i32 = arith.constant 0 : i32
    %c0_i32_0 = arith.constant 0 : i32
    %c0_i32_1 = arith.constant 0 : i32
    return %c0_i32, %c0_i32_0 : i32, i32
  }
  func.func @transform_5(%arg0: i32) -> (i32, i32) {
    %c0_i32 = arith.constant 0 : i32
    %c0_i32_0 = arith.constant 0 : i32
    %c0_i32_1 = arith.constant 0 : i32
    return %c0_i32, %c0_i32_0 : i32, i32
  }
  func.func @transform_6(%arg0: i32) -> (i32, i32) {
    %c0_i32 = arith.constant 0 : i32
    %c0_i32_0 = arith.constant 0 : i32
    %c0_i32_1 = arith.constant 0 : i32
    return %c0_i32, %c0_i32_0 : i32, i32
  }
  func.func @transform_7(%arg0: i32) -> (i32, i32) {
    %c0_i32 = arith.constant 0 : i32
    %c0_i32_0 = arith.constant 0 : i32
    %c0_i32_1 = arith.constant 0 : i32
    return %c0_i32, %c0_i32_0 : i32, i32
  }
  func.func @transform_8(%arg0: i32) -> (i32, i32) {
    %c0_i32 = arith.constant 0 : i32
    %c0_i32_0 = arith.constant 0 : i32
    %c0_i32_1 = arith.constant 0 : i32
    return %c0_i32, %c0_i32_0 : i32, i32
  }
  func.func @transform_9(%arg0: i32) -> (i32, i32) {
    %c0_i32 = arith.constant 0 : i32
    %c0_i32_0 = arith.constant 0 : i32
    %c0_i32_1 = arith.constant 0 : i32
    return %c0_i32, %c0_i32_0 : i32, i32
  }
  func.func @transform_10(%arg0: i32) -> (i32, i32) {
    %c0_i32 = arith.constant 0 : i32
    %c0_i32_0 = arith.constant 0 : i32
    %c0_i32_1 = arith.constant 0 : i32
    return %c0_i32, %c0_i32_0 : i32, i32
  }
  func.func @transform_11(%arg0: i32) -> (i32, i32) {
    %c0_i32 = arith.constant 0 : i32
    %c0_i32_0 = arith.constant 0 : i32
    %c0_i32_1 = arith.constant 0 : i32
    return %c0_i32, %c0_i32_0 : i32, i32
  }
  func.func @transform_12(%arg0: i32) -> (i32, i32, i32) {
    %c0_i32 = arith.constant 0 : i32
    %c0_i32_0 = arith.constant 0 : i32
    %c0_i32_1 = arith.constant 0 : i32
    return %arg0, %c0_i32, %c0_i32_0 : i32, i32, i32
  }
  func.func @transform_13(%arg0: i32) -> (i32, i32) {
    %c0_i32 = arith.constant 0 : i32
    %c0_i32_0 = arith.constant 0 : i32
    %c0_i32_1 = arith.constant 0 : i32
    return %c0_i32, %c0_i32_0 : i32, i32
  }
}

module attributes {stable_mosaic.version = 14 : i64} {
  func.func @_ffn_body(%arg0: i32, %arg1: memref<1x1536x128xf32, #tpu.memory_space<vmem>>, %arg2: memref<1x1x1536xf32, #tpu.memory_space<vmem>>, %arg3: memref<1x128xf32, #tpu.memory_space<vmem>>, %arg4: memref<1x128xf32, #tpu.memory_space<vmem>>, %arg5: memref<128x512xbf16, #tpu.memory_space<vmem>>, %arg6: memref<1x512xf32, #tpu.memory_space<vmem>>, %arg7: memref<512x128xbf16, #tpu.memory_space<vmem>>, %arg8: memref<1x128xf32, #tpu.memory_space<vmem>>, %arg9: memref<1x1536x128xf32, #tpu.memory_space<vmem>>) attributes {dimension_semantics = [#tpu.dimension_semantics<arbitrary>], iteration_bounds = array<i64: 64>, scalar_prefetch = 0 : i64, scratch_operands = 0 : i64, tpu.core_type = #tpu.core_type<tc>, window_params = [{transform_indices = @transform_0, window_bounds = array<i64: 1, 1536, 128>}, {transform_indices = @transform_1, window_bounds = array<i64: 1, 1, 1536>}, {pipeline_mode = #tpu.pipeline_mode<synchronous>, transform_indices = @transform_2, window_bounds = array<i64: 1, 128>}, {pipeline_mode = #tpu.pipeline_mode<synchronous>, transform_indices = @transform_3, window_bounds = array<i64: 1, 128>}, {pipeline_mode = #tpu.pipeline_mode<synchronous>, transform_indices = @transform_4, window_bounds = array<i64: 128, 512>}, {pipeline_mode = #tpu.pipeline_mode<synchronous>, transform_indices = @transform_5, window_bounds = array<i64: 1, 512>}, {pipeline_mode = #tpu.pipeline_mode<synchronous>, transform_indices = @transform_6, window_bounds = array<i64: 512, 128>}, {pipeline_mode = #tpu.pipeline_mode<synchronous>, transform_indices = @transform_7, window_bounds = array<i64: 1, 128>}, {transform_indices = @transform_8, window_bounds = array<i64: 1, 1536, 128>}]} {
    %get3A = arith.constant 0 : index
    %get3A_0 = arith.constant 0 : index
    %get3A_1 = arith.constant 0 : index
    %get3A_2 = vector.load %arg1[%get3A, %get3A_0, %get3A_1] : memref<1x1536x128xf32, #tpu.memory_space<vmem>>, vector<1x1536x128xf32>
    %get3A_3 = vector.shape_cast %get3A_2 : vector<1x1536x128xf32> to vector<1536x128xf32>
    %reduce_sum3A = arith.constant dense<0.000000e+00> : vector<1536xf32>
    %reduce_sum3A_4 = vector.multi_reduction <add>, %get3A_3, %reduce_sum3A [1] : vector<1536x128xf32> to vector<1536xf32>
    %broadcast_in_dim3A = vector.shape_cast %reduce_sum3A_4 : vector<1536xf32> to vector<1536x1xf32>
    %div3A = arith.constant 1.280000e+02 : f32
    %div3A_5 = vector.broadcast %div3A : f32 to vector<1536x1xf32>
    %div3A_6 = arith.divf %broadcast_in_dim3A, %div3A_5 : vector<1536x1xf32>
    %sub3A = vector.broadcast %div3A_6 : vector<1536x1xf32> to vector<1536x128xf32>
    %sub3A_7 = arith.subf %get3A_3, %sub3A : vector<1536x128xf32>
    %mul3A = arith.mulf %sub3A_7, %sub3A_7 : vector<1536x128xf32>
    %reduce_sum3A_8 = arith.constant dense<0.000000e+00> : vector<1536xf32>
    %reduce_sum3A_9 = vector.multi_reduction <add>, %mul3A, %reduce_sum3A_8 [1] : vector<1536x128xf32> to vector<1536xf32>
    %broadcast_in_dim3A_10 = vector.shape_cast %reduce_sum3A_9 : vector<1536xf32> to vector<1536x1xf32>
    %div3A_11 = arith.constant 1.280000e+02 : f32
    %div3A_12 = vector.broadcast %div3A_11 : f32 to vector<1536x1xf32>
    %div3A_13 = arith.divf %broadcast_in_dim3A_10, %div3A_12 : vector<1536x1xf32>
    %add3A = arith.constant 9.99999974E-6 : f32
    %add3A_14 = vector.broadcast %add3A : f32 to vector<1536x1xf32>
    %add3A_15 = arith.addf %div3A_13, %add3A_14 : vector<1536x1xf32>
    %rsqrt3A = math.rsqrt %add3A_15 : vector<1536x1xf32>
    %mul3A_16 = vector.broadcast %rsqrt3A : vector<1536x1xf32> to vector<1536x128xf32>
    %mul3A_17 = arith.mulf %sub3A_7, %mul3A_16 : vector<1536x128xf32>
    %get3A_18 = arith.constant 0 : index
    %get3A_19 = arith.constant 0 : index
    %get3A_20 = vector.load %arg3[%get3A_18, %get3A_19] : memref<1x128xf32, #tpu.memory_space<vmem>>, vector<1x128xf32>
    %mul3A_21 = vector.broadcast %get3A_20 : vector<1x128xf32> to vector<1536x128xf32>
    %mul3A_22 = arith.mulf %mul3A_17, %mul3A_21 : vector<1536x128xf32>
    %get3A_23 = arith.constant 0 : index
    %get3A_24 = arith.constant 0 : index
    %get3A_25 = vector.load %arg4[%get3A_23, %get3A_24] : memref<1x128xf32, #tpu.memory_space<vmem>>, vector<1x128xf32>
    %add3A_26 = vector.broadcast %get3A_25 : vector<1x128xf32> to vector<1536x128xf32>
    %add3A_27 = arith.addf %mul3A_22, %add3A_26 : vector<1536x128xf32>
    %convert_element_type3A = arith.truncf %add3A_27 : vector<1536x128xf32> to vector<1536x128xbf16>
    %get3A_28 = arith.constant 0 : index
    %get3A_29 = arith.constant 0 : index
    %get3A_30 = vector.load %arg5[%get3A_28, %get3A_29] : memref<128x512xbf16, #tpu.memory_space<vmem>>, vector<128x512xbf16>
    %dot_general3A = arith.constant dense<0.000000e+00> : vector<1536x512xf32>
    %dot_general3A_31 = tpu.matmul %convert_element_type3A, %get3A_30, %dot_general3A {dimension_numbers = #tpu.dot_dimension_numbers<[1], [0], [0], [1], [0, 0, 1, 1], [], []>, transpose_lhs_hint = false} : vector<1536x128xbf16>, vector<128x512xbf16>, vector<1536x512xf32> -> vector<1536x512xf32>
    %get3A_32 = arith.constant 0 : index
    %get3A_33 = arith.constant 0 : index
    %get3A_34 = vector.load %arg6[%get3A_32, %get3A_33] : memref<1x512xf32, #tpu.memory_space<vmem>>, vector<1x512xf32>
    %add3A_35 = vector.broadcast %get3A_34 : vector<1x512xf32> to vector<1536x512xf32>
    %add3A_36 = arith.addf %dot_general3A_31, %add3A_35 : vector<1536x512xf32>
    %mul3A_37 = arith.constant 5.000000e-01 : f32
    %mul3A_38 = vector.broadcast %mul3A_37 : f32 to vector<1536x512xf32>
    %mul3A_39 = arith.mulf %mul3A_38, %add3A_36 : vector<1536x512xf32>
    %mul3A_40 = arith.constant 0.707106769 : f32
    %mul3A_41 = vector.broadcast %mul3A_40 : f32 to vector<1536x512xf32>
    %mul3A_42 = arith.mulf %add3A_36, %mul3A_41 : vector<1536x512xf32>
    %erf3A = math.erf %mul3A_42 : vector<1536x512xf32>
    %add3A_43 = arith.constant 1.000000e+00 : f32
    %add3A_44 = vector.broadcast %add3A_43 : f32 to vector<1536x512xf32>
    %add3A_45 = arith.addf %add3A_44, %erf3A : vector<1536x512xf32>
    %mul3A_46 = arith.mulf %mul3A_39, %add3A_45 : vector<1536x512xf32>
    %convert_element_type3A_47 = arith.truncf %mul3A_46 : vector<1536x512xf32> to vector<1536x512xbf16>
    %get3A_48 = arith.constant 0 : index
    %get3A_49 = arith.constant 0 : index
    %get3A_50 = vector.load %arg7[%get3A_48, %get3A_49] : memref<512x128xbf16, #tpu.memory_space<vmem>>, vector<512x128xbf16>
    %dot_general3A_51 = arith.constant dense<0.000000e+00> : vector<1536x128xf32>
    %dot_general3A_52 = tpu.matmul %convert_element_type3A_47, %get3A_50, %dot_general3A_51 {dimension_numbers = #tpu.dot_dimension_numbers<[1], [0], [0], [1], [0, 0, 1, 1], [], []>, transpose_lhs_hint = false} : vector<1536x512xbf16>, vector<512x128xbf16>, vector<1536x128xf32> -> vector<1536x128xf32>
    %get3A_53 = arith.constant 0 : index
    %get3A_54 = arith.constant 0 : index
    %get3A_55 = vector.load %arg8[%get3A_53, %get3A_54] : memref<1x128xf32, #tpu.memory_space<vmem>>, vector<1x128xf32>
    %add3A_56 = vector.broadcast %get3A_55 : vector<1x128xf32> to vector<1536x128xf32>
    %add3A_57 = arith.addf %dot_general3A_52, %add3A_56 : vector<1536x128xf32>
    %get3A_58 = arith.constant 0 : index
    %get3A_59 = arith.constant 0 : index
    %get3A_60 = arith.constant 0 : index
    %get3A_61 = vector.load %arg2[%get3A_58, %get3A_59, %get3A_60] : memref<1x1x1536xf32, #tpu.memory_space<vmem>>, vector<1x1x1536xf32>
    %get3A_62 = vector.shape_cast %get3A_61 : vector<1x1x1536xf32> to vector<1x1536xf32>
    %reshape3A = vector.shape_cast %get3A_62 : vector<1x1536xf32> to vector<1536x1xf32>
    %mul3A_63 = vector.broadcast %reshape3A : vector<1536x1xf32> to vector<1536x128xf32>
    %mul3A_64 = arith.mulf %add3A_57, %mul3A_63 : vector<1536x128xf32>
    %add3A_65 = arith.addf %get3A_3, %mul3A_64 : vector<1536x128xf32>
    %swap3A = arith.constant 0 : index
    %swap3A_66 = arith.constant 0 : index
    %swap3A_67 = arith.constant 0 : index
    %swap3A_68 = vector.load %arg9[%swap3A, %swap3A_66, %swap3A_67] : memref<1x1536x128xf32, #tpu.memory_space<vmem>>, vector<1x1536x128xf32>
    %swap3A_69 = vector.shape_cast %swap3A_68 : vector<1x1536x128xf32> to vector<1536x128xf32>
    %swap3A_70 = vector.shape_cast %add3A_65 : vector<1536x128xf32> to vector<1x1536x128xf32>
    tpu.vector_store %arg9[%swap3A, %swap3A_66, %swap3A_67], %swap3A_70 {strides = array<i32>} : memref<1x1536x128xf32, #tpu.memory_space<vmem>>, vector<1x1536x128xf32>,
    return
  }
  func.func @transform_0(%arg0: i32) -> (i32, i32, i32) {
    %c0_i32 = arith.constant 0 : i32
    %c0_i32_0 = arith.constant 0 : i32
    %c0_i32_1 = arith.constant 0 : i32
    return %arg0, %c0_i32, %c0_i32_0 : i32, i32, i32
  }
  func.func @transform_1(%arg0: i32) -> (i32, i32, i32) {
    %c0_i32 = arith.constant 0 : i32
    %c0_i32_0 = arith.constant 0 : i32
    %c0_i32_1 = arith.constant 0 : i32
    return %arg0, %c0_i32, %c0_i32_0 : i32, i32, i32
  }
  func.func @transform_2(%arg0: i32) -> (i32, i32) {
    %c0_i32 = arith.constant 0 : i32
    %c0_i32_0 = arith.constant 0 : i32
    %c0_i32_1 = arith.constant 0 : i32
    return %c0_i32, %c0_i32_0 : i32, i32
  }
  func.func @transform_3(%arg0: i32) -> (i32, i32) {
    %c0_i32 = arith.constant 0 : i32
    %c0_i32_0 = arith.constant 0 : i32
    %c0_i32_1 = arith.constant 0 : i32
    return %c0_i32, %c0_i32_0 : i32, i32
  }
  func.func @transform_4(%arg0: i32) -> (i32, i32) {
    %c0_i32 = arith.constant 0 : i32
    %c0_i32_0 = arith.constant 0 : i32
    %c0_i32_1 = arith.constant 0 : i32
    return %c0_i32, %c0_i32_0 : i32, i32
  }
  func.func @transform_5(%arg0: i32) -> (i32, i32) {
    %c0_i32 = arith.constant 0 : i32
    %c0_i32_0 = arith.constant 0 : i32
    %c0_i32_1 = arith.constant 0 : i32
    return %c0_i32, %c0_i32_0 : i32, i32
  }
  func.func @transform_6(%arg0: i32) -> (i32, i32) {
    %c0_i32 = arith.constant 0 : i32
    %c0_i32_0 = arith.constant 0 : i32
    %c0_i32_1 = arith.constant 0 : i32
    return %c0_i32, %c0_i32_0 : i32, i32
  }
  func.func @transform_7(%arg0: i32) -> (i32, i32) {
    %c0_i32 = arith.constant 0 : i32
    %c0_i32_0 = arith.constant 0 : i32
    %c0_i32_1 = arith.constant 0 : i32
    return %c0_i32, %c0_i32_0 : i32, i32
  }
  func.func @transform_8(%arg0: i32) -> (i32, i32, i32) {
    %c0_i32 = arith.constant 0 : i32
    %c0_i32_0 = arith.constant 0 : i32
    %c0_i32_1 = arith.constant 0 : i32
    return %arg0, %c0_i32, %c0_i32_0 : i32, i32, i32
  }
}

</mosaic_0001>

<sc_bundles>
// kernel: kernel.5.cloned.1.call-start
scs
__scs_entry_jumppad:
0x0: {  	(pc) =	sbr.rel $0x88, $3  }
0x1: {  	(tag) =	ssettag $0x0;
	lr =	simm.s32 $0x1  }
0x2: {  	[smem:$0x3F8F] =	sst lr;
	_ =	strace $0xD0000000  }
0x3: {  	_ = 	snop  }
0x4: {  	_ = 	snop  }
0x5: {  	_ = 	snop  }
0x6: {  	_ = 	snop  }
0x7: {  	_ = 	snop  }
__scs_overlays_trampoline_lowered:
0x8: {  	[smem:$0x3F9E] =	sst s0  }
0x9: {  	[smem:$0x3F9F] =	sst s1  }
0xa: {  	[smem:$0x3FA0] =	sst s2  }
0xb: {  	[smem:$0x3FA1] =	sst s3  }
0xc: {  	[smem:$0x3FA2] =	sst s4  }
0xd: {  	[smem:$0x3FA3] =	sst s5  }
0xe: {  	[smem:$0x3FA4] =	sst s6  }
0xf: {  	[smem:$0x3FA5] =	sst s7  }
0x10: {  	[smem:$0x3FA6] =	sst s8  }
0x11: {  	[smem:$0x3FA7] =	sst s9;
	s0 =	simm.s32 @!p0 $0x0  }
0x12: {  	s1 =	sld [smem:$0x3F8D];
	s0 =	simm.s32 @p0 $0x1  }
0x13: {  	[smem:$0x3FA8] =	sst s0;
	s0 =	simm.s32 @!p1 $0x0  }
0x14: {  	s2 =	sld [smem:$0x3F8C];
	s0 =	simm.s32 @p1 $0x1  }
0x15: {  	[smem:$0x3FA9] =	sst s0;
	s0 =	simm.s32 @!p2 $0x0  }
0x16: {  	s3 =	sld [smem:$0x3FDB];
	s0 =	simm.s32 @p2 $0x1  }
0x17: {  	s4 =	simm.s32 $0x1BF5;
	[smem:$0x3FAB] =	sst s0  }
0x18: {  	s0 =	sld [smem:$0x3F8E];
	_ =	swait.ge [sflag:s4], $0x0  }
0x19: {  	s7 =	sld [smem:$0x3F8F]  }
0x1a: {  	s8 =	sadd.s32 $0xFFFFE003, lr  }
0x1b: {  	s9 =	sadd.s32 $0xFFFFFEF7, lr;
	s5 =	simm.s32 $0xFFFFFFFF;
	p2 =	slt.u32 s8, $0xFFFFF086  }
0x1c: {  	p1 =	slt.u32 s9, $0xF7A;
	s5 =	simm.s32 @!p2 $0x0  }
0x1d: {  	s5 =	simm.s32 @p1 $0x1;
	p0 =	seq.s32 s7, s2  }
0x1e: {  	s7 =	smul.u32 @!p0 $0xF7A, s2;
	p2 =	seq.s32 @!p0 s5, $0x0  }
0x1f: {  	s9 =	smul.u32 $0xF7A, s1;
	s8 =	simm.s32 @!p0 $0x1BF5;
	p2 =	por !p2, p0  }
0x20: {  	[sflag:s8] =	ssyncset.s32 @!p0 $0xFFFFF086;
	s6 =	sadd.s32 @!p0 s3, s7;
	s7 =	simm.s32 @!p0 $0x108  }
0x21: {  	s3 =	sadd.s32 s3, s9;
	s6 =	sadd.s32 @!p0 $0x88, s6;
	s7 =	simm.s32 @p2 $0x1082  }
0x22: {  	[simem:s7], [sflag:s8] =	dma.local @!p0 [hbm:s6], $0xF7A  }
0x23: {  	s9 =	sor.u32 $0xD0000000, s2;
	s6 =	simm.s32 $0x108;
	_ =	swait.ge @!p0 [sflag:s8], $0x0  }
0x24: {  	s3 =	sadd.s32 $0x88, s3;
	s6 =	simm.s32 @!p1 $0x1082;
	[sflag:s4] =	ssyncset.s32 $0xFFFFF086  }
0x25: {  	[simem:s6], [sflag:s4] =	dma.local [hbm:s3], $0xF7A  }
0x26: {  	[smem:$0x3F8F] =	sst s1;
	(tag) =	ssettag s2;
	_ =	strace s9  }
0x27: {  	s1 =	sld [smem:$0x3F9F]  }
0x28: {  	s2 =	sld [smem:$0x3FA0]  }
0x29: {  	s4 =	sld [smem:$0x3FA2]  }
0x2a: {  	p0 =	seq.s32 s5, $0x0;
	s5 =	sld [smem:$0x3FA3]  }
0x2b: {  	s6 =	sld [smem:$0x3FA4]  }
0x2c: {  	s7 =	sld [smem:$0x3FA5]  }
0x2d: {  	s3 =	simm.s32 $0x108;
	s8 =	sld [smem:$0x3FA6]  }
0x2e: {  	s3 =	simm.s32 @!p0 $0x1082;
	s9 =	sld [smem:$0x3FA7]  }
0x2f: {  	lr =	sadd.s32 s0, s3;
	s0 =	sld [smem:$0x3F9E]  }
0x30: {  	s3 =	sld [smem:$0x3FA1]  }
0x31: {  	[smem:$0x3FAA] =	sst s10  }
0x32: {  	s10 =	sld [smem:$0x3FA8];
	_ =	sdelay $0x3  }
0x33: {  	p0 =	seq.s32 s10, $0x1;
	s10 =	sld [smem:$0x3FAA];
	_ =	sdelay $0x3  }
0x34: {  	[smem:$0x3FAA] =	sst s10  }
0x35: {  	s10 =	sld [smem:$0x3FA9];
	_ =	sdelay $0x3  }
0x36: {  	p1 =	seq.s32 s10, $0x1;
	s10 =	sld [smem:$0x3FAA];
	_ =	sdelay $0x3  }
0x37: {  	[smem:$0x3FAA] =	sst s10  }
0x38: {  	s10 =	sld [smem:$0x3FAB]  }
0x39: {  	_ = 	snop;
	(pc) =	sbr.ind lr, $3  }
0x3a: {  	_ = 	snop  }
0x3b: {  	_ = 	snop  }
0x3c: {  	p2 =	seq.s32 s10, $0x1;
	s10 =	sld [smem:$0x3FAA]  }
0x3d: {  	_ =	shalt  }
0x3e: {  	_ =	shalt  }
0x3f: {  	_ =	shalt  }
0x40: {  	_ =	shalt  }
0x41: {  	_ =	shalt  }
0x42: {  	_ =	shalt  }
0x43: {  	_ =	shalt  }
0x44: {  	_ =	shalt  }
0x45: {  	_ =	shalt  }
0x46: {  	_ =	shalt  }
0x47: {  	_ =	shalt  }
0x48: {  	_ =	shalt  }
0x49: {  	_ =	shalt  }
0x4a: {  	_ =	shalt  }
0x4b: {  	_ =	shalt  }
0x4c: {  	_ =	shalt  }
0x4d: {  	_ =	shalt  }
0x4e: {  	_ =	shalt  }
0x4f: {  	_ =	shalt  }
0x50: {  	_ =	shalt  }
0x51: {  	_ =	shalt  }
0x52: {  	_ =	shalt  }
0x53: {  	_ =	shalt  }
0x54: {  	_ =	shalt  }
0x55: {  	_ =	shalt  }
0x56: {  	_ =	shalt  }
0x57: {  	_ =	shalt  }
0x58: {  	_ =	shalt  }
0x59: {  	_ =	shalt  }
0x5a: {  	_ =	shalt  }
0x5b: {  	_ =	shalt  }
0x5c: {  	_ =	shalt  }
0x5d: {  	_ =	shalt  }
0x5e: {  	_ =	shalt  }
0x5f: {  	_ =	shalt  }
0x60: {  	_ =	shalt  }
0x61: {  	_ =	shalt  }
0x62: {  	_ =	shalt  }
0x63: {  	_ =	shalt  }
0x64: {  	_ =	shalt  }
0x65: {  	_ =	shalt  }
0x66: {  	_ =	shalt  }
0x67: {  	_ =	shalt  }
0x68: {  	_ =	shalt  }
0x69: {  	_ =	shalt  }
0x6a: {  	_ =	shalt  }
0x6b: {  	_ =	shalt  }
0x6c: {  	_ =	shalt  }
0x6d: {  	_ =	shalt  }
0x6e: {  	_ =	shalt  }
0x6f: {  	_ =	shalt  }
0x70: {  	_ =	shalt  }
0x71: {  	_ =	shalt  }
0x72: {  	_ =	shalt  }
0x73: {  	_ =	shalt  }
0x74: {  	_ =	shalt  }
0x75: {  	_ =	shalt  }
0x76: {  	_ =	shalt  }
0x77: {  	_ =	shalt  }
0x78: {  	_ =	shalt  }
0x79: {  	_ =	shalt  }
0x7a: {  	_ =	shalt  }
0x7b: {  	_ =	shalt  }
0x7c: {  	_ =	shalt  }
0x7d: {  	_ =	shalt  }
0x7e: {  	_ =	shalt  }
0x7f: {  	_ =	shalt  }
0x80: {  	_ =	shalt  }
0x81: {  	_ =	shalt  }
0x82: {  	_ =	shalt  }
0x83: {  	_ =	shalt  }
0x84: {  	_ =	shalt  }
0x85: {  	_ =	shalt  }
0x86: {  	_ =	shalt  }
0x87: {  	_ =	shalt  }
.Lfunc_end0:
.L_simem_size_0:
called_computation_lowered:
.L_overlay_start_0:
0x88: {  	s2 =	sld [smem:$0x3FD9]  }
0x89: {  	s3 =	sld [smem:$0x3FFE];
	_ =	sdelay $0x1  }
0x8a: {  	s1 =	srdreg.scid  }
0x8b: {  	s0 =	sand.u32 $0x1, s1  }
0x8c: {  	s17 =	sshll.u32 s0, $0xA;
	s2 =	sadd.s32 s3, s2  }
0x8d: {  	s2 =	sadd.s32 s2, s17  }
0x8e: {  	[smem:$0x3FB6] =	sst s2  }
0x8f: {  	_ = 	snop  }
0x90: {  	s2 =	sld [smem:$0x3FC9]  }
0x91: {  	s18 =	sld [smem:$0x3FD0];
	(tm) =	ssettm $0x1  }
0x92: {  	s4 =	sld [smem:$0x3FFB];
	_ =	sdelay $0x3  }
0x93: {  	_ =	strace s4  }
0x94: {  	s4 =	sld [smem:$0x3FFC];
	_ =	sdelay $0x3  }
0x95: {  	_ =	strace s4  }
0x96: {  	s4 =	sld [smem:$0x3FFD];
	_ =	sdelay $0x3  }
0x97: {  	_ =	strace s4  }
0x98: {  	_ =	strace $0x8FFFFFFF  }
0x99: {  	s19 =	sld [smem:$0x3FDB];
	_ =	sdelay $0x1  }
0x9a: {  	s5 =	simm.s32 $_scs_section_size  }
0x9b: {  	s6 =	simm.s32 $_size__tile_overlayer_lowered;
	s7 =	simm.s32 $_tile_overlayer_lowered  }
0x9c: {  	s22 =	simm.s32 $0x1BFF;
	s21 =	sshll.u32 s7, $0x1;
	s4 =	sadd.s32 s5, s19  }
0x9d: {  	s8 =	simm.s32 $0x0;
	s20 =	sshll.u32 s6, $0x1;
	s6 =	sadd.s32 s21, s4  }
0x9e: {  	[timem:s8], [sflag:s22] =	dma.local [hbm:s6], s20  }
0x9f: {  	_ =	swait.ge [sflag:s22], s20  }
0xa0: {  	s5 =	ssub.s32 $0x0, s20;
	[sflag:s22] =	ssyncset.done $0x0  }
0xa1: {  	[sflag:s22] =	ssyncadd.s32 s5;
	_ =	sdelay $0x1  }
0xa2: {  	s23 =	simm.s32 $0x1B8B  }
0xa3: {  	_ =	swait.ge [sflag:s23], $0x1  }
0xa4: {  	[sflag:s23] =	ssyncset.done $0x0  }
0xa5: {  	s25 =	simm.s32 $0x1B8E;
	s24 =	sld [smem:$0x3FFE];
	[sflag:s23] =	ssyncadd.s32 $0xFFFFFFFF  }
0xa6: {  	s26 =	simm.s32 $execute0_lowered;
	[smem:$0x3FD2] =	sst s25  }
0xa7: {  	s6 =	sshll.u32 s26, $0x1;
	_ =	strace $0x80000046;
	[dreg:$0x1] =	wrdreg $0xFFFFFFFF  }
0xa8: {  	s28 =	simm.s32 $_size_execute0_lowered;
	s4 =	sadd.s32 s4, s6;
	[dreg:$0x0] =	wrdreg $0x0  }
0xa9: {  	s6 =	sshll.u32 s28, $0x1;
	[dreg:$0x2] =	wrdreg s4  }
0xaa: {  	[dreg:$0x3] =	wrdreg s6  }
0xab: {  	[dreg:$0x4] =	wrdreg $0xC0  }
0xac: {  	_ =	task [dreg:s8], $0x5FFFF  }
0xad: {  	[dreg:$0x1] =	wrdreg $0xFFFFFFFF  }
0xae: {  	[dreg:$0x0] =	wrdreg $0x60  }
0xaf: {  	[dreg:$0x2] =	wrdreg s18  }
0xb0: {  	[dreg:$0x3] =	wrdreg s24  }
0xb1: {  	[dreg:$0x4] =	wrdreg s2  }
0xb2: {  	[dreg:$0x5] =	wrdreg $0x9  }
0xb3: {  	_ =	task.clear_ibuf [dreg:s8], $0x6FFFF;
	_ =	strace $0x90000046  }
0xb4: {  	s29 =	simm.s32 $0x9;
	_ =	strace $0x80000048  }
0xb5: {  	_ =	swait.ge [sflag:s29], $0x1  }
0xb6: {  	[sflag:s29] =	ssyncadd.s32 $0xFFFFFFFF  }
0xb7: {  	_ =	strace $0x90000048  }
0xb8: {  	_ =	sfence  }
0xb9: {  	s30 =	sld [smem:$0x0];
	_ =	sdelay $0x2  }
0xba: {  	s31 =	sshll.u32 s1, $0xD;
	s1 =	sshrl.u32 s1, $0x2  }
0xbb: {  	s3 =	sand.u32 $0x4000, s31;
	s1 =	sadd.s32 s1, s30  }
0xbc: {  	s0 =	sor.u32 s3, s0;
	s1 =	sshll.u32 s1, $0x11  }
0xbd: {  	s0 =	sor.u32 s1, s0  }
0xbe: {  	s0 =	sadd.s32 $0x8F2B, s0  }
0xbf: {  	[sflag:s0] =	ssyncadd.remote.s32 $0x1  }
0xc0: {  	_ =	sfence.sel $0xFFFF  }
0xc1: {  	[dreg:$0x0] =	wrdreg $0xFFFFFFFF;
	(pc) =	sbr.abs _section_cstart, $3  }
0xc2: {  	[dreg:$0x1] =	wrdreg $0xFFFFFFFF  }
0xc3: {  	_ =	task.clear_ibuf [dreg:s8], $0x2FFFF;
	_ =	strace $0x9FFFFFFF  }
0xc4: {  	(tm) =	ssettm $0x7FFFFFFF  }
0xc5: {  	_ =	shalt  }
tec
execute0_lowered:
.L_overlay_start_1:
0x0: {  	(tag) =	ssettag $0x1  }
0x1: {  	s3 =	rddreg [dreg:$0x0]  }
0x2: {  	s4 =	rddreg [dreg:$0x1]  }
0x3: {  	s1 =	rddreg [dreg:$0x2];
	s2 =	simm.s32 $0x0;
	s0 =	srdreg.scid  }
0x4: {  	s18 =	stileid.u32;
	[smem:$0x7FF] =	sst s2;
	s5 =	sadd.s32 $0x2E00, s4  }
0x5: {  	s6 =	sand.u32 $0x1, s0;
	s8 =	sadd.s32 $0x6200, s4;
	s7 =	sshll.u32 s18, $0x1  }
0x6: {  	s9 =	sadd.s32 $0x3200, s4;
	s12 =	sshrl.u32 s18, $0x1;
	s17 =	sadd.s32 $0x7200, s4  }
0x7: {  	_ =	strace $0x80000047;
	s0 =	ssub.s32 $0x2, s6;
	s11 =	sor.u32 s6, s7  }
0x8: {  	s14 =	sshll.u32 s12, $0xA;
	s12 =	smul.u32 $0x3000, s12;
	s10 =	sshrl.u32 s0, $0x1  }
0x9: {  	s7 =	sshll.u32 s11, $0xD;
	s13 =	sshll.u32 s11, $0x8;
	s15 =	smul.u32 $0x60000, s11  }
0xa: {  	s11 =	sshllo.u32 s11, $0x1;
	s13 =	sand.u32 $0x300, s13;
	s20 =	sadd.s32 s3, s7  }
0xb: {  	s10 =	ssub.s32 s0, s10;
	s24 =	sshll.u32 s11, $0x7;
	[dreg:$0x4] =	wrdreg s20  }
0xc: {  	s21 =	sor.u32 s14, s13;
	s13 =	sor.u32 s12, s13;
	s23 =	sshrl.u32 s15, $0x3  }
0xd: {  	s15 =	sadd.s32 $0x6A00, s4;
	s4 =	sadd.s32 $0x7A00, s4;
	s25 =	sand.u32 $0x380, s24  }
0xe: {  	s0 =	sshrl.u32 s21, $0x3;
	s22 =	sshrl.u32 s13, $0x3;
	s16 =	sadd.s32 s23, s15  }
0xf: {  	s19 =	sadd.s32 s23, s17;
	s13 =	sadd.s32 s23, s4;
	[dreg:$0x7] =	wrdreg s16  }
0x10: {  	s14 =	sor.u32 s14, s25;
	s12 =	sor.u32 s12, s25;
	[dreg:$0x8] =	wrdreg s19  }
0x11: {  	s0 =	sadd.s32 s5, s0;
	[dreg:$0x9] =	wrdreg s13;
	s14 =	sshrl.u32 s14, $0x3  }
0x12: {  	[dreg:$0x5] =	wrdreg s0;
	s0 =	sor.u32 $0xFF0, s7;
	s7 =	sadd.s32 s9, s22  }
0x13: {  	s12 =	sshrl.u32 s12, $0x3;
	s5 =	sadd.s32 s5, s14;
	[dreg:$0x6] =	wrdreg s7  }
0x14: {  	s28 =	simm.s32 $0x8300;
	s20 =	sadd.s32 s9, s12;
	[dreg:$0xb] =	wrdreg s5  }
0x15: {  	s22 =	sshll.u32 s11, $0xC;
	s12 =	smax.u32 s10, $0x1;
	[dreg:$0xd] =	wrdreg s20  }
0x16: {  	s7 =	sadd.s32 s8, s23;
	s3 =	sadd.s32 s3, s22;
	[dreg:$0x14] =	wrdreg s12  }
0x17: {  	s16 =	smul.u32 $0x30000, s11;
	s26 =	sadd.s32 $0x2000, s7;
	[dreg:$0x13] =	wrdreg s3  }
0x18: {  	s29 =	simm.s32 $0x8380;
	s19 =	sadd.s32 $0x2800, s7;
	[dreg:$0xa] =	wrdreg s26  }
0x19: {  	s23 =	sshrl.u32 s16, $0x3;
	s21 =	sadd.s32 $0x3000, s7;
	[dreg:$0xc] =	wrdreg s19  }
0x1a: {  	s30 =	simm.s32 $0x8400;
	s24 =	sadd.s32 s23, s15;
	[dreg:$0xe] =	wrdreg s21  }
0x1b: {  	s31 =	simm.s32 $0x8500;
	s25 =	sadd.s32 s23, s17;
	[dreg:$0xf] =	wrdreg s24  }
0x1c: {  	s6 =	sshll.u32 s6, $0xD;
	s4 =	sadd.s32 s23, s4;
	[dreg:$0x10] =	wrdreg s25  }
0x1d: {  	s9 =	simm.s32 $0x5;
	s13 =	sadd.s32 $0x4000, s7;
	[dreg:$0x11] =	wrdreg s4  }
0x1e: {  	s11 =	simm.s32 $0x80;
	s14 =	sadd.s32 $0x4800, s7;
	[dreg:$0x15] =	wrdreg s13  }
0x1f: {  	s10 =	simm.s32 $0x8480;
	s15 =	sadd.s32 $0x5000, s7;
	[dreg:$0x16] =	wrdreg s14  }
0x20: {  	s16 =	sadd.s32 s8, s23;
	s17 =	sadd.s32 $0x5800, s7;
	[dreg:$0x17] =	wrdreg s15  }
0x21: {  	v0 =	vlaneseq.u32;
	s26 =	sshll.u32 s18, $0xE;
	[dreg:$0x18] =	wrdreg s17;
	s18 =	sadd.s32 $0x2000, s16  }
0x22: {  	v1 =	vor.u32 s0, v0;
	s0 =	simm.s32 $0x8580;
	s19 =	sadd.s32 $0x2800, s16;
	[dreg:$0x19] =	wrdreg s18  }
0x23: {  	s12 =	simm.s32 $0x8600;
	s21 =	sadd.s32 $0x3000, s16;
	[dreg:$0x1a] =	wrdreg s19  }
0x24: {  	s8 =	sor.u32 $0xFF0, s22;
	s22 =	sadd.s32 $0x3800, s16;
	[dreg:$0x1b] =	wrdreg s21  }
0x25: {  	s3 =	simm.s32 $0x0;
	s23 =	sadd.s32 $0x4000, s16;
	[dreg:$0x1c] =	wrdreg s22  }
0x26: {  	s24 =	sadd.s32 $0x4800, s16;
	s25 =	sadd.s32 $0x5000, s16;
	[dreg:$0x1d] =	wrdreg s23  }
0x27: {  	s15 =	simm.s32 $0x8D80;
	s17 =	simm.s32 $0x8100;
	[dreg:$0x1e] =	wrdreg s24  }
0x28: {  	s20 =	sor.u32 s6, s26;
	s6 =	sadd.s32 $0x3800, s7;
	[dreg:$0x1f] =	wrdreg s25  }
0x29: {  	s26 =	sadd.s32 $0x5800, s16;
	s18 =	simm.s32 $0xCD80;
	s19 =	simm.s32 $0x1  }
0x2a: {  	s21 =	simm.s32 $0x3;
	s22 =	simm.s32 $0x8180;
	s23 =	simm.s32 $0x2  }
0x2b: {  	vm0 =	vmmov $0x1;
	vm1 =	vcmask $0x308;
	v3 =	vimm.s32 $0x0;
	s24 =	simm.s32 $0x4;
	s25 =	simm.s32 $0x8200;
	[dreg:$0x12] =	wrdreg s6  }
0x2c: {  	vm2 =	vcmask $0x70C;
	vm3 =	vcmask $0xB10;
	v2 =	vor.u32 s8, v0;
	[smem:$0x7FD] =	sst s26;
	s14 =	sor.u32 $0x1000, s20;
	s26 =	simm.s32 $0x8280  }
.LBB2_1:
0x2d: {  	s4 =	rddreg [dreg:$0x4]  }
0x2e: {  	[tilespmem:s2], [sflag:$0x5] =	stream.linear.gather [hbm4b:s4+s2], $0x8000, $0x38;
	[tilespmem:$0x10D80] =	vst v63  }
0x2f: {  	_ =	swait.ge [sflag:s9], $0x8000  }
0x30: {  	[sflag:s9] =	ssyncset.done $0x0  }
0x31: {  	s5 =	simm.s32 $0x8000;
	s8 =	rddreg [dreg:$0x5];
	[sflag:s9] =	ssyncadd.s32 $0xFFFF8000  }
0x32: {  	[tilespmem:s5], [sflag:$0x5] =	stream.linear.gather [hbm4b:s8+s2], $0x80, $0x38;
	[tilespmem:$0x10D80] =	vst v63  }
0x33: {  	_ =	swait.ge [sflag:s9], $0x80  }
0x34: {  	[sflag:s9] =	ssyncset.done $0x0  }
0x35: {  	[sflag:s9] =	ssyncadd.s32 $0xFFFFFF80  }
0x36: {  	v4 =	vld [tilespmem:$0x8000];
	_ =	sdelay $0x4  }
0x37: {  	v5 =	vnsel vm0, $0x0, v4  }
0x38: {  	(xrf0) =	vadd.scan.msk.s32 $0xffff, v5;
	_ =	sdelay $0x2  }
0x39: {  	s13 =	simm.s32 $0x0  }
0x3a: {  	v7 =	vld [tilespmem:s13+$0x0];
	_ =	sdelay $0x1  }
0x3b: {  	v5, _, _ =	vpop (xrf0)  }
0x3c: {  	v5 =	vbroadcast v5, $0xF;
	_ =	sdelay $0x1  }
0x3d: {  	v6 =	vsel vm1, $0x0, v4;
	vm4 =	veq.s32 v5, v7  }
0x3e: {  	(xrf0) =	vadd.scan.msk.s32 $0xffff, v6;
	v6 =	vsel vm4, $0x1, v3  }
0x3f: {  	(xrf0) =	vadd.scan.msk.s32 $0xffff, v6;
	_ =	sdelay $0x4  }
0x40: {  	v6, _, _ =	vpop (xrf0)  }
0x41: {  	v6 =	vbroadcast v6, $0xF;
	v8, _, _ =	vpop (xrf0)  }
0x42: {  	v9 =	vadd.s32 s2, v8;
	(v2sf) =	vpush v8, $0xF  }
0x43: {  	vm5 =	vle.s32 v9, v6  }
0x44: {  	vm6 =	vlt.s32 v5, v7;
	vm4 =	vmand vm4, vm5  }
0x45: {  	vm4 =	vmor vm6, vm4  }
0x46: {  	v63 =	vsel vm4, $0x1, v3  }
0x47: {  	(xrf0) =	vadd.scan.msk.s32 $0xffff, v63  }
0x48: {  	v62 =	vor.u32 s20, v0  }
0x49: {  	s6 =	simm.s32 $0x80;
	s4 =	smov.u32 s20;
	[tilespmem:s2+$0x8080] =	vst.msk vm4, v62  }
0x4a: {  	s5 =	simm.s32 $0x400;
	s8 =	simm.s32 $0x0;
	s13 =	simm.s32 $0x0;
	[tilespmem:s2+$0x8700] =	vst.msk vm4, v7  }
.LBB2_2:
0x4b: {  	p0 =	sne.s32 s5, $0x1FC00;
	v7 =	vld [tilespmem:s6+$0x0];
	_ =	sdelay $0x1  }
0x4c: {  	v8, _, _ =	vpop (xrf0)  }
0x4d: {  	(v2sf) =	vpush v8, $0xF;
	_ =	sdelay $0x1  }
0x4e: {  	vm4 =	vlt.s32 v5, v7;
	vm5 =	veq.s32 v5, v7  }
0x4f: {  	v8 =	vsel vm5, $0x1, v3;
	s6 =	spop (v2sf)  }
0x50: {  	(xrf0) =	vadd.scan.msk.s32 $0xffff, v8;
	s8 =	sadd.s32 s8, s6;
	_ =	sdelay $0x5  }
0x51: {  	v8, _, _ =	vpop (xrf0)  }
0x52: {  	v9 =	vadd.s32 s8, v8;
	(v2sf) =	vpush v8, $0xF  }
0x53: {  	vm6 =	vle.s32 v9, v6  }
0x54: {  	vm5 =	vmand vm5, vm6  }
0x55: {  	vm4 =	vmor vm4, vm5  }
.Ltmp0:
0x56: {  	s4 =	sadd.s32 $0x10, s4;
	v8 =	vsel vm4, $0x1, v3;
	s6 =	spop (v2sf);
	(pc) =	sbr.rel @p0 .LBB2_2-.Ltmp0, $4  }
0x57: {  	v9 =	vor.u32 s4, v0;
	(xrf0) =	vadd.scan.msk.s32 $0xffff, v8;
	s13 =	sadd.s32 s13, s6  }
0x58: {  	[tilespmem:s13+$0x8080] =	vst.msk vm4, v9  }
0x59: {  	[tilespmem:s13+$0x8700] =	vst.msk vm4, v7  }
0x5a: {  	s6 =	sshra.s32 s5, $0x2;
	s5 =	sadd.s32 $0x200, s5  }
0x5b: {  	v7 =	vld [tilespmem:s6+$0x0];
	_ =	sdelay $0x4  }
0x5c: {  	vm4 =	veq.s32 v5, v7  }
0x5d: {  	v8, _, _ =	vpop (xrf0);
	v9 =	vsel vm4, $0x1, v3  }
0x5e: {  	(v2sf) =	vpush v8, $0xF;
	(xrf0) =	vadd.scan.msk.s32 $0xffff, v9;
	_ =	sdelay $0x4  }
0x5f: {  	s5 =	spop (v2sf)  }
0x60: {  	s5 =	sadd.s32 s8, s5;
	v8, _, _ =	vpop (xrf0)  }
0x61: {  	v60 =	vadd.s32 s5, v8  }
0x62: {  	vm5 =	vle.s32 v60, v6  }
0x63: {  	vm6 =	vlt.s32 v5, v7;
	vm4 =	vmand vm4, vm5  }
0x64: {  	vm4 =	vmor vm6, vm4  }
0x65: {  	v5 =	vsel vm4, $0x1, v3  }
0x66: {  	(xrf0) =	vadd.scan.msk.s32 $0xffff, v5;
	_ =	sdelay $0x1  }
0x67: {  	s4 =	sadd.s32 $0x10, s4;
	v5 =	vsel vm2, $0x0, v4  }
0x68: {  	s6 =	spop (v2sf);
	(xrf0) =	vadd.scan.msk.s32 $0xffff, v5;
	v5 =	vor.u32 s4, v0  }
0x69: {  	s8 =	sadd.s32 s13, s6  }
0x6a: {  	[tilespmem:s8+$0x8080] =	vst.msk vm4, v5  }
0x6b: {  	(v2sf) =	vpush v8, $0xF;
	[tilespmem:s8+$0x8700] =	vst.msk vm4, v7;
	v5, _, _ =	vpop (xrf0)  }
0x6c: {  	(v2sf) =	vpush v5, $0xF;
	v5 =	vld [tilespmem:$0x7F80];
	_ =	sdelay $0x1  }
0x6d: {  	v6, _, _ =	vpop (xrf0)  }
0x6e: {  	v6 =	vbroadcast v6, $0xF  }
0x6f: {  	v4 =	vsel vm3, $0x0, v4  }
0x70: {  	(xrf0) =	vadd.scan.msk.s32 $0xffff, v4;
	vm4 =	veq.s32 v6, v5  }
0x71: {  	v4 =	vsel vm4, $0x1, v3  }
0x72: {  	(xrf0) =	vadd.scan.msk.s32 $0xffff, v4;
	_ =	sdelay $0x3  }
0x73: {  	v4, _, _ =	vpop (xrf0)  }
0x74: {  	v4 =	vbroadcast v4, $0xF  }
0x75: {  	v7, _, _ =	vpop (xrf0)  }
0x76: {  	s13 =	spop (v2sf);
	vm5 =	vle.s32 v7, v4  }
0x77: {  	vm14 =	vlt.s32 v6, v5;
	s5 =	spop (v2sf);
	vm4 =	vmand vm4, vm5  }
0x78: {  	s4 =	sadd.s32 s8, s5;
	vm4 =	vmor vm14, vm4  }
0x79: {  	[tilespmem:s4+$0x8080] =	vst.msk vm4, v1  }
0x7a: {  	s6 =	simm.s32 $0x400;
	s5 =	rddreg [dreg:$0x6];
	s8 =	simm.s32 $0x8700;
	[tilespmem:s4+$0x8700] =	vst.msk vm4, v5  }
0x7b: {  	[hbm4b:s5+s11] =	stream.strided.scatter [tilespmem:s8], [sflag:$0x5], $0x600, s6, s11, $0x38;
	[tilespmem:$0x10D80] =	vst v63  }
0x7c: {  	_ =	swait.ge [sflag:s9], $0x600  }
0x7d: {  	[sflag:s9] =	ssyncset.done $0x0  }
0x7e: {  	s13 =	simm.s32 $0x8080;
	[sflag:s9] =	ssyncadd.s32 $0xFFFFFA00  }
0x7f: {  	[tilespmem:s15], [sflag:$0x1] =	stream.indirect.gather [hbm4b:s1+s11], $0x80, s13, s11, $0xb8;
	[tilespmem:$0x10D80] =	vst v63  }
0x80: {  	_ = 	snop  }
0x81: {  	[tilespmem:s18], [sflag:$0x2] =	stream.indirect.gather [hbm4b:s1+s11], $0x80, s17, s11, $0xb8;
	[tilespmem:$0x10D80] =	vst v63  }
0x82: {  	_ =	swait.ge [sflag:s19], $0x4000  }
0x83: {  	[sflag:s19] =	ssyncset.done $0x0  }
0x84: {  	s13 =	simm.s32 $0x0;
	[sflag:s19] =	ssyncadd.s32 $0xFFFFC000  }
0x85: {  	[hbm4b:s7+s13] =	stream.linear.scatter [tilespmem:s15], [sflag:$0x3], $0x4000, $0x38;
	[tilespmem:$0x10D80] =	vst v63  }
0x86: {  	_ =	swait.ge [sflag:s21], $0x4000  }
0x87: {  	[sflag:s21] =	ssyncset.done $0x0  }
0x88: {  	[sflag:s21] =	ssyncadd.s32 $0xFFFFC000  }
0x89: {  	[tilespmem:s15], [sflag:$0x1] =	stream.indirect.gather [hbm4b:s1+s11], $0x80, s22, s11, $0xb8;
	[tilespmem:$0x10D80] =	vst v63  }
0x8a: {  	_ =	swait.ge [sflag:s23], $0x4000  }
0x8b: {  	[sflag:s23] =	ssyncset.done $0x0  }
0x8c: {  	s5 =	rddreg [dreg:$0x7];
	[sflag:s23] =	ssyncadd.s32 $0xFFFFC000  }
0x8d: {  	[hbm4b:s5+s13] =	stream.linear.scatter [tilespmem:s18], [sflag:$0x4], $0x4000, $0x38;
	[tilespmem:$0x10D80] =	vst v63  }
0x8e: {  	_ =	swait.ge [sflag:s24], $0x4000  }
0x8f: {  	[sflag:s24] =	ssyncset.done $0x0  }
0x90: {  	[sflag:s24] =	ssyncadd.s32 $0xFFFFC000  }
0x91: {  	[tilespmem:s18], [sflag:$0x2] =	stream.indirect.gather [hbm4b:s1+s11], $0x80, s25, s11, $0xb8;
	[tilespmem:$0x10D80] =	vst v63  }
0x92: {  	_ =	swait.ge [sflag:s19], $0x4000  }
0x93: {  	[sflag:s19] =	ssyncset.done $0x0  }
0x94: {  	s6 =	rddreg [dreg:$0x8];
	[sflag:s19] =	ssyncadd.s32 $0xFFFFC000  }
0x95: {  	[hbm4b:s6+s13] =	stream.linear.scatter [tilespmem:s15], [sflag:$0x3], $0x4000, $0x38;
	[tilespmem:$0x10D80] =	vst v63  }
0x96: {  	_ =	swait.ge [sflag:s21], $0x4000  }
0x97: {  	[sflag:s21] =	ssyncset.done $0x0  }
0x98: {  	[sflag:s21] =	ssyncadd.s32 $0xFFFFC000  }
0x99: {  	[tilespmem:s15], [sflag:$0x1] =	stream.indirect.gather [hbm4b:s1+s11], $0x80, s26, s11, $0xb8;
	[tilespmem:$0x10D80] =	vst v63  }
0x9a: {  	_ =	swait.ge [sflag:s23], $0x4000  }
0x9b: {  	[sflag:s23] =	ssyncset.done $0x0  }
0x9c: {  	s8 =	rddreg [dreg:$0x9];
	[sflag:s23] =	ssyncadd.s32 $0xFFFFC000  }
0x9d: {  	[hbm4b:s8+s13] =	stream.linear.scatter [tilespmem:s18], [sflag:$0x4], $0x4000, $0x38;
	[tilespmem:$0x10D80] =	vst v63  }
0x9e: {  	_ =	swait.ge [sflag:s24], $0x4000  }
0x9f: {  	[sflag:s24] =	ssyncset.done $0x0  }
0xa0: {  	[sflag:s24] =	ssyncadd.s32 $0xFFFFC000  }
0xa1: {  	[tilespmem:s18], [sflag:$0x2] =	stream.indirect.gather [hbm4b:s1+s11], $0x80, s28, s11, $0xb8;
	[tilespmem:$0x10D80] =	vst v63  }
0xa2: {  	_ =	swait.ge [sflag:s19], $0x4000  }
0xa3: {  	[sflag:s19] =	ssyncset.done $0x0  }
0xa4: {  	s5 =	rddreg [dreg:$0xa];
	[sflag:s19] =	ssyncadd.s32 $0xFFFFC000  }
0xa5: {  	[hbm4b:s5+s13] =	stream.linear.scatter [tilespmem:s15], [sflag:$0x3], $0x4000, $0x38;
	[tilespmem:$0x10D80] =	vst v63  }
0xa6: {  	_ =	swait.ge [sflag:s21], $0x4000  }
0xa7: {  	[sflag:s21] =	ssyncset.done $0x0  }
0xa8: {  	[sflag:s21] =	ssyncadd.s32 $0xFFFFC000  }
0xa9: {  	[tilespmem:s15], [sflag:$0x1] =	stream.indirect.gather [hbm4b:s1+s11], $0x80, s29, s11, $0xb8;
	[tilespmem:$0x10D80] =	vst v63  }
0xaa: {  	_ =	swait.ge [sflag:s23], $0x4000  }
0xab: {  	[sflag:s23] =	ssyncset.done $0x0  }
0xac: {  	s6 =	rddreg [dreg:$0xc];
	[sflag:s23] =	ssyncadd.s32 $0xFFFFC000  }
0xad: {  	[hbm4b:s6+s13] =	stream.linear.scatter [tilespmem:s18], [sflag:$0x4], $0x4000, $0x38;
	[tilespmem:$0x10D80] =	vst v63  }
0xae: {  	_ =	swait.ge [sflag:s24], $0x4000  }
0xaf: {  	[sflag:s24] =	ssyncset.done $0x0  }
0xb0: {  	[sflag:s24] =	ssyncadd.s32 $0xFFFFC000  }
0xb1: {  	[tilespmem:s18], [sflag:$0x2] =	stream.indirect.gather [hbm4b:s1+s11], $0x80, s30, s11, $0xb8;
	[tilespmem:$0x10D80] =	vst v63  }
0xb2: {  	_ =	swait.ge [sflag:s19], $0x4000  }
0xb3: {  	[sflag:s19] =	ssyncset.done $0x0  }
0xb4: {  	s8 =	rddreg [dreg:$0xe];
	[sflag:s19] =	ssyncadd.s32 $0xFFFFC000  }
0xb5: {  	[hbm4b:s8+s13] =	stream.linear.scatter [tilespmem:s15], [sflag:$0x3], $0x4000, $0x38;
	[tilespmem:$0x10D80] =	vst v63  }
0xb6: {  	_ =	swait.ge [sflag:s21], $0x4000  }
0xb7: {  	[sflag:s21] =	ssyncset.done $0x0  }
0xb8: {  	[sflag:s21] =	ssyncadd.s32 $0xFFFFC000  }
0xb9: {  	[tilespmem:s15], [sflag:$0x1] =	stream.indirect.gather [hbm4b:s1+s11], $0x80, s10, s11, $0xb8;
	[tilespmem:$0x10D80] =	vst v63  }
0xba: {  	_ =	swait.ge [sflag:s23], $0x4000  }
0xbb: {  	[sflag:s23] =	ssyncset.done $0x0  }
0xbc: {  	s5 =	rddreg [dreg:$0x12];
	[sflag:s23] =	ssyncadd.s32 $0xFFFFC000  }
0xbd: {  	[hbm4b:s5+s13] =	stream.linear.scatter [tilespmem:s18], [sflag:$0x4], $0x4000, $0x38;
	[tilespmem:$0x10D80] =	vst v63  }
0xbe: {  	_ =	swait.ge [sflag:s24], $0x4000  }
0xbf: {  	[sflag:s24] =	ssyncset.done $0x0  }
0xc0: {  	[sflag:s24] =	ssyncadd.s32 $0xFFFFC000  }
0xc1: {  	[tilespmem:s18], [sflag:$0x2] =	stream.indirect.gather [hbm4b:s1+s11], $0x80, s31, s11, $0xb8;
	[tilespmem:$0x10D80] =	vst v63  }
0xc2: {  	_ =	swait.ge [sflag:s19], $0x4000  }
0xc3: {  	[sflag:s19] =	ssyncset.done $0x0  }
0xc4: {  	s6 =	rddreg [dreg:$0x15];
	[sflag:s19] =	ssyncadd.s32 $0xFFFFC000  }
0xc5: {  	[hbm4b:s6+s13] =	stream.linear.scatter [tilespmem:s15], [sflag:$0x3], $0x4000, $0x38;
	[tilespmem:$0x10D80] =	vst v63  }
0xc6: {  	_ =	swait.ge [sflag:s21], $0x4000  }
0xc7: {  	[sflag:s21] =	ssyncset.done $0x0  }
0xc8: {  	[sflag:s21] =	ssyncadd.s32 $0xFFFFC000  }
0xc9: {  	[tilespmem:s15], [sflag:$0x1] =	stream.indirect.gather [hbm4b:s1+s11], $0x80, s0, s11, $0xb8;
	[tilespmem:$0x10D80] =	vst v63  }
0xca: {  	_ =	swait.ge [sflag:s23], $0x4000  }
0xcb: {  	[sflag:s23] =	ssyncset.done $0x0  }
0xcc: {  	s8 =	rddreg [dreg:$0x16];
	[sflag:s23] =	ssyncadd.s32 $0xFFFFC000  }
0xcd: {  	[hbm4b:s8+s13] =	stream.linear.scatter [tilespmem:s18], [sflag:$0x4], $0x4000, $0x38;
	[tilespmem:$0x10D80] =	vst v63  }
0xce: {  	_ =	swait.ge [sflag:s24], $0x4000  }
0xcf: {  	[sflag:s24] =	ssyncset.done $0x0  }
0xd0: {  	[sflag:s24] =	ssyncadd.s32 $0xFFFFC000  }
0xd1: {  	[tilespmem:s18], [sflag:$0x2] =	stream.indirect.gather [hbm4b:s1+s11], $0x80, s12, s11, $0xb8;
	[tilespmem:$0x10D80] =	vst v63  }
0xd2: {  	_ =	swait.ge [sflag:s19], $0x4000  }
0xd3: {  	[sflag:s19] =	ssyncset.done $0x0  }
0xd4: {  	s5 =	rddreg [dreg:$0x17];
	[sflag:s19] =	ssyncadd.s32 $0xFFFFC000  }
0xd5: {  	[hbm4b:s5+s13] =	stream.linear.scatter [tilespmem:s15], [sflag:$0x3], $0x4000, $0x38;
	[tilespmem:$0x10D80] =	vst v63  }
0xd6: {  	_ =	swait.ge [sflag:s23], $0x4000  }
0xd7: {  	[sflag:s23] =	ssyncset.done $0x0  }
0xd8: {  	s6 =	rddreg [dreg:$0x18];
	[sflag:s23] =	ssyncadd.s32 $0xFFFFC000  }
0xd9: {  	[hbm4b:s6+s13] =	stream.linear.scatter [tilespmem:s18], [sflag:$0x4], $0x4000, $0x38;
	[tilespmem:$0x10D80] =	vst v63  }
0xda: {  	_ =	swait.ge [sflag:s21], $0x4000  }
0xdb: {  	[sflag:s21] =	ssyncset.done $0x0  }
0xdc: {  	[sflag:s21] =	ssyncadd.s32 $0xFFFFC000  }
0xdd: {  	_ =	swait.ge [sflag:s24], $0x4000  }
0xde: {  	[sflag:s24] =	ssyncset.done $0x0  }
0xdf: {  	s8 =	rddreg [dreg:$0x13];
	[sflag:s24] =	ssyncadd.s32 $0xFFFFC000  }
0xe0: {  	[tilespmem:s13], [sflag:$0x5] =	stream.linear.gather [hbm4b:s8+s13], $0x8000, $0x38;
	[tilespmem:$0x10D80] =	vst v63  }
0xe1: {  	_ =	swait.ge [sflag:s9], $0x8000  }
0xe2: {  	[sflag:s9] =	ssyncset.done $0x0  }
0xe3: {  	s6 =	simm.s32 $0x8000;
	s5 =	rddreg [dreg:$0xb];
	[sflag:s9] =	ssyncadd.s32 $0xFFFF8000  }
0xe4: {  	[tilespmem:s6], [sflag:$0x5] =	stream.linear.gather [hbm4b:s5+s13], $0x80, $0x38;
	[tilespmem:$0x10D80] =	vst v63  }
0xe5: {  	_ =	swait.ge [sflag:s9], $0x80  }
0xe6: {  	[sflag:s9] =	ssyncset.done $0x0  }
0xe7: {  	[sflag:s9] =	ssyncadd.s32 $0xFFFFFF80  }
0xe8: {  	v4 =	vld [tilespmem:$0x8000];
	_ =	sdelay $0x4  }
0xe9: {  	v5 =	vnsel vm0, $0x0, v4  }
0xea: {  	(xrf0) =	vadd.scan.msk.s32 $0xffff, v5;
	_ =	sdelay $0x2  }
0xeb: {  	s8 =	simm.s32 $0x0  }
0xec: {  	v7 =	vld [tilespmem:s8+$0x0];
	_ =	sdelay $0x1  }
0xed: {  	v5, _, _ =	vpop (xrf0)  }
0xee: {  	v5 =	vbroadcast v5, $0xF;
	_ =	sdelay $0x1  }
0xef: {  	v6 =	vsel vm1, $0x0, v4;
	vm4 =	veq.s32 v5, v7  }
0xf0: {  	(xrf0) =	vadd.scan.msk.s32 $0xffff, v6;
	v6 =	vsel vm4, $0x1, v3  }
0xf1: {  	(xrf0) =	vadd.scan.msk.s32 $0xffff, v6;
	_ =	sdelay $0x4  }
0xf2: {  	v6, _, _ =	vpop (xrf0)  }
0xf3: {  	v6 =	vbroadcast v6, $0xF;
	v8, _, _ =	vpop (xrf0)  }
0xf4: {  	v61 =	vadd.s32 s13, v8;
	(v2sf) =	vpush v8, $0xF  }
0xf5: {  	vm5 =	vle.s32 v61, v6  }
0xf6: {  	vm15 =	vlt.s32 v5, v7;
	vm4 =	vmand vm4, vm5  }
0xf7: {  	vm4 =	vmor vm15, vm4  }
0xf8: {  	v63 =	vsel vm4, $0x1, v3  }
0xf9: {  	(xrf0) =	vadd.scan.msk.s32 $0xffff, v63  }
0xfa: {  	v62 =	vor.u32 s14, v0  }
0xfb: {  	s4 =	simm.s32 $0x0;
	[tilespmem:s13+$0x8080] =	vst.msk vm4, v62  }
0xfc: {  	s6 =	simm.s32 $0x80;
	s5 =	simm.s32 $0x400;
	s8 =	smov.u32 s14;
	[tilespmem:s13+$0x8700] =	vst.msk vm4, v7  }
.LBB2_4:
0xfd: {  	p0 =	sne.s32 s5, $0x1FC00;
	v7 =	vld [tilespmem:s6+$0x0];
	_ =	sdelay $0x1  }
0xfe: {  	v8, _, _ =	vpop (xrf0)  }
0xff: {  	(v2sf) =	vpush v8, $0xF;
	_ =	sdelay $0x1  }
0x100: {  	vm4 =	vlt.s32 v5, v7;
	vm5 =	veq.s32 v5, v7  }
0x101: {  	v8 =	vsel vm5, $0x1, v3;
	s6 =	spop (v2sf)  }
0x102: {  	(xrf0) =	vadd.scan.msk.s32 $0xffff, v8;
	s13 =	sadd.s32 s13, s6;
	_ =	sdelay $0x5  }
0x103: {  	v8, _, _ =	vpop (xrf0)  }
0x104: {  	v9 =	vadd.s32 s13, v8;
	(v2sf) =	vpush v8, $0xF  }
0x105: {  	vm6 =	vle.s32 v9, v6  }
0x106: {  	vm5 =	vmand vm5, vm6  }
0x107: {  	vm4 =	vmor vm4, vm5  }
.Ltmp1:
0x108: {  	s8 =	sadd.s32 $0x10, s8;
	v8 =	vsel vm4, $0x1, v3;
	s6 =	spop (v2sf);
	(pc) =	sbr.rel @p0 .LBB2_4-.Ltmp1, $4  }
0x109: {  	v9 =	vor.u32 s8, v0;
	(xrf0) =	vadd.scan.msk.s32 $0xffff, v8;
	s4 =	sadd.s32 s4, s6  }
0x10a: {  	[tilespmem:s4+$0x8080] =	vst.msk vm4, v9  }
0x10b: {  	[tilespmem:s4+$0x8700] =	vst.msk vm4, v7  }
0x10c: {  	s6 =	sshra.s32 s5, $0x2;
	s5 =	sadd.s32 $0x200, s5  }
0x10d: {  	v7 =	vld [tilespmem:s6+$0x0];
	_ =	sdelay $0x4  }
0x10e: {  	vm4 =	veq.s32 v5, v7  }
0x10f: {  	v8, _, _ =	vpop (xrf0);
	v9 =	vsel vm4, $0x1, v3  }
0x110: {  	(v2sf) =	vpush v8, $0xF;
	(xrf0) =	vadd.scan.msk.s32 $0xffff, v9;
	_ =	sdelay $0x4  }
0x111: {  	s5 =	spop (v2sf)  }
0x112: {  	s5 =	sadd.s32 s13, s5;
	v60, _, _ =	vpop (xrf0)  }
0x113: {  	v61 =	vadd.s32 s5, v60  }
0x114: {  	vm5 =	vle.s32 v61, v6  }
0x115: {  	vm6 =	vlt.s32 v5, v7;
	vm4 =	vmand vm4, vm5  }
0x116: {  	vm4 =	vmor vm6, vm4  }
0x117: {  	v5 =	vsel vm4, $0x1, v3  }
0x118: {  	(xrf0) =	vadd.scan.msk.s32 $0xffff, v5;
	_ =	sdelay $0x1  }
0x119: {  	s6 =	sadd.s32 $0x10, s8;
	v5 =	vsel vm2, $0x0, v4  }
0x11a: {  	s8 =	spop (v2sf);
	(xrf0) =	vadd.scan.msk.s32 $0xffff, v5;
	v5 =	vor.u32 s6, v0  }
0x11b: {  	s4 =	sadd.s32 s4, s8  }
0x11c: {  	[tilespmem:s4+$0x8080] =	vst.msk vm4, v5  }
0x11d: {  	(v2sf) =	vpush v60, $0xF;
	[tilespmem:s4+$0x8700] =	vst.msk vm4, v7;
	v5, _, _ =	vpop (xrf0)  }
0x11e: {  	(v2sf) =	vpush v5, $0xF;
	v5 =	vld [tilespmem:$0x7F80];
	_ =	sdelay $0x1  }
0x11f: {  	v62, _, _ =	vpop (xrf0)  }
0x120: {  	v6 =	vbroadcast v62, $0xF  }
0x121: {  	v4 =	vsel vm3, $0x0, v4  }
0x122: {  	(xrf0) =	vadd.scan.msk.s32 $0xffff, v4;
	vm4 =	veq.s32 v6, v5  }
0x123: {  	v4 =	vsel vm4, $0x1, v3  }
0x124: {  	(xrf0) =	vadd.scan.msk.s32 $0xffff, v4;
	_ =	sdelay $0x3  }
0x125: {  	v4, _, _ =	vpop (xrf0)  }
0x126: {  	v4 =	vbroadcast v4, $0xF  }
0x127: {  	v63, _, _ =	vpop (xrf0)  }
0x128: {  	s13 =	spop (v2sf);
	vm5 =	vle.s32 v63, v4  }
0x129: {  	vm15 =	vlt.s32 v6, v5;
	s5 =	spop (v2sf);
	vm4 =	vmand vm4, vm5  }
0x12a: {  	s4 =	sadd.s32 s4, s5;
	vm4 =	vmor vm15, vm4  }
0x12b: {  	[tilespmem:s4+$0x8080] =	vst.msk vm4, v2  }
0x12c: {  	s8 =	simm.s32 $0x8700;
	s6 =	simm.s32 $0x400;
	s5 =	rddreg [dreg:$0xd];
	[tilespmem:s4+$0x8700] =	vst.msk vm4, v5  }
0x12d: {  	[hbm4b:s5+s11] =	stream.strided.scatter [tilespmem:s8], [sflag:$0x5], $0x600, s6, s11, $0x38;
	[tilespmem:$0x10D80] =	vst v63  }
0x12e: {  	_ =	swait.ge [sflag:s9], $0x600  }
0x12f: {  	[sflag:s9] =	ssyncset.done $0x0  }
0x130: {  	s13 =	simm.s32 $0x8080;
	[sflag:s9] =	ssyncadd.s32 $0xFFFFFA00  }
0x131: {  	[tilespmem:s15], [sflag:$0x1] =	stream.indirect.gather [hbm4b:s1+s11], $0x80, s13, s11, $0xb8;
	[tilespmem:$0x10D80] =	vst v63  }
0x132: {  	_ = 	snop  }
0x133: {  	[tilespmem:s18], [sflag:$0x2] =	stream.indirect.gather [hbm4b:s1+s11], $0x80, s17, s11, $0xb8;
	[tilespmem:$0x10D80] =	vst v63  }
0x134: {  	_ =	swait.ge [sflag:s19], $0x4000  }
0x135: {  	[sflag:s19] =	ssyncset.done $0x0  }
0x136: {  	[sflag:s19] =	ssyncadd.s32 $0xFFFFC000  }
0x137: {  	[hbm4b:s16+s2] =	stream.linear.scatter [tilespmem:s15], [sflag:$0x3], $0x4000, $0x38;
	[tilespmem:$0x10D80] =	vst v63  }
0x138: {  	_ =	swait.ge [sflag:s21], $0x4000  }
0x139: {  	[sflag:s21] =	ssyncset.done $0x0  }
0x13a: {  	[sflag:s21] =	ssyncadd.s32 $0xFFFFC000  }
0x13b: {  	[tilespmem:s15], [sflag:$0x1] =	stream.indirect.gather [hbm4b:s1+s11], $0x80, s22, s11, $0xb8;
	[tilespmem:$0x10D80] =	vst v63  }
0x13c: {  	_ =	swait.ge [sflag:s23], $0x4000  }
0x13d: {  	[sflag:s23] =	ssyncset.done $0x0  }
0x13e: {  	s5 =	rddreg [dreg:$0xf];
	[sflag:s23] =	ssyncadd.s32 $0xFFFFC000  }
0x13f: {  	[hbm4b:s5+s2] =	stream.linear.scatter [tilespmem:s18], [sflag:$0x4], $0x4000, $0x38;
	[tilespmem:$0x10D80] =	vst v63  }
0x140: {  	_ =	swait.ge [sflag:s24], $0x4000  }
0x141: {  	[sflag:s24] =	ssyncset.done $0x0  }
0x142: {  	[sflag:s24] =	ssyncadd.s32 $0xFFFFC000  }
0x143: {  	[tilespmem:s18], [sflag:$0x2] =	stream.indirect.gather [hbm4b:s1+s11], $0x80, s25, s11, $0xb8;
	[tilespmem:$0x10D80] =	vst v63  }
0x144: {  	_ =	swait.ge [sflag:s19], $0x4000  }
0x145: {  	[sflag:s19] =	ssyncset.done $0x0  }
0x146: {  	s6 =	rddreg [dreg:$0x10];
	[sflag:s19] =	ssyncadd.s32 $0xFFFFC000  }
0x147: {  	[hbm4b:s6+s2] =	stream.linear.scatter [tilespmem:s15], [sflag:$0x3], $0x4000, $0x38;
	[tilespmem:$0x10D80] =	vst v63  }
0x148: {  	_ =	swait.ge [sflag:s21], $0x4000  }
0x149: {  	[sflag:s21] =	ssyncset.done $0x0  }
0x14a: {  	[sflag:s21] =	ssyncadd.s32 $0xFFFFC000  }
0x14b: {  	[tilespmem:s15], [sflag:$0x1] =	stream.indirect.gather [hbm4b:s1+s11], $0x80, s26, s11, $0xb8;
	[tilespmem:$0x10D80] =	vst v63  }
0x14c: {  	_ =	swait.ge [sflag:s23], $0x4000  }
0x14d: {  	[sflag:s23] =	ssyncset.done $0x0  }
0x14e: {  	s8 =	rddreg [dreg:$0x11];
	[sflag:s23] =	ssyncadd.s32 $0xFFFFC000  }
0x14f: {  	[hbm4b:s8+s2] =	stream.linear.scatter [tilespmem:s18], [sflag:$0x4], $0x4000, $0x38;
	[tilespmem:$0x10D80] =	vst v63  }
0x150: {  	_ =	swait.ge [sflag:s24], $0x4000  }
0x151: {  	[sflag:s24] =	ssyncset.done $0x0  }
0x152: {  	[sflag:s24] =	ssyncadd.s32 $0xFFFFC000  }
0x153: {  	[tilespmem:s18], [sflag:$0x2] =	stream.indirect.gather [hbm4b:s1+s11], $0x80, s28, s11, $0xb8;
	[tilespmem:$0x10D80] =	vst v63  }
0x154: {  	_ =	swait.ge [sflag:s19], $0x4000  }
0x155: {  	[sflag:s19] =	ssyncset.done $0x0  }
0x156: {  	s13 =	rddreg [dreg:$0x19];
	[sflag:s19] =	ssyncadd.s32 $0xFFFFC000  }
0x157: {  	[hbm4b:s13+s2] =	stream.linear.scatter [tilespmem:s15], [sflag:$0x3], $0x4000, $0x38;
	[tilespmem:$0x10D80] =	vst v63  }
0x158: {  	_ =	swait.ge [sflag:s21], $0x4000  }
0x159: {  	[sflag:s21] =	ssyncset.done $0x0  }
0x15a: {  	[sflag:s21] =	ssyncadd.s32 $0xFFFFC000  }
0x15b: {  	[tilespmem:s15], [sflag:$0x1] =	stream.indirect.gather [hbm4b:s1+s11], $0x80, s29, s11, $0xb8;
	[tilespmem:$0x10D80] =	vst v63  }
0x15c: {  	_ =	swait.ge [sflag:s23], $0x4000  }
0x15d: {  	[sflag:s23] =	ssyncset.done $0x0  }
0x15e: {  	s5 =	rddreg [dreg:$0x1a];
	[sflag:s23] =	ssyncadd.s32 $0xFFFFC000  }
0x15f: {  	[hbm4b:s5+s2] =	stream.linear.scatter [tilespmem:s18], [sflag:$0x4], $0x4000, $0x38;
	[tilespmem:$0x10D80] =	vst v63  }
0x160: {  	_ =	swait.ge [sflag:s24], $0x4000  }
0x161: {  	[sflag:s24] =	ssyncset.done $0x0  }
0x162: {  	[sflag:s24] =	ssyncadd.s32 $0xFFFFC000  }
0x163: {  	[tilespmem:s18], [sflag:$0x2] =	stream.indirect.gather [hbm4b:s1+s11], $0x80, s30, s11, $0xb8;
	[tilespmem:$0x10D80] =	vst v63  }
0x164: {  	_ =	swait.ge [sflag:s19], $0x4000  }
0x165: {  	[sflag:s19] =	ssyncset.done $0x0  }
0x166: {  	s6 =	rddreg [dreg:$0x1b];
	[sflag:s19] =	ssyncadd.s32 $0xFFFFC000  }
0x167: {  	[hbm4b:s6+s2] =	stream.linear.scatter [tilespmem:s15], [sflag:$0x3], $0x4000, $0x38;
	[tilespmem:$0x10D80] =	vst v63  }
0x168: {  	_ =	swait.ge [sflag:s21], $0x4000  }
0x169: {  	[sflag:s21] =	ssyncset.done $0x0  }
0x16a: {  	[sflag:s21] =	ssyncadd.s32 $0xFFFFC000  }
0x16b: {  	[tilespmem:s15], [sflag:$0x1] =	stream.indirect.gather [hbm4b:s1+s11], $0x80, s10, s11, $0xb8;
	[tilespmem:$0x10D80] =	vst v63  }
0x16c: {  	_ =	swait.ge [sflag:s23], $0x4000  }
0x16d: {  	[sflag:s23] =	ssyncset.done $0x0  }
0x16e: {  	s8 =	rddreg [dreg:$0x1c];
	[sflag:s23] =	ssyncadd.s32 $0xFFFFC000  }
0x16f: {  	[hbm4b:s8+s2] =	stream.linear.scatter [tilespmem:s18], [sflag:$0x4], $0x4000, $0x38;
	[tilespmem:$0x10D80] =	vst v63  }
0x170: {  	_ =	swait.ge [sflag:s24], $0x4000  }
0x171: {  	[sflag:s24] =	ssyncset.done $0x0  }
0x172: {  	[sflag:s24] =	ssyncadd.s32 $0xFFFFC000  }
0x173: {  	[tilespmem:s18], [sflag:$0x2] =	stream.indirect.gather [hbm4b:s1+s11], $0x80, s31, s11, $0xb8;
	[tilespmem:$0x10D80] =	vst v63  }
0x174: {  	_ =	swait.ge [sflag:s19], $0x4000  }
0x175: {  	[sflag:s19] =	ssyncset.done $0x0  }
0x176: {  	s13 =	rddreg [dreg:$0x1d];
	[sflag:s19] =	ssyncadd.s32 $0xFFFFC000  }
0x177: {  	[hbm4b:s13+s2] =	stream.linear.scatter [tilespmem:s15], [sflag:$0x3], $0x4000, $0x38;
	[tilespmem:$0x10D80] =	vst v63  }
0x178: {  	_ =	swait.ge [sflag:s21], $0x4000  }
0x179: {  	[sflag:s21] =	ssyncset.done $0x0  }
0x17a: {  	[sflag:s21] =	ssyncadd.s32 $0xFFFFC000  }
0x17b: {  	[tilespmem:s15], [sflag:$0x1] =	stream.indirect.gather [hbm4b:s1+s11], $0x80, s0, s11, $0xb8;
	[tilespmem:$0x10D80] =	vst v63  }
0x17c: {  	_ =	swait.ge [sflag:s23], $0x4000  }
0x17d: {  	[sflag:s23] =	ssyncset.done $0x0  }
0x17e: {  	s5 =	rddreg [dreg:$0x1e];
	[sflag:s23] =	ssyncadd.s32 $0xFFFFC000  }
0x17f: {  	[hbm4b:s5+s2] =	stream.linear.scatter [tilespmem:s18], [sflag:$0x4], $0x4000, $0x38;
	[tilespmem:$0x10D80] =	vst v63  }
0x180: {  	_ =	swait.ge [sflag:s24], $0x4000  }
0x181: {  	[sflag:s24] =	ssyncset.done $0x0  }
0x182: {  	[sflag:s24] =	ssyncadd.s32 $0xFFFFC000  }
0x183: {  	[tilespmem:s18], [sflag:$0x2] =	stream.indirect.gather [hbm4b:s1+s11], $0x80, s12, s11, $0xb8;
	[tilespmem:$0x10D80] =	vst v63  }
0x184: {  	_ =	swait.ge [sflag:s19], $0x4000  }
0x185: {  	[sflag:s19] =	ssyncset.done $0x0  }
0x186: {  	s6 =	rddreg [dreg:$0x1f];
	[sflag:s19] =	ssyncadd.s32 $0xFFFFC000  }
0x187: {  	[hbm4b:s6+s2] =	stream.linear.scatter [tilespmem:s15], [sflag:$0x3], $0x4000, $0x38;
	[tilespmem:$0x10D80] =	vst v63  }
0x188: {  	_ =	swait.ge [sflag:s23], $0x4000  }
0x189: {  	s8 =	sld [smem:$0x7FD]  }
0x18a: {  	[sflag:s23] =	ssyncset.done $0x0  }
0x18b: {  	[sflag:s23] =	ssyncadd.s32 $0xFFFFC000  }
0x18c: {  	[hbm4b:s8+s2] =	stream.linear.scatter [tilespmem:s18], [sflag:$0x4], $0x4000, $0x38;
	[tilespmem:$0x10D80] =	vst v63  }
0x18d: {  	_ =	swait.ge [sflag:s21], $0x4000  }
0x18e: {  	[sflag:s21] =	ssyncset.done $0x0  }
0x18f: {  	[sflag:s21] =	ssyncadd.s32 $0xFFFFC000  }
0x190: {  	_ =	swait.ge [sflag:s24], $0x4000  }
0x191: {  	s3 =	sadd.s32 $0x1, s3;
	s13 =	rddreg [dreg:$0x14]  }
0x192: {  	p0 =	sne.s32 s3, s13  }
.Ltmp2:
0x193: {  	_ = 	snop;
	(pc) =	sbr.rel @p0 .LBB2_1-.Ltmp2, $3  }
0x194: {  	_ =	sdelay $0x1  }
0x195: {  	[sflag:s24] =	ssyncset.done $0x0  }
0x196: {  	[sflag:s24] =	ssyncadd.s32 $0xFFFFC000  }
0x197: {  	_ =	sfence.sel $0x180000  }
0x198: {  	[bflag:$0x0] =	sbarrier.arrive $0xFFFF  }
0x199: {  	_ =	strace $0x90000047  }
0x19a: {  	s0 =	stileid.u32;
	[bflag:$0x2] =	sbarrier.arrive $0xFFFF  }
0x19b: {  	p0 =	sne.s32 s0, $0x0;
	s0 =	rddreg [dreg:$0x3]  }
0x19c: {  	s0 =	sadd.s32 @!p0 $0x100000, s0  }
0x19d: {  	[sflag:s0] =	ssyncadd.tile.s32 @!p0 $0x1;
	_ =	shalt  }
.Lfunc_end2:
_tile_overlayer_lowered:
.L_overlay_start_2:
0x19e: {  	(tag) =	ssettag $0x2  }
0x19f: {  	s0 =	rddreg [dreg:$0x0];
	s2 =	stileid.u32  }
0x1a0: {  	s1 =	rddreg [dreg:$0x1];
	p0 =	sne.s32 s2, $0x0  }
0x1a1: {  	s3 =	rddreg [dreg:$0x2];
	[bflag:$0x3] =	sbarrier.arrive $0xFFFF;
	s2 =	simm.s32 @!p0 $0x1C05  }
0x1a2: {  	[timem:s3], [sflag:s2] =	dma.local @!p0 [hbm:s0], s1  }
0x1a3: {  	s0 =	simm.s32 @!p0 $0x5  }
0x1a4: {  	_ =	swait.ge @!p0 [sflag:s0], s1  }
0x1a5: {  	s1 =	ssub.s32 @!p0 $0x0, s1;
	[sflag:s0] =	ssyncset.done @!p0 $0x0  }
0x1a6: {  	[sflag:s0] =	ssyncadd.s32 @!p0 s1  }
0x1a7: {  	[bflag:$0x3] =	sbarrier.arrive $0xFFFF  }
0x1a8: {  	_ =	shalt  }

</sc_bundles>
